<compile_context>
chip_gen: v7x
topology: tpu7x:2x2x1
jax: 0.10.2.dev20260603
libtpu: 0.0.44.dev20260713+nightly
codegen_flags: <defaults>
</compile_context>

<pallas_src>
import jax
import jax.numpy as jnp
from jax import lax
from jax.experimental import pallas as pl
from jax.experimental.pallas import tpu as pltpu
from jax.experimental.pallas import tpu_sc as plsc

NC = 2
NS = 16
NW = NC * NS
D = 128
DI = 64
B = 320000
EW = B // NW
C = 80
NCHUNK = EW // C


def _body(zu_hbm, zi_hbm, e_hbm, out_hbm,
          idx_u, idx_i, ru0, ri0, ru1, ri1, out_v, sem0, sem1):
    wid = lax.axis_index("s") * NC + lax.axis_index("c")

    pltpu.sync_copy(e_hbm.at[pl.ds(wid * EW, EW)], idx_u)
    pltpu.sync_copy(e_hbm.at[pl.ds(B + wid * EW, EW)], idx_i)

    def issue(c, ru, ri, sem):
        base = c * C
        pltpu.async_copy(zu_hbm.at[idx_u.at[pl.ds(base, C)]], ru, sem)
        pltpu.async_copy(zi_hbm.at[idx_i.at[pl.ds(base, C)]], ri, sem)

    def drain(ru, ri, sem):
        pltpu.make_async_copy(zu_hbm.at[pl.ds(0, C)], ru, sem).wait()
        pltpu.make_async_copy(zu_hbm.at[pl.ds(0, C)], ri, sem).wait()

    lane = lax.iota(jnp.int32, 16)
    lane4 = lane >> 2
    perms = [lane ^ k for k in (1, 2, 4, 8)]
    masks = [(lane & k) == 0 for k in (1, 2)]

    def shuffle(x, st):
        return x.at[perms[st]].get(mode="promise_in_bounds")

    def combine(x, y, st):
        xs = shuffle(x, st)
        ys = shuffle(y, st)
        m = masks[st]
        return jnp.where(m, x, ys) + jnp.where(m, xs, y)

    def compute(c, ru, ri):
        def group_body(g, _):
            def block_body(b, acc):
                ss = []
                for j in range(4):
                    e = g * 16 + b * 4 + j
                    pacc = None
                    for kk in range(4):
                        ub = plsc.bitcast(ru[e, pl.ds(kk * 16, 16)],
                                          jnp.bfloat16)
                        vb = plsc.bitcast(ri[e, pl.ds(kk * 16, 16)],
                                          jnp.bfloat16)
                        pb = ub * vb
                        pacc = pb if pacc is None else pacc + pb
                    pi = plsc.bitcast(pacc, jnp.int32)
                    lo = lax.bitcast_convert_type(pi << 16, jnp.float32)
                    hi = lax.bitcast_convert_type(pi, jnp.float32)
                    ss.append(lo + hi)
                t0 = combine(ss[0], ss[1], 0)
                t1 = combine(ss[2], ss[3], 0)
                t = combine(t0, t1, 1)
                t = t + shuffle(t, 2)
                t = t + shuffle(t, 3)
                return jnp.where(lane4 == b, t, acc)

            acc = lax.fori_loop(0, 4, block_body,
                                jnp.zeros((16,), jnp.float32))
            out_v[pl.ds(c * C + g * 16, 16)] = acc
            return 0

        lax.fori_loop(0, C // 16, group_body, 0)
        for g in range(C // 16):
            x = out_v[pl.ds(c * C + g * 16, 16)]
            out_v[pl.ds(c * C + g * 16, 16)] = 1.0 / (1.0 + jnp.exp(-x))

    issue(0, ru0, ri0, sem0)
    issue(1, ru1, ri1, sem1)

    def pair_body(i, _):
        c0 = 2 * i
        drain(ru0, ri0, sem0)
        compute(c0, ru0, ri0)
        issue(c0 + 2, ru0, ri0, sem0)
        drain(ru1, ri1, sem1)
        compute(c0 + 1, ru1, ri1)
        issue(c0 + 3, ru1, ri1, sem1)
        return 0

    lax.fori_loop(0, (NCHUNK - 3) // 2, pair_body, 0)

    drain(ru0, ri0, sem0)
    compute(NCHUNK - 3, ru0, ri0)
    issue(NCHUNK - 1, ru0, ri0, sem0)
    drain(ru1, ri1, sem1)
    compute(NCHUNK - 2, ru1, ri1)
    drain(ru0, ri0, sem0)
    compute(NCHUNK - 1, ru0, ri0)

    pltpu.sync_copy(out_v, out_hbm.at[pl.ds(wid * EW, EW)])


@jax.jit
def _run(z_user, z_item, edge_index):
    k = pl.kernel(
        _body,
        mesh=plsc.VectorSubcoreMesh(core_axis_name="c", subcore_axis_name="s"),
        compiler_params=pltpu.CompilerParams(use_tc_tiling_on_sc=False, needs_layout_passes=False),
        out_type=jax.ShapeDtypeStruct((B,), jnp.float32),
        scratch_types=[
            pltpu.VMEM((EW,), jnp.int32),
            pltpu.VMEM((EW,), jnp.int32),
            pltpu.VMEM((C, DI), jnp.int32),
            pltpu.VMEM((C, DI), jnp.int32),
            pltpu.VMEM((C, DI), jnp.int32),
            pltpu.VMEM((C, DI), jnp.int32),
            pltpu.VMEM((EW,), jnp.float32),
            pltpu.SemaphoreType.DMA,
            pltpu.SemaphoreType.DMA,
        ],
    )
    return k(z_user, z_item, edge_index)


def _pack_bf16(z):
    zi = jax.lax.bitcast_convert_type(z, jnp.uint32)
    rn = (zi + jnp.uint32(0x7FFF) + ((zi >> 16) & jnp.uint32(1))) >> 16
    packed = rn[:, :DI] | (rn[:, DI:] << 16)
    return jax.lax.bitcast_convert_type(packed, jnp.int32)


def kernel(z_user, z_item, edge_index):
    return _run(_pack_bf16(z_user), _pack_bf16(z_item),
                edge_index.reshape(-1))

# --- scband reference (transcript-rebuilt; emitter-appended) ---
"""Pipeline reference for scband-inner-product-decoder-17875653886576 (READ-ONLY COPY).

The authoritative reference and input builder live on the scoring server;
editing this copy changes nothing except your own understanding.
"""

import jax, jax.numpy as jnp
import numpy as np


def setup_inputs(seed: int = 0) -> dict:
    key = jax.random.key(seed)
    k1, k2, k3 = jax.random.split(key, 3)
    z_user = jax.random.normal(k1, (10000, 128), dtype=jnp.float32)
    z_item = jax.random.normal(k2, (10000, 128), dtype=jnp.float32)
    edge_index = jax.random.randint(k3, (2, 320000), 0, 10000, dtype=jnp.int64 if jax.config.jax_enable_x64 else jnp.int32).astype(jnp.int32)
    return {"z_user": z_user, "z_item": z_item, "edge_index": edge_index}


def reference(z_user, z_item, edge_index):
    # Gather per-edge user and item embeddings, inner product, sigmoid
    edge_feat_user = jnp.take(z_user, edge_index[0], axis=0)
    edge_feat_item = jnp.take(z_item, edge_index[1], axis=0)
    preds = jnp.sum(edge_feat_user * edge_feat_item, axis=-1)
    preds = jax.nn.sigmoid(preds)
    return preds

if __name__ == "__main__":
    import jax
    _d = setup_inputs()
    print(jax.jit(kernel)(*tuple(_d.values())))

</pallas_src>

<mosaic_0001>
#map = affine_map<(d0, d1) -> (0, 0)>
#map1 = affine_map<(d0, d1) -> (0)>
module attributes {stable_mosaic.version = 14 : i64} {
  func.func @_body(%arg0: i32, %arg1: i32, %arg2: memref<10000x64xi32, #tpu.memory_space<hbm>>, %arg3: memref<10000x64xi32, #tpu.memory_space<hbm>>, %arg4: memref<640000xi32, #tpu.memory_space<hbm>>, %arg5: memref<320000xf32, #tpu.memory_space<hbm>>, %arg6: memref<10000xi32, #tpu.memory_space<vmem>>, %arg7: memref<10000xi32, #tpu.memory_space<vmem>>, %arg8: memref<80x64xi32, #tpu.memory_space<vmem>>, %arg9: memref<80x64xi32, #tpu.memory_space<vmem>>, %arg10: memref<80x64xi32, #tpu.memory_space<vmem>>, %arg11: memref<80x64xi32, #tpu.memory_space<vmem>>, %arg12: memref<10000xf32, #tpu.memory_space<vmem>>, %arg13: memref<!tpu.dma_semaphore, #tpu.memory_space<semaphore_mem>>, %arg14: memref<!tpu.dma_semaphore, #tpu.memory_space<semaphore_mem>>) attributes {dimension_semantics = [#tpu.dimension_semantics<core_parallel>, #tpu.dimension_semantics<subcore_parallel>], iteration_bounds = array<i64: 2, 16>, scalar_prefetch = 0 : i64, scratch_operands = 9 : i64, tpu.core_type = #tpu.core_type<sc_vector_subcore>, window_params = [{transform_indices = #map}, {transform_indices = #map}, {transform_indices = #map1}, {transform_indices = #map1}]} {
    %mul3A = arith.constant 2 : i32
    %mul3A_0 = arith.muli %arg1, %mul3A : i32
    %add3A = arith.addi %mul3A_0, %arg0 : i32
    %mul3A_1 = arith.constant 10000 : i32
    %mul3A_2 = arith.muli %add3A, %mul3A_1 : i32
    "tpu.region"() ({
      %run_scoped3A = tpu.sem_alloc : memref<!tpu.dma_semaphore, #tpu.memory_space<semaphore_mem>>
      %dma_start3A_328 = tpu.memref_slice %arg4[%mul3A_2] : memref<640000xi32, #tpu.memory_space<hbm>> -> memref<10000xi32, #tpu.memory_space<hbm>>
      %dma_start3A_329 = tpu.memref_slice %arg4[%mul3A_2] : memref<640000xi32, #tpu.memory_space<hbm>> -> memref<10000xi32, #tpu.memory_space<hbm>>
      tpu.enqueue_dma source(%dma_start3A_329 : memref<10000xi32, #tpu.memory_space<hbm>>) target(%arg6 : memref<10000xi32, #tpu.memory_space<vmem>>) target_semaphore(%run_scoped3A : memref<!tpu.dma_semaphore, #tpu.memory_space<semaphore_mem>>)
      %dma_wait3A_330 = tpu.memref_slice %arg4[%mul3A_2] : memref<640000xi32, #tpu.memory_space<hbm>> -> memref<10000xi32, #tpu.memory_space<hbm>>
      %dma_wait3A_331 = tpu.memref_slice %arg4[%mul3A_2] : memref<640000xi32, #tpu.memory_space<hbm>> -> memref<10000xi32, #tpu.memory_space<hbm>>
      tpu.wait_dma2 semaphore(%run_scoped3A : memref<!tpu.dma_semaphore, #tpu.memory_space<semaphore_mem>>) src(%dma_wait3A_331 : memref<10000xi32, #tpu.memory_space<hbm>>) dst(%arg6 : memref<10000xi32, #tpu.memory_space<vmem>>)
      tpu.yield
    }) : () -> ()
    %mul3A_3 = arith.constant 10000 : i32
    %mul3A_4 = arith.muli %add3A, %mul3A_3 : i32
    %add3A_5 = arith.constant 320000 : i32
    %add3A_6 = arith.addi %add3A_5, %mul3A_4 : i32
    "tpu.region"() ({
      %run_scoped3A = tpu.sem_alloc : memref<!tpu.dma_semaphore, #tpu.memory_space<semaphore_mem>>
      %dma_start3A_328 = tpu.memref_slice %arg4[%add3A_6] : memref<640000xi32, #tpu.memory_space<hbm>> -> memref<10000xi32, #tpu.memory_space<hbm>>
      %dma_start3A_329 = tpu.memref_slice %arg4[%add3A_6] : memref<640000xi32, #tpu.memory_space<hbm>> -> memref<10000xi32, #tpu.memory_space<hbm>>
      tpu.enqueue_dma source(%dma_start3A_329 : memref<10000xi32, #tpu.memory_space<hbm>>) target(%arg7 : memref<10000xi32, #tpu.memory_space<vmem>>) target_semaphore(%run_scoped3A : memref<!tpu.dma_semaphore, #tpu.memory_space<semaphore_mem>>)
      %dma_wait3A_330 = tpu.memref_slice %arg4[%add3A_6] : memref<640000xi32, #tpu.memory_space<hbm>> -> memref<10000xi32, #tpu.memory_space<hbm>>
      %dma_wait3A_331 = tpu.memref_slice %arg4[%add3A_6] : memref<640000xi32, #tpu.memory_space<hbm>> -> memref<10000xi32, #tpu.memory_space<hbm>>
      tpu.wait_dma2 semaphore(%run_scoped3A : memref<!tpu.dma_semaphore, #tpu.memory_space<semaphore_mem>>) src(%dma_wait3A_331 : memref<10000xi32, #tpu.memory_space<hbm>>) dst(%arg7 : memref<10000xi32, #tpu.memory_space<vmem>>)
      tpu.yield
    }) : () -> ()
    %iota3A = tpu.iota {dimensions = array<i32: 0>} : vector<16xi32>
    %shift_right_arithmetic3A = arith.constant 2 : i32
    %shift_right_arithmetic3A_7 = vector.broadcast %shift_right_arithmetic3A : i32 to vector<16xi32>
    %shift_right_arithmetic3A_8 = arith.shrsi %iota3A, %shift_right_arithmetic3A_7 : vector<16xi32>
    %xor3A = arith.constant 1 : i32
    %xor3A_9 = vector.broadcast %xor3A : i32 to vector<16xi32>
    %xor3A_10 = arith.xori %iota3A, %xor3A_9 : vector<16xi32>
    %xor3A_11 = arith.constant 2 : i32
    %xor3A_12 = vector.broadcast %xor3A_11 : i32 to vector<16xi32>
    %xor3A_13 = arith.xori %iota3A, %xor3A_12 : vector<16xi32>
    %xor3A_14 = arith.constant 4 : i32
    %xor3A_15 = vector.broadcast %xor3A_14 : i32 to vector<16xi32>
    %xor3A_16 = arith.xori %iota3A, %xor3A_15 : vector<16xi32>
    %xor3A_17 = arith.constant 8 : i32
    %xor3A_18 = vector.broadcast %xor3A_17 : i32 to vector<16xi32>
    %xor3A_19 = arith.xori %iota3A, %xor3A_18 : vector<16xi32>
    %and3A = arith.constant 1 : i32
    %and3A_20 = vector.broadcast %and3A : i32 to vector<16xi32>
    %and3A_21 = arith.andi %iota3A, %and3A_20 : vector<16xi32>
    %eq3A = arith.constant 0 : i32
    %eq3A_22 = vector.broadcast %eq3A : i32 to vector<16xi32>
    %eq3A_23 = arith.cmpi eq, %and3A_21, %eq3A_22 : vector<16xi32>
    %and3A_24 = arith.constant 2 : i32
    %and3A_25 = vector.broadcast %and3A_24 : i32 to vector<16xi32>
    %and3A_26 = arith.andi %iota3A, %and3A_25 : vector<16xi32>
    %eq3A_27 = arith.constant 0 : i32
    %eq3A_28 = vector.broadcast %eq3A_27 : i32 to vector<16xi32>
    %eq3A_29 = arith.cmpi eq, %and3A_26, %eq3A_28 : vector<16xi32>
    %dma_start3A = arith.constant 0 : i32
    %dma_start3A_30 = tpu.memref_slice %arg6[%dma_start3A] : memref<10000xi32, #tpu.memory_space<vmem>> -> memref<80xi32, #tpu.memory_space<vmem>>
    %dma_start3A_31 = arith.constant 0 : i32
    %dma_start3A_32 = arith.constant 0 : i32
    %dma_start3A_33 = tpu.memref_slice %arg2[%dma_start3A_31, %dma_start3A_32] : memref<10000x64xi32, #tpu.memory_space<hbm>> -> memref<10000x64xi32, #tpu.memory_space<hbm>>
    tpu.enqueue_indirect_dma source(%dma_start3A_33 : memref<10000x64xi32, #tpu.memory_space<hbm>>) target(%arg8 : memref<80x64xi32, #tpu.memory_space<vmem>>) offsets(%dma_start3A_30 : memref<80xi32, #tpu.memory_space<vmem>>) semaphore(%arg13 : memref<!tpu.dma_semaphore, #tpu.memory_space<semaphore_mem>>)
    %dma_start3A_34 = arith.constant 0 : i32
    %dma_start3A_35 = tpu.memref_slice %arg7[%dma_start3A_34] : memref<10000xi32, #tpu.memory_space<vmem>> -> memref<80xi32, #tpu.memory_space<vmem>>
    %dma_start3A_36 = arith.constant 0 : i32
    %dma_start3A_37 = arith.constant 0 : i32
    %dma_start3A_38 = tpu.memref_slice %arg3[%dma_start3A_36, %dma_start3A_37] : memref<10000x64xi32, #tpu.memory_space<hbm>> -> memref<10000x64xi32, #tpu.memory_space<hbm>>
    tpu.enqueue_indirect_dma source(%dma_start3A_38 : memref<10000x64xi32, #tpu.memory_space<hbm>>) target(%arg9 : memref<80x64xi32, #tpu.memory_space<vmem>>) offsets(%dma_start3A_35 : memref<80xi32, #tpu.memory_space<vmem>>) semaphore(%arg13 : memref<!tpu.dma_semaphore, #tpu.memory_space<semaphore_mem>>)
    %dma_start3A_39 = arith.constant 80 : i32
    %dma_start3A_40 = tpu.memref_slice %arg6[%dma_start3A_39] : memref<10000xi32, #tpu.memory_space<vmem>> -> memref<80xi32, #tpu.memory_space<vmem>>
    %dma_start3A_41 = arith.constant 0 : i32
    %dma_start3A_42 = arith.constant 0 : i32
    %dma_start3A_43 = tpu.memref_slice %arg2[%dma_start3A_41, %dma_start3A_42] : memref<10000x64xi32, #tpu.memory_space<hbm>> -> memref<10000x64xi32, #tpu.memory_space<hbm>>
    tpu.enqueue_indirect_dma source(%dma_start3A_43 : memref<10000x64xi32, #tpu.memory_space<hbm>>) target(%arg10 : memref<80x64xi32, #tpu.memory_space<vmem>>) offsets(%dma_start3A_40 : memref<80xi32, #tpu.memory_space<vmem>>) semaphore(%arg14 : memref<!tpu.dma_semaphore, #tpu.memory_space<semaphore_mem>>)
    %dma_start3A_44 = arith.constant 80 : i32
    %dma_start3A_45 = tpu.memref_slice %arg7[%dma_start3A_44] : memref<10000xi32, #tpu.memory_space<vmem>> -> memref<80xi32, #tpu.memory_space<vmem>>
    %dma_start3A_46 = arith.constant 0 : i32
    %dma_start3A_47 = arith.constant 0 : i32
    %dma_start3A_48 = tpu.memref_slice %arg3[%dma_start3A_46, %dma_start3A_47] : memref<10000x64xi32, #tpu.memory_space<hbm>> -> memref<10000x64xi32, #tpu.memory_space<hbm>>
    tpu.enqueue_indirect_dma source(%dma_start3A_48 : memref<10000x64xi32, #tpu.memory_space<hbm>>) target(%arg11 : memref<80x64xi32, #tpu.memory_space<vmem>>) offsets(%dma_start3A_45 : memref<80xi32, #tpu.memory_space<vmem>>) semaphore(%arg14 : memref<!tpu.dma_semaphore, #tpu.memory_space<semaphore_mem>>)
    %scan3A = arith.constant 0 : i32
    %scan3A_49 = arith.constant 0 : i32
    %scan3A_50 = arith.constant 61 : i32
    %scan3A_51 = arith.addi %scan3A_49, %scan3A_50 : i32
    %scan3A_52 = arith.constant 1 : i32
    %scan3A_53 = scf.for %scan3A_328 = %scan3A_49 to %scan3A_51 step %scan3A_52 iter_args(%scan3A_329 = %scan3A) -> (i32)  : i32 {
      %mul3A_330 = arith.constant 2 : i32
      %mul3A_331 = arith.muli %mul3A_330, %scan3A_328 : i32
      %dma_wait3A_332 = arith.constant 0 : i32
      %dma_wait3A_333 = arith.constant 0 : i32
      %dma_wait3A_334 = tpu.memref_slice %arg2[%dma_wait3A_332, %dma_wait3A_333] : memref<10000x64xi32, #tpu.memory_space<hbm>> -> memref<80x64xi32, #tpu.memory_space<hbm>>
      %dma_wait3A_335 = arith.constant 0 : i32
      %dma_wait3A_336 = arith.constant 0 : i32
      %dma_wait3A_337 = tpu.memref_slice %arg2[%dma_wait3A_335, %dma_wait3A_336] : memref<10000x64xi32, #tpu.memory_space<hbm>> -> memref<80x64xi32, #tpu.memory_space<hbm>>
      tpu.wait_dma2 semaphore(%arg13 : memref<!tpu.dma_semaphore, #tpu.memory_space<semaphore_mem>>) src(%dma_wait3A_337 : memref<80x64xi32, #tpu.memory_space<hbm>>) dst(%arg8 : memref<80x64xi32, #tpu.memory_space<vmem>>)
      %dma_wait3A_338 = arith.constant 0 : i32
      %dma_wait3A_339 = arith.constant 0 : i32
      %dma_wait3A_340 = tpu.memref_slice %arg2[%dma_wait3A_338, %dma_wait3A_339] : memref<10000x64xi32, #tpu.memory_space<hbm>> -> memref<80x64xi32, #tpu.memory_space<hbm>>
      %dma_wait3A_341 = arith.constant 0 : i32
      %dma_wait3A_342 = arith.constant 0 : i32
      %dma_wait3A_343 = tpu.memref_slice %arg2[%dma_wait3A_341, %dma_wait3A_342] : memref<10000x64xi32, #tpu.memory_space<hbm>> -> memref<80x64xi32, #tpu.memory_space<hbm>>
      tpu.wait_dma2 semaphore(%arg13 : memref<!tpu.dma_semaphore, #tpu.memory_space<semaphore_mem>>) src(%dma_wait3A_343 : memref<80x64xi32, #tpu.memory_space<hbm>>) dst(%arg9 : memref<80x64xi32, #tpu.memory_space<vmem>>)
      %scan3A_344 = arith.constant 0 : i32
      %scan3A_345 = arith.constant 0 : i32
      %scan3A_346 = arith.constant 5 : i32
      %scan3A_347 = arith.addi %scan3A_345, %scan3A_346 : i32
      %scan3A_348 = arith.constant 1 : i32
      %scan3A_349 = scf.for %scan3A_617 = %scan3A_345 to %scan3A_347 step %scan3A_348 iter_args(%scan3A_618 = %scan3A_344) -> (i32)  : i32 {
        %broadcast_in_dim3A = arith.constant 0.000000e+00 : f32
        %broadcast_in_dim3A_619 = vector.broadcast %broadcast_in_dim3A : f32 to vector<16xf32>
        %scan3A_620 = arith.constant 0 : i32
        %scan3A_621 = arith.constant 4 : i32
        %scan3A_622 = arith.addi %scan3A_620, %scan3A_621 : i32
        %scan3A_623 = arith.constant 1 : i32
        %scan3A_624 = scf.for %scan3A_634 = %scan3A_620 to %scan3A_622 step %scan3A_623 iter_args(%scan3A_635 = %broadcast_in_dim3A_619) -> (vector<16xf32>)  : i32 {
          %mul3A_636 = arith.constant 16 : i32
          %mul3A_637 = arith.muli %scan3A_617, %mul3A_636 : i32
          %mul3A_638 = arith.constant 4 : i32
          %mul3A_639 = arith.muli %scan3A_634, %mul3A_638 : i32
          %add3A_640 = arith.addi %mul3A_637, %mul3A_639 : i32
          %add3A_641 = arith.constant 0 : i32
          %add3A_642 = arith.addi %add3A_640, %add3A_641 : i32
          %get3A_643 = arith.index_cast %add3A_642 : i32 to index
          %get3A_644 = arith.constant 0 : index
          %get3A_645 = tpu.vector_load %arg8[%get3A_643, %get3A_644] {strides = array<i32>} : memref<80x64xi32, #tpu.memory_space<vmem>>, vector<16xi32>,
          %bitcast3A = vector.bitcast %get3A_645 : vector<16xi32> to vector<32xbf16>
          %get3A_646 = arith.index_cast %add3A_642 : i32 to index
          %get3A_647 = arith.constant 0 : index
          %get3A_648 = tpu.vector_load %arg9[%get3A_646, %get3A_647] {strides = array<i32>} : memref<80x64xi32, #tpu.memory_space<vmem>>, vector<16xi32>,
          %bitcast3A_649 = vector.bitcast %get3A_648 : vector<16xi32> to vector<32xbf16>
          %mul3A_650 = arith.mulf %bitcast3A, %bitcast3A_649 : vector<32xbf16>
          %get3A_651 = arith.index_cast %add3A_642 : i32 to index
          %get3A_652 = arith.constant 16 : index
          %get3A_653 = tpu.vector_load %arg8[%get3A_651, %get3A_652] {strides = array<i32>} : memref<80x64xi32, #tpu.memory_space<vmem>>, vector<16xi32>,
          %bitcast3A_654 = vector.bitcast %get3A_653 : vector<16xi32> to vector<32xbf16>
          %get3A_655 = arith.index_cast %add3A_642 : i32 to index
          %get3A_656 = arith.constant 16 : index
          %get3A_657 = tpu.vector_load %arg9[%get3A_655, %get3A_656] {strides = array<i32>} : memref<80x64xi32, #tpu.memory_space<vmem>>, vector<16xi32>,
          %bitcast3A_658 = vector.bitcast %get3A_657 : vector<16xi32> to vector<32xbf16>
          %mul3A_659 = arith.mulf %bitcast3A_654, %bitcast3A_658 : vector<32xbf16>
          %add3A_660 = arith.addf %mul3A_650, %mul3A_659 : vector<32xbf16>
          %get3A_661 = arith.index_cast %add3A_642 : i32 to index
          %get3A_662 = arith.constant 32 : index
          %get3A_663 = tpu.vector_load %arg8[%get3A_661, %get3A_662] {strides = array<i32>} : memref<80x64xi32, #tpu.memory_space<vmem>>, vector<16xi32>,
          %bitcast3A_664 = vector.bitcast %get3A_663 : vector<16xi32> to vector<32xbf16>
          %get3A_665 = arith.index_cast %add3A_642 : i32 to index
          %get3A_666 = arith.constant 32 : index
          %get3A_667 = tpu.vector_load %arg9[%get3A_665, %get3A_666] {strides = array<i32>} : memref<80x64xi32, #tpu.memory_space<vmem>>, vector<16xi32>,
          %bitcast3A_668 = vector.bitcast %get3A_667 : vector<16xi32> to vector<32xbf16>
          %mul3A_669 = arith.mulf %bitcast3A_664, %bitcast3A_668 : vector<32xbf16>
          %add3A_670 = arith.addf %add3A_660, %mul3A_669 : vector<32xbf16>
          %get3A_671 = arith.index_cast %add3A_642 : i32 to index
          %get3A_672 = arith.constant 48 : index
          %get3A_673 = tpu.vector_load %arg8[%get3A_671, %get3A_672] {strides = array<i32>} : memref<80x64xi32, #tpu.memory_space<vmem>>, vector<16xi32>,
          %bitcast3A_674 = vector.bitcast %get3A_673 : vector<16xi32> to vector<32xbf16>
          %get3A_675 = arith.index_cast %add3A_642 : i32 to index
          %get3A_676 = arith.constant 48 : index
          %get3A_677 = tpu.vector_load %arg9[%get3A_675, %get3A_676] {strides = array<i32>} : memref<80x64xi32, #tpu.memory_space<vmem>>, vector<16xi32>,
          %bitcast3A_678 = vector.bitcast %get3A_677 : vector<16xi32> to vector<32xbf16>
          %mul3A_679 = arith.mulf %bitcast3A_674, %bitcast3A_678 : vector<32xbf16>
          %add3A_680 = arith.addf %add3A_670, %mul3A_679 : vector<32xbf16>
          %bitcast3A_681 = vector.bitcast %add3A_680 : vector<32xbf16> to vector<16xi32>
          %shift_left3A = arith.constant 16 : i32
          %shift_left3A_682 = vector.broadcast %shift_left3A : i32 to vector<16xi32>
          %shift_left3A_683 = arith.shli %bitcast3A_681, %shift_left3A_682 : vector<16xi32>
          %bitcast_convert_type3A = tpu.bitcast %shift_left3A_683 : vector<16xi32> -> vector<16xf32>
          %bitcast_convert_type3A_684 = tpu.bitcast %bitcast3A_681 : vector<16xi32> -> vector<16xf32>
          %add3A_685 = arith.addf %bitcast_convert_type3A, %bitcast_convert_type3A_684 : vector<16xf32>
          %mul3A_686 = arith.constant 16 : i32
          %mul3A_687 = arith.muli %scan3A_617, %mul3A_686 : i32
          %mul3A_688 = arith.constant 4 : i32
          %mul3A_689 = arith.muli %scan3A_634, %mul3A_688 : i32
          %add3A_690 = arith.addi %mul3A_687, %mul3A_689 : i32
          %add3A_691 = arith.constant 1 : i32
          %add3A_692 = arith.addi %add3A_690, %add3A_691 : i32
          %get3A_693 = arith.index_cast %add3A_692 : i32 to index
          %get3A_694 = arith.constant 0 : index
          %get3A_695 = tpu.vector_load %arg8[%get3A_693, %get3A_694] {strides = array<i32>} : memref<80x64xi32, #tpu.memory_space<vmem>>, vector<16xi32>,
          %bitcast3A_696 = vector.bitcast %get3A_695 : vector<16xi32> to vector<32xbf16>
          %get3A_697 = arith.index_cast %add3A_692 : i32 to index
          %get3A_698 = arith.constant 0 : index
          %get3A_699 = tpu.vector_load %arg9[%get3A_697, %get3A_698] {strides = array<i32>} : memref<80x64xi32, #tpu.memory_space<vmem>>, vector<16xi32>,
          %bitcast3A_700 = vector.bitcast %get3A_699 : vector<16xi32> to vector<32xbf16>
          %mul3A_701 = arith.mulf %bitcast3A_696, %bitcast3A_700 : vector<32xbf16>
          %get3A_702 = arith.index_cast %add3A_692 : i32 to index
          %get3A_703 = arith.constant 16 : index
          %get3A_704 = tpu.vector_load %arg8[%get3A_702, %get3A_703] {strides = array<i32>} : memref<80x64xi32, #tpu.memory_space<vmem>>, vector<16xi32>,
          %bitcast3A_705 = vector.bitcast %get3A_704 : vector<16xi32> to vector<32xbf16>
          %get3A_706 = arith.index_cast %add3A_692 : i32 to index
          %get3A_707 = arith.constant 16 : index
          %get3A_708 = tpu.vector_load %arg9[%get3A_706, %get3A_707] {strides = array<i32>} : memref<80x64xi32, #tpu.memory_space<vmem>>, vector<16xi32>,
          %bitcast3A_709 = vector.bitcast %get3A_708 : vector<16xi32> to vector<32xbf16>
          %mul3A_710 = arith.mulf %bitcast3A_705, %bitcast3A_709 : vector<32xbf16>
          %add3A_711 = arith.addf %mul3A_701, %mul3A_710 : vector<32xbf16>
          %get3A_712 = arith.index_cast %add3A_692 : i32 to index
          %get3A_713 = arith.constant 32 : index
          %get3A_714 = tpu.vector_load %arg8[%get3A_712, %get3A_713] {strides = array<i32>} : memref<80x64xi32, #tpu.memory_space<vmem>>, vector<16xi32>,
          %bitcast3A_715 = vector.bitcast %get3A_714 : vector<16xi32> to vector<32xbf16>
          %get3A_716 = arith.index_cast %add3A_692 : i32 to index
          %get3A_717 = arith.constant 32 : index
          %get3A_718 = tpu.vector_load %arg9[%get3A_716, %get3A_717] {strides = array<i32>} : memref<80x64xi32, #tpu.memory_space<vmem>>, vector<16xi32>,
          %bitcast3A_719 = vector.bitcast %get3A_718 : vector<16xi32> to vector<32xbf16>
          %mul3A_720 = arith.mulf %bitcast3A_715, %bitcast3A_719 : vector<32xbf16>
          %add3A_721 = arith.addf %add3A_711, %mul3A_720 : vector<32xbf16>
          %get3A_722 = arith.index_cast %add3A_692 : i32 to index
          %get3A_723 = arith.constant 48 : index
          %get3A_724 = tpu.vector_load %arg8[%get3A_722, %get3A_723] {strides = array<i32>} : memref<80x64xi32, #tpu.memory_space<vmem>>, vector<16xi32>,
          %bitcast3A_725 = vector.bitcast %get3A_724 : vector<16xi32> to vector<32xbf16>
          %get3A_726 = arith.index_cast %add3A_692 : i32 to index
          %get3A_727 = arith.constant 48 : index
          %get3A_728 = tpu.vector_load %arg9[%get3A_726, %get3A_727] {strides = array<i32>} : memref<80x64xi32, #tpu.memory_space<vmem>>, vector<16xi32>,
          %bitcast3A_729 = vector.bitcast %get3A_728 : vector<16xi32> to vector<32xbf16>
          %mul3A_730 = arith.mulf %bitcast3A_725, %bitcast3A_729 : vector<32xbf16>
          %add3A_731 = arith.addf %add3A_721, %mul3A_730 : vector<32xbf16>
          %bitcast3A_732 = vector.bitcast %add3A_731 : vector<32xbf16> to vector<16xi32>
          %shift_left3A_733 = arith.constant 16 : i32
          %shift_left3A_734 = vector.broadcast %shift_left3A_733 : i32 to vector<16xi32>
          %shift_left3A_735 = arith.shli %bitcast3A_732, %shift_left3A_734 : vector<16xi32>
          %bitcast_convert_type3A_736 = tpu.bitcast %shift_left3A_735 : vector<16xi32> -> vector<16xf32>
          %bitcast_convert_type3A_737 = tpu.bitcast %bitcast3A_732 : vector<16xi32> -> vector<16xf32>
          %add3A_738 = arith.addf %bitcast_convert_type3A_736, %bitcast_convert_type3A_737 : vector<16xf32>
          %mul3A_739 = arith.constant 16 : i32
          %mul3A_740 = arith.muli %scan3A_617, %mul3A_739 : i32
          %mul3A_741 = arith.constant 4 : i32
          %mul3A_742 = arith.muli %scan3A_634, %mul3A_741 : i32
          %add3A_743 = arith.addi %mul3A_740, %mul3A_742 : i32
          %add3A_744 = arith.constant 2 : i32
          %add3A_745 = arith.addi %add3A_743, %add3A_744 : i32
          %get3A_746 = arith.index_cast %add3A_745 : i32 to index
          %get3A_747 = arith.constant 0 : index
          %get3A_748 = tpu.vector_load %arg8[%get3A_746, %get3A_747] {strides = array<i32>} : memref<80x64xi32, #tpu.memory_space<vmem>>, vector<16xi32>,
          %bitcast3A_749 = vector.bitcast %get3A_748 : vector<16xi32> to vector<32xbf16>
          %get3A_750 = arith.index_cast %add3A_745 : i32 to index
          %get3A_751 = arith.constant 0 : index
          %get3A_752 = tpu.vector_load %arg9[%get3A_750, %get3A_751] {strides = array<i32>} : memref<80x64xi32, #tpu.memory_space<vmem>>, vector<16xi32>,
          %bitcast3A_753 = vector.bitcast %get3A_752 : vector<16xi32> to vector<32xbf16>
          %mul3A_754 = arith.mulf %bitcast3A_749, %bitcast3A_753 : vector<32xbf16>
          %get3A_755 = arith.index_cast %add3A_745 : i32 to index
          %get3A_756 = arith.constant 16 : index
          %get3A_757 = tpu.vector_load %arg8[%get3A_755, %get3A_756] {strides = array<i32>} : memref<80x64xi32, #tpu.memory_space<vmem>>, vector<16xi32>,
          %bitcast3A_758 = vector.bitcast %get3A_757 : vector<16xi32> to vector<32xbf16>
          %get3A_759 = arith.index_cast %add3A_745 : i32 to index
          %get3A_760 = arith.constant 16 : index
          %get3A_761 = tpu.vector_load %arg9[%get3A_759, %get3A_760] {strides = array<i32>} : memref<80x64xi32, #tpu.memory_space<vmem>>, vector<16xi32>,
          %bitcast3A_762 = vector.bitcast %get3A_761 : vector<16xi32> to vector<32xbf16>
          %mul3A_763 = arith.mulf %bitcast3A_758, %bitcast3A_762 : vector<32xbf16>
          %add3A_764 = arith.addf %mul3A_754, %mul3A_763 : vector<32xbf16>
          %get3A_765 = arith.index_cast %add3A_745 : i32 to index
          %get3A_766 = arith.constant 32 : index
          %get3A_767 = tpu.vector_load %arg8[%get3A_765, %get3A_766] {strides = array<i32>} : memref<80x64xi32, #tpu.memory_space<vmem>>, vector<16xi32>,
          %bitcast3A_768 = vector.bitcast %get3A_767 : vector<16xi32> to vector<32xbf16>
          %get3A_769 = arith.index_cast %add3A_745 : i32 to index
          %get3A_770 = arith.constant 32 : index
          %get3A_771 = tpu.vector_load %arg9[%get3A_769, %get3A_770] {strides = array<i32>} : memref<80x64xi32, #tpu.memory_space<vmem>>, vector<16xi32>,
          %bitcast3A_772 = vector.bitcast %get3A_771 : vector<16xi32> to vector<32xbf16>
          %mul3A_773 = arith.mulf %bitcast3A_768, %bitcast3A_772 : vector<32xbf16>
          %add3A_774 = arith.addf %add3A_764, %mul3A_773 : vector<32xbf16>
          %get3A_775 = arith.index_cast %add3A_745 : i32 to index
          %get3A_776 = arith.constant 48 : index
          %get3A_777 = tpu.vector_load %arg8[%get3A_775, %get3A_776] {strides = array<i32>} : memref<80x64xi32, #tpu.memory_space<vmem>>, vector<16xi32>,
          %bitcast3A_778 = vector.bitcast %get3A_777 : vector<16xi32> to vector<32xbf16>
          %get3A_779 = arith.index_cast %add3A_745 : i32 to index
          %get3A_780 = arith.constant 48 : index
          %get3A_781 = tpu.vector_load %arg9[%get3A_779, %get3A_780] {strides = array<i32>} : memref<80x64xi32, #tpu.memory_space<vmem>>, vector<16xi32>,
          %bitcast3A_782 = vector.bitcast %get3A_781 : vector<16xi32> to vector<32xbf16>
          %mul3A_783 = arith.mulf %bitcast3A_778, %bitcast3A_782 : vector<32xbf16>
          %add3A_784 = arith.addf %add3A_774, %mul3A_783 : vector<32xbf16>
          %bitcast3A_785 = vector.bitcast %add3A_784 : vector<32xbf16> to vector<16xi32>
          %shift_left3A_786 = arith.constant 16 : i32
          %shift_left3A_787 = vector.broadcast %shift_left3A_786 : i32 to vector<16xi32>
          %shift_left3A_788 = arith.shli %bitcast3A_785, %shift_left3A_787 : vector<16xi32>
          %bitcast_convert_type3A_789 = tpu.bitcast %shift_left3A_788 : vector<16xi32> -> vector<16xf32>
          %bitcast_convert_type3A_790 = tpu.bitcast %bitcast3A_785 : vector<16xi32> -> vector<16xf32>
          %add3A_791 = arith.addf %bitcast_convert_type3A_789, %bitcast_convert_type3A_790 : vector<16xf32>
          %mul3A_792 = arith.constant 16 : i32
          %mul3A_793 = arith.muli %scan3A_617, %mul3A_792 : i32
          %mul3A_794 = arith.constant 4 : i32
          %mul3A_795 = arith.muli %scan3A_634, %mul3A_794 : i32
          %add3A_796 = arith.addi %mul3A_793, %mul3A_795 : i32
          %add3A_797 = arith.constant 3 : i32
          %add3A_798 = arith.addi %add3A_796, %add3A_797 : i32
          %get3A_799 = arith.index_cast %add3A_798 : i32 to index
          %get3A_800 = arith.constant 0 : index
          %get3A_801 = tpu.vector_load %arg8[%get3A_799, %get3A_800] {strides = array<i32>} : memref<80x64xi32, #tpu.memory_space<vmem>>, vector<16xi32>,
          %bitcast3A_802 = vector.bitcast %get3A_801 : vector<16xi32> to vector<32xbf16>
          %get3A_803 = arith.index_cast %add3A_798 : i32 to index
          %get3A_804 = arith.constant 0 : index
          %get3A_805 = tpu.vector_load %arg9[%get3A_803, %get3A_804] {strides = array<i32>} : memref<80x64xi32, #tpu.memory_space<vmem>>, vector<16xi32>,
          %bitcast3A_806 = vector.bitcast %get3A_805 : vector<16xi32> to vector<32xbf16>
          %mul3A_807 = arith.mulf %bitcast3A_802, %bitcast3A_806 : vector<32xbf16>
          %get3A_808 = arith.index_cast %add3A_798 : i32 to index
          %get3A_809 = arith.constant 16 : index
          %get3A_810 = tpu.vector_load %arg8[%get3A_808, %get3A_809] {strides = array<i32>} : memref<80x64xi32, #tpu.memory_space<vmem>>, vector<16xi32>,
          %bitcast3A_811 = vector.bitcast %get3A_810 : vector<16xi32> to vector<32xbf16>
          %get3A_812 = arith.index_cast %add3A_798 : i32 to index
          %get3A_813 = arith.constant 16 : index
          %get3A_814 = tpu.vector_load %arg9[%get3A_812, %get3A_813] {strides = array<i32>} : memref<80x64xi32, #tpu.memory_space<vmem>>, vector<16xi32>,
          %bitcast3A_815 = vector.bitcast %get3A_814 : vector<16xi32> to vector<32xbf16>
          %mul3A_816 = arith.mulf %bitcast3A_811, %bitcast3A_815 : vector<32xbf16>
          %add3A_817 = arith.addf %mul3A_807, %mul3A_816 : vector<32xbf16>
          %get3A_818 = arith.index_cast %add3A_798 : i32 to index
          %get3A_819 = arith.constant 32 : index
          %get3A_820 = tpu.vector_load %arg8[%get3A_818, %get3A_819] {strides = array<i32>} : memref<80x64xi32, #tpu.memory_space<vmem>>, vector<16xi32>,
          %bitcast3A_821 = vector.bitcast %get3A_820 : vector<16xi32> to vector<32xbf16>
          %get3A_822 = arith.index_cast %add3A_798 : i32 to index
          %get3A_823 = arith.constant 32 : index
          %get3A_824 = tpu.vector_load %arg9[%get3A_822, %get3A_823] {strides = array<i32>} : memref<80x64xi32, #tpu.memory_space<vmem>>, vector<16xi32>,
          %bitcast3A_825 = vector.bitcast %get3A_824 : vector<16xi32> to vector<32xbf16>
          %mul3A_826 = arith.mulf %bitcast3A_821, %bitcast3A_825 : vector<32xbf16>
          %add3A_827 = arith.addf %add3A_817, %mul3A_826 : vector<32xbf16>
          %get3A_828 = arith.index_cast %add3A_798 : i32 to index
          %get3A_829 = arith.constant 48 : index
          %get3A_830 = tpu.vector_load %arg8[%get3A_828, %get3A_829] {strides = array<i32>} : memref<80x64xi32, #tpu.memory_space<vmem>>, vector<16xi32>,
          %bitcast3A_831 = vector.bitcast %get3A_830 : vector<16xi32> to vector<32xbf16>
          %get3A_832 = arith.index_cast %add3A_798 : i32 to index
          %get3A_833 = arith.constant 48 : index
          %get3A_834 = tpu.vector_load %arg9[%get3A_832, %get3A_833] {strides = array<i32>} : memref<80x64xi32, #tpu.memory_space<vmem>>, vector<16xi32>,
          %bitcast3A_835 = vector.bitcast %get3A_834 : vector<16xi32> to vector<32xbf16>
          %mul3A_836 = arith.mulf %bitcast3A_831, %bitcast3A_835 : vector<32xbf16>
          %add3A_837 = arith.addf %add3A_827, %mul3A_836 : vector<32xbf16>
          %bitcast3A_838 = vector.bitcast %add3A_837 : vector<32xbf16> to vector<16xi32>
          %shift_left3A_839 = arith.constant 16 : i32
          %shift_left3A_840 = vector.broadcast %shift_left3A_839 : i32 to vector<16xi32>
          %shift_left3A_841 = arith.shli %bitcast3A_838, %shift_left3A_840 : vector<16xi32>
          %bitcast_convert_type3A_842 = tpu.bitcast %shift_left3A_841 : vector<16xi32> -> vector<16xf32>
          %bitcast_convert_type3A_843 = tpu.bitcast %bitcast3A_838 : vector<16xi32> -> vector<16xf32>
          %add3A_844 = arith.addf %bitcast_convert_type3A_842, %bitcast_convert_type3A_843 : vector<16xf32>
          %lt3A = arith.constant 0 : i32
          %lt3A_845 = vector.broadcast %lt3A : i32 to vector<16xi32>
          %lt3A_846 = arith.cmpi slt, %xor3A_10, %lt3A_845 : vector<16xi32>
          %add3A_847 = arith.constant 16 : i32
          %add3A_848 = vector.broadcast %add3A_847 : i32 to vector<16xi32>
          %add3A_849 = arith.addi %xor3A_10, %add3A_848 : vector<16xi32>
          %select_n3A = arith.select %lt3A_846, %add3A_849, %xor3A_10 : vector<16xi1>, vector<16xi32>
          %broadcast_in_dim3A_850 = vector.shape_cast %select_n3A : vector<16xi32> to vector<16x1xi32>
          %gather3A = vector.shape_cast %broadcast_in_dim3A_850 : vector<16x1xi32> to vector<16xi32>
          %gather3A_851 = tpu.dynamic_gather %add3A_685[%gather3A] in [0] : vector<16xf32>, vector<16xi32> -> vector<16xf32>
          %lt3A_852 = arith.constant 0 : i32
          %lt3A_853 = vector.broadcast %lt3A_852 : i32 to vector<16xi32>
          %lt3A_854 = arith.cmpi slt, %xor3A_10, %lt3A_853 : vector<16xi32>
          %add3A_855 = arith.constant 16 : i32
          %add3A_856 = vector.broadcast %add3A_855 : i32 to vector<16xi32>
          %add3A_857 = arith.addi %xor3A_10, %add3A_856 : vector<16xi32>
          %select_n3A_858 = arith.select %lt3A_854, %add3A_857, %xor3A_10 : vector<16xi1>, vector<16xi32>
          %broadcast_in_dim3A_859 = vector.shape_cast %select_n3A_858 : vector<16xi32> to vector<16x1xi32>
          %gather3A_860 = vector.shape_cast %broadcast_in_dim3A_859 : vector<16x1xi32> to vector<16xi32>
          %gather3A_861 = tpu.dynamic_gather %add3A_738[%gather3A_860] in [0] : vector<16xf32>, vector<16xi32> -> vector<16xf32>
          %select_n3A_862 = arith.select %eq3A_23, %add3A_685, %gather3A_861 : vector<16xi1>, vector<16xf32>
          %select_n3A_863 = arith.select %eq3A_23, %gather3A_851, %add3A_738 : vector<16xi1>, vector<16xf32>
          %add3A_864 = arith.addf %select_n3A_862, %select_n3A_863 : vector<16xf32>
          %lt3A_865 = arith.constant 0 : i32
          %lt3A_866 = vector.broadcast %lt3A_865 : i32 to vector<16xi32>
          %lt3A_867 = arith.cmpi slt, %xor3A_10, %lt3A_866 : vector<16xi32>
          %add3A_868 = arith.constant 16 : i32
          %add3A_869 = vector.broadcast %add3A_868 : i32 to vector<16xi32>
          %add3A_870 = arith.addi %xor3A_10, %add3A_869 : vector<16xi32>
          %select_n3A_871 = arith.select %lt3A_867, %add3A_870, %xor3A_10 : vector<16xi1>, vector<16xi32>
          %broadcast_in_dim3A_872 = vector.shape_cast %select_n3A_871 : vector<16xi32> to vector<16x1xi32>
          %gather3A_873 = vector.shape_cast %broadcast_in_dim3A_872 : vector<16x1xi32> to vector<16xi32>
          %gather3A_874 = tpu.dynamic_gather %add3A_791[%gather3A_873] in [0] : vector<16xf32>, vector<16xi32> -> vector<16xf32>
          %lt3A_875 = arith.constant 0 : i32
          %lt3A_876 = vector.broadcast %lt3A_875 : i32 to vector<16xi32>
          %lt3A_877 = arith.cmpi slt, %xor3A_10, %lt3A_876 : vector<16xi32>
          %add3A_878 = arith.constant 16 : i32
          %add3A_879 = vector.broadcast %add3A_878 : i32 to vector<16xi32>
          %add3A_880 = arith.addi %xor3A_10, %add3A_879 : vector<16xi32>
          %select_n3A_881 = arith.select %lt3A_877, %add3A_880, %xor3A_10 : vector<16xi1>, vector<16xi32>
          %broadcast_in_dim3A_882 = vector.shape_cast %select_n3A_881 : vector<16xi32> to vector<16x1xi32>
          %gather3A_883 = vector.shape_cast %broadcast_in_dim3A_882 : vector<16x1xi32> to vector<16xi32>
          %gather3A_884 = tpu.dynamic_gather %add3A_844[%gather3A_883] in [0] : vector<16xf32>, vector<16xi32> -> vector<16xf32>
          %select_n3A_885 = arith.select %eq3A_23, %add3A_791, %gather3A_884 : vector<16xi1>, vector<16xf32>
          %select_n3A_886 = arith.select %eq3A_23, %gather3A_874, %add3A_844 : vector<16xi1>, vector<16xf32>
          %add3A_887 = arith.addf %select_n3A_885, %select_n3A_886 : vector<16xf32>
          %lt3A_888 = arith.constant 0 : i32
          %lt3A_889 = vector.broadcast %lt3A_888 : i32 to vector<16xi32>
          %lt3A_890 = arith.cmpi slt, %xor3A_13, %lt3A_889 : vector<16xi32>
          %add3A_891 = arith.constant 16 : i32
          %add3A_892 = vector.broadcast %add3A_891 : i32 to vector<16xi32>
          %add3A_893 = arith.addi %xor3A_13, %add3A_892 : vector<16xi32>
          %select_n3A_894 = arith.select %lt3A_890, %add3A_893, %xor3A_13 : vector<16xi1>, vector<16xi32>
          %broadcast_in_dim3A_895 = vector.shape_cast %select_n3A_894 : vector<16xi32> to vector<16x1xi32>
          %gather3A_896 = vector.shape_cast %broadcast_in_dim3A_895 : vector<16x1xi32> to vector<16xi32>
          %gather3A_897 = tpu.dynamic_gather %add3A_864[%gather3A_896] in [0] : vector<16xf32>, vector<16xi32> -> vector<16xf32>
          %lt3A_898 = arith.constant 0 : i32
          %lt3A_899 = vector.broadcast %lt3A_898 : i32 to vector<16xi32>
          %lt3A_900 = arith.cmpi slt, %xor3A_13, %lt3A_899 : vector<16xi32>
          %add3A_901 = arith.constant 16 : i32
          %add3A_902 = vector.broadcast %add3A_901 : i32 to vector<16xi32>
          %add3A_903 = arith.addi %xor3A_13, %add3A_902 : vector<16xi32>
          %select_n3A_904 = arith.select %lt3A_900, %add3A_903, %xor3A_13 : vector<16xi1>, vector<16xi32>
          %broadcast_in_dim3A_905 = vector.shape_cast %select_n3A_904 : vector<16xi32> to vector<16x1xi32>
          %gather3A_906 = vector.shape_cast %broadcast_in_dim3A_905 : vector<16x1xi32> to vector<16xi32>
          %gather3A_907 = tpu.dynamic_gather %add3A_887[%gather3A_906] in [0] : vector<16xf32>, vector<16xi32> -> vector<16xf32>
          %select_n3A_908 = arith.select %eq3A_29, %add3A_864, %gather3A_907 : vector<16xi1>, vector<16xf32>
          %select_n3A_909 = arith.select %eq3A_29, %gather3A_897, %add3A_887 : vector<16xi1>, vector<16xf32>
          %add3A_910 = arith.addf %select_n3A_908, %select_n3A_909 : vector<16xf32>
          %lt3A_911 = arith.constant 0 : i32
          %lt3A_912 = vector.broadcast %lt3A_911 : i32 to vector<16xi32>
          %lt3A_913 = arith.cmpi slt, %xor3A_16, %lt3A_912 : vector<16xi32>
          %add3A_914 = arith.constant 16 : i32
          %add3A_915 = vector.broadcast %add3A_914 : i32 to vector<16xi32>
          %add3A_916 = arith.addi %xor3A_16, %add3A_915 : vector<16xi32>
          %select_n3A_917 = arith.select %lt3A_913, %add3A_916, %xor3A_16 : vector<16xi1>, vector<16xi32>
          %broadcast_in_dim3A_918 = vector.shape_cast %select_n3A_917 : vector<16xi32> to vector<16x1xi32>
          %gather3A_919 = vector.shape_cast %broadcast_in_dim3A_918 : vector<16x1xi32> to vector<16xi32>
          %gather3A_920 = tpu.dynamic_gather %add3A_910[%gather3A_919] in [0] : vector<16xf32>, vector<16xi32> -> vector<16xf32>
          %add3A_921 = arith.addf %add3A_910, %gather3A_920 : vector<16xf32>
          %lt3A_922 = arith.constant 0 : i32
          %lt3A_923 = vector.broadcast %lt3A_922 : i32 to vector<16xi32>
          %lt3A_924 = arith.cmpi slt, %xor3A_19, %lt3A_923 : vector<16xi32>
          %add3A_925 = arith.constant 16 : i32
          %add3A_926 = vector.broadcast %add3A_925 : i32 to vector<16xi32>
          %add3A_927 = arith.addi %xor3A_19, %add3A_926 : vector<16xi32>
          %select_n3A_928 = arith.select %lt3A_924, %add3A_927, %xor3A_19 : vector<16xi1>, vector<16xi32>
          %broadcast_in_dim3A_929 = vector.shape_cast %select_n3A_928 : vector<16xi32> to vector<16x1xi32>
          %gather3A_930 = vector.shape_cast %broadcast_in_dim3A_929 : vector<16x1xi32> to vector<16xi32>
          %gather3A_931 = tpu.dynamic_gather %add3A_921[%gather3A_930] in [0] : vector<16xf32>, vector<16xi32> -> vector<16xf32>
          %add3A_932 = arith.addf %add3A_921, %gather3A_931 : vector<16xf32>
          %eq3A_933 = vector.broadcast %scan3A_634 : i32 to vector<16xi32>
          %eq3A_934 = arith.cmpi eq, %shift_right_arithmetic3A_8, %eq3A_933 : vector<16xi32>
          %select_n3A_935 = arith.select %eq3A_934, %add3A_932, %scan3A_635 : vector<16xi1>, vector<16xf32>
          scf.yield %select_n3A_935 : vector<16xf32>
        }
        %scan3A_625 = arith.constant 4 : i32
        %mul3A_626 = arith.constant 80 : i32
        %mul3A_627 = arith.muli %mul3A_331, %mul3A_626 : i32
        %mul3A_628 = arith.constant 16 : i32
        %mul3A_629 = arith.muli %scan3A_617, %mul3A_628 : i32
        %add3A_630 = arith.addi %mul3A_627, %mul3A_629 : i32
        %swap3A_631 = arith.index_cast %add3A_630 : i32 to index
        %swap3A_632 = tpu.vector_load %arg12[%swap3A_631] {strides = array<i32>} : memref<10000xf32, #tpu.memory_space<vmem>>, vector<16xf32>,
        tpu.vector_store %arg12[%swap3A_631], %scan3A_624 {strides = array<i32>} : memref<10000xf32, #tpu.memory_space<vmem>>, vector<16xf32>,
        %scan3A_633 = arith.constant 0 : i32
        scf.yield %scan3A_633 : i32
      }
      %scan3A_350 = arith.constant 5 : i32
      %mul3A_351 = arith.constant 80 : i32
      %mul3A_352 = arith.muli %mul3A_331, %mul3A_351 : i32
      %add3A_353 = arith.constant 0 : i32
      %add3A_354 = arith.addi %mul3A_352, %add3A_353 : i32
      %get3A_355 = arith.index_cast %add3A_354 : i32 to index
      %get3A_356 = tpu.vector_load %arg12[%get3A_355] {strides = array<i32>} : memref<10000xf32, #tpu.memory_space<vmem>>, vector<16xf32>,
      %neg3A_357 = arith.constant 0.000000e+00 : f32
      %neg3A_358 = vector.broadcast %neg3A_357 : f32 to vector<16xf32>
      %neg3A_359 = arith.subf %neg3A_358, %get3A_356 : vector<16xf32>
      %exp3A_360 = math.exp %neg3A_359 : vector<16xf32>
      %add3A_361 = arith.constant 1.000000e+00 : f32
      %add3A_362 = vector.broadcast %add3A_361 : f32 to vector<16xf32>
      %add3A_363 = arith.addf %add3A_362, %exp3A_360 : vector<16xf32>
      %div3A_364 = arith.constant 1.000000e+00 : f32
      %div3A_365 = vector.broadcast %div3A_364 : f32 to vector<16xf32>
      %div3A_366 = arith.divf %div3A_365, %add3A_363 : vector<16xf32>
      %mul3A_367 = arith.constant 80 : i32
      %mul3A_368 = arith.muli %mul3A_331, %mul3A_367 : i32
      %add3A_369 = arith.constant 0 : i32
      %add3A_370 = arith.addi %mul3A_368, %add3A_369 : i32
      %swap3A_371 = arith.index_cast %add3A_370 : i32 to index
      %swap3A_372 = tpu.vector_load %arg12[%swap3A_371] {strides = array<i32>} : memref<10000xf32, #tpu.memory_space<vmem>>, vector<16xf32>,
      tpu.vector_store %arg12[%swap3A_371], %div3A_366 {strides = array<i32>} : memref<10000xf32, #tpu.memory_space<vmem>>, vector<16xf32>,
      %mul3A_373 = arith.constant 80 : i32
      %mul3A_374 = arith.muli %mul3A_331, %mul3A_373 : i32
      %add3A_375 = arith.constant 16 : i32
      %add3A_376 = arith.addi %mul3A_374, %add3A_375 : i32
      %get3A_377 = arith.index_cast %add3A_376 : i32 to index
      %get3A_378 = tpu.vector_load %arg12[%get3A_377] {strides = array<i32>} : memref<10000xf32, #tpu.memory_space<vmem>>, vector<16xf32>,
      %neg3A_379 = arith.constant 0.000000e+00 : f32
      %neg3A_380 = vector.broadcast %neg3A_379 : f32 to vector<16xf32>
      %neg3A_381 = arith.subf %neg3A_380, %get3A_378 : vector<16xf32>
      %exp3A_382 = math.exp %neg3A_381 : vector<16xf32>
      %add3A_383 = arith.constant 1.000000e+00 : f32
      %add3A_384 = vector.broadcast %add3A_383 : f32 to vector<16xf32>
      %add3A_385 = arith.addf %add3A_384, %exp3A_382 : vector<16xf32>
      %div3A_386 = arith.constant 1.000000e+00 : f32
      %div3A_387 = vector.broadcast %div3A_386 : f32 to vector<16xf32>
      %div3A_388 = arith.divf %div3A_387, %add3A_385 : vector<16xf32>
      %mul3A_389 = arith.constant 80 : i32
      %mul3A_390 = arith.muli %mul3A_331, %mul3A_389 : i32
      %add3A_391 = arith.constant 16 : i32
      %add3A_392 = arith.addi %mul3A_390, %add3A_391 : i32
      %swap3A_393 = arith.index_cast %add3A_392 : i32 to index
      %swap3A_394 = tpu.vector_load %arg12[%swap3A_393] {strides = array<i32>} : memref<10000xf32, #tpu.memory_space<vmem>>, vector<16xf32>,
      tpu.vector_store %arg12[%swap3A_393], %div3A_388 {strides = array<i32>} : memref<10000xf32, #tpu.memory_space<vmem>>, vector<16xf32>,
      %mul3A_395 = arith.constant 80 : i32
      %mul3A_396 = arith.muli %mul3A_331, %mul3A_395 : i32
      %add3A_397 = arith.constant 32 : i32
      %add3A_398 = arith.addi %mul3A_396, %add3A_397 : i32
      %get3A_399 = arith.index_cast %add3A_398 : i32 to index
      %get3A_400 = tpu.vector_load %arg12[%get3A_399] {strides = array<i32>} : memref<10000xf32, #tpu.memory_space<vmem>>, vector<16xf32>,
      %neg3A_401 = arith.constant 0.000000e+00 : f32
      %neg3A_402 = vector.broadcast %neg3A_401 : f32 to vector<16xf32>
      %neg3A_403 = arith.subf %neg3A_402, %get3A_400 : vector<16xf32>
      %exp3A_404 = math.exp %neg3A_403 : vector<16xf32>
      %add3A_405 = arith.constant 1.000000e+00 : f32
      %add3A_406 = vector.broadcast %add3A_405 : f32 to vector<16xf32>
      %add3A_407 = arith.addf %add3A_406, %exp3A_404 : vector<16xf32>
      %div3A_408 = arith.constant 1.000000e+00 : f32
      %div3A_409 = vector.broadcast %div3A_408 : f32 to vector<16xf32>
      %div3A_410 = arith.divf %div3A_409, %add3A_407 : vector<16xf32>
      %mul3A_411 = arith.constant 80 : i32
      %mul3A_412 = arith.muli %mul3A_331, %mul3A_411 : i32
      %add3A_413 = arith.constant 32 : i32
      %add3A_414 = arith.addi %mul3A_412, %add3A_413 : i32
      %swap3A_415 = arith.index_cast %add3A_414 : i32 to index
      %swap3A_416 = tpu.vector_load %arg12[%swap3A_415] {strides = array<i32>} : memref<10000xf32, #tpu.memory_space<vmem>>, vector<16xf32>,
      tpu.vector_store %arg12[%swap3A_415], %div3A_410 {strides = array<i32>} : memref<10000xf32, #tpu.memory_space<vmem>>, vector<16xf32>,
      %mul3A_417 = arith.constant 80 : i32
      %mul3A_418 = arith.muli %mul3A_331, %mul3A_417 : i32
      %add3A_419 = arith.constant 48 : i32
      %add3A_420 = arith.addi %mul3A_418, %add3A_419 : i32
      %get3A_421 = arith.index_cast %add3A_420 : i32 to index
      %get3A_422 = tpu.vector_load %arg12[%get3A_421] {strides = array<i32>} : memref<10000xf32, #tpu.memory_space<vmem>>, vector<16xf32>,
      %neg3A_423 = arith.constant 0.000000e+00 : f32
      %neg3A_424 = vector.broadcast %neg3A_423 : f32 to vector<16xf32>
      %neg3A_425 = arith.subf %neg3A_424, %get3A_422 : vector<16xf32>
      %exp3A_426 = math.exp %neg3A_425 : vector<16xf32>
      %add3A_427 = arith.constant 1.000000e+00 : f32
      %add3A_428 = vector.broadcast %add3A_427 : f32 to vector<16xf32>
      %add3A_429 = arith.addf %add3A_428, %exp3A_426 : vector<16xf32>
      %div3A_430 = arith.constant 1.000000e+00 : f32
      %div3A_431 = vector.broadcast %div3A_430 : f32 to vector<16xf32>
      %div3A_432 = arith.divf %div3A_431, %add3A_429 : vector<16xf32>
      %mul3A_433 = arith.constant 80 : i32
      %mul3A_434 = arith.muli %mul3A_331, %mul3A_433 : i32
      %add3A_435 = arith.constant 48 : i32
      %add3A_436 = arith.addi %mul3A_434, %add3A_435 : i32
      %swap3A_437 = arith.index_cast %add3A_436 : i32 to index
      %swap3A_438 = tpu.vector_load %arg12[%swap3A_437] {strides = array<i32>} : memref<10000xf32, #tpu.memory_space<vmem>>, vector<16xf32>,
      tpu.vector_store %arg12[%swap3A_437], %div3A_432 {strides = array<i32>} : memref<10000xf32, #tpu.memory_space<vmem>>, vector<16xf32>,
      %mul3A_439 = arith.constant 80 : i32
      %mul3A_440 = arith.muli %mul3A_331, %mul3A_439 : i32
      %add3A_441 = arith.constant 64 : i32
      %add3A_442 = arith.addi %mul3A_440, %add3A_441 : i32
      %get3A_443 = arith.index_cast %add3A_442 : i32 to index
      %get3A_444 = tpu.vector_load %arg12[%get3A_443] {strides = array<i32>} : memref<10000xf32, #tpu.memory_space<vmem>>, vector<16xf32>,
      %neg3A_445 = arith.constant 0.000000e+00 : f32
      %neg3A_446 = vector.broadcast %neg3A_445 : f32 to vector<16xf32>
      %neg3A_447 = arith.subf %neg3A_446, %get3A_444 : vector<16xf32>
      %exp3A_448 = math.exp %neg3A_447 : vector<16xf32>
      %add3A_449 = arith.constant 1.000000e+00 : f32
      %add3A_450 = vector.broadcast %add3A_449 : f32 to vector<16xf32>
      %add3A_451 = arith.addf %add3A_450, %exp3A_448 : vector<16xf32>
      %div3A_452 = arith.constant 1.000000e+00 : f32
      %div3A_453 = vector.broadcast %div3A_452 : f32 to vector<16xf32>
      %div3A_454 = arith.divf %div3A_453, %add3A_451 : vector<16xf32>
      %mul3A_455 = arith.constant 80 : i32
      %mul3A_456 = arith.muli %mul3A_331, %mul3A_455 : i32
      %add3A_457 = arith.constant 64 : i32
      %add3A_458 = arith.addi %mul3A_456, %add3A_457 : i32
      %swap3A_459 = arith.index_cast %add3A_458 : i32 to index
      %swap3A_460 = tpu.vector_load %arg12[%swap3A_459] {strides = array<i32>} : memref<10000xf32, #tpu.memory_space<vmem>>, vector<16xf32>,
      tpu.vector_store %arg12[%swap3A_459], %div3A_454 {strides = array<i32>} : memref<10000xf32, #tpu.memory_space<vmem>>, vector<16xf32>,
      %add3A_461 = arith.constant 2 : i32
      %add3A_462 = arith.addi %mul3A_331, %add3A_461 : i32
      %mul3A_463 = arith.constant 80 : i32
      %mul3A_464 = arith.muli %add3A_462, %mul3A_463 : i32
      %dma_start3A_465 = tpu.memref_slice %arg6[%mul3A_464] : memref<10000xi32, #tpu.memory_space<vmem>> -> memref<80xi32, #tpu.memory_space<vmem>>
      %dma_start3A_466 = arith.constant 0 : i32
      %dma_start3A_467 = arith.constant 0 : i32
      %dma_start3A_468 = tpu.memref_slice %arg2[%dma_start3A_466, %dma_start3A_467] : memref<10000x64xi32, #tpu.memory_space<hbm>> -> memref<10000x64xi32, #tpu.memory_space<hbm>>
      tpu.enqueue_indirect_dma source(%dma_start3A_468 : memref<10000x64xi32, #tpu.memory_space<hbm>>) target(%arg8 : memref<80x64xi32, #tpu.memory_space<vmem>>) offsets(%dma_start3A_465 : memref<80xi32, #tpu.memory_space<vmem>>) semaphore(%arg13 : memref<!tpu.dma_semaphore, #tpu.memory_space<semaphore_mem>>)
      %dma_start3A_469 = tpu.memref_slice %arg7[%mul3A_464] : memref<10000xi32, #tpu.memory_space<vmem>> -> memref<80xi32, #tpu.memory_space<vmem>>
      %dma_start3A_470 = arith.constant 0 : i32
      %dma_start3A_471 = arith.constant 0 : i32
      %dma_start3A_472 = tpu.memref_slice %arg3[%dma_start3A_470, %dma_start3A_471] : memref<10000x64xi32, #tpu.memory_space<hbm>> -> memref<10000x64xi32, #tpu.memory_space<hbm>>
      tpu.enqueue_indirect_dma source(%dma_start3A_472 : memref<10000x64xi32, #tpu.memory_space<hbm>>) target(%arg9 : memref<80x64xi32, #tpu.memory_space<vmem>>) offsets(%dma_start3A_469 : memref<80xi32, #tpu.memory_space<vmem>>) semaphore(%arg13 : memref<!tpu.dma_semaphore, #tpu.memory_space<semaphore_mem>>)
      %dma_wait3A_473 = arith.constant 0 : i32
      %dma_wait3A_474 = arith.constant 0 : i32
      %dma_wait3A_475 = tpu.memref_slice %arg2[%dma_wait3A_473, %dma_wait3A_474] : memref<10000x64xi32, #tpu.memory_space<hbm>> -> memref<80x64xi32, #tpu.memory_space<hbm>>
      %dma_wait3A_476 = arith.constant 0 : i32
      %dma_wait3A_477 = arith.constant 0 : i32
      %dma_wait3A_478 = tpu.memref_slice %arg2[%dma_wait3A_476, %dma_wait3A_477] : memref<10000x64xi32, #tpu.memory_space<hbm>> -> memref<80x64xi32, #tpu.memory_space<hbm>>
      tpu.wait_dma2 semaphore(%arg14 : memref<!tpu.dma_semaphore, #tpu.memory_space<semaphore_mem>>) src(%dma_wait3A_478 : memref<80x64xi32, #tpu.memory_space<hbm>>) dst(%arg10 : memref<80x64xi32, #tpu.memory_space<vmem>>)
      %dma_wait3A_479 = arith.constant 0 : i32
      %dma_wait3A_480 = arith.constant 0 : i32
      %dma_wait3A_481 = tpu.memref_slice %arg2[%dma_wait3A_479, %dma_wait3A_480] : memref<10000x64xi32, #tpu.memory_space<hbm>> -> memref<80x64xi32, #tpu.memory_space<hbm>>
      %dma_wait3A_482 = arith.constant 0 : i32
      %dma_wait3A_483 = arith.constant 0 : i32
      %dma_wait3A_484 = tpu.memref_slice %arg2[%dma_wait3A_482, %dma_wait3A_483] : memref<10000x64xi32, #tpu.memory_space<hbm>> -> memref<80x64xi32, #tpu.memory_space<hbm>>
      tpu.wait_dma2 semaphore(%arg14 : memref<!tpu.dma_semaphore, #tpu.memory_space<semaphore_mem>>) src(%dma_wait3A_484 : memref<80x64xi32, #tpu.memory_space<hbm>>) dst(%arg11 : memref<80x64xi32, #tpu.memory_space<vmem>>)
      %add3A_485 = arith.constant 1 : i32
      %add3A_486 = arith.addi %mul3A_331, %add3A_485 : i32
      %scan3A_487 = arith.constant 0 : i32
      %scan3A_488 = arith.constant 0 : i32
      %scan3A_489 = arith.constant 5 : i32
      %scan3A_490 = arith.addi %scan3A_488, %scan3A_489 : i32
      %scan3A_491 = arith.constant 1 : i32
      %scan3A_492 = scf.for %scan3A_617 = %scan3A_488 to %scan3A_490 step %scan3A_491 iter_args(%scan3A_618 = %scan3A_487) -> (i32)  : i32 {
        %broadcast_in_dim3A = arith.constant 0.000000e+00 : f32
        %broadcast_in_dim3A_619 = vector.broadcast %broadcast_in_dim3A : f32 to vector<16xf32>
        %scan3A_620 = arith.constant 0 : i32
        %scan3A_621 = arith.constant 4 : i32
        %scan3A_622 = arith.addi %scan3A_620, %scan3A_621 : i32
        %scan3A_623 = arith.constant 1 : i32
        %scan3A_624 = scf.for %scan3A_634 = %scan3A_620 to %scan3A_622 step %scan3A_623 iter_args(%scan3A_635 = %broadcast_in_dim3A_619) -> (vector<16xf32>)  : i32 {
          %mul3A_636 = arith.constant 16 : i32
          %mul3A_637 = arith.muli %scan3A_617, %mul3A_636 : i32
          %mul3A_638 = arith.constant 4 : i32
          %mul3A_639 = arith.muli %scan3A_634, %mul3A_638 : i32
          %add3A_640 = arith.addi %mul3A_637, %mul3A_639 : i32
          %add3A_641 = arith.constant 0 : i32
          %add3A_642 = arith.addi %add3A_640, %add3A_641 : i32
          %get3A_643 = arith.index_cast %add3A_642 : i32 to index
          %get3A_644 = arith.constant 0 : index
          %get3A_645 = tpu.vector_load %arg10[%get3A_643, %get3A_644] {strides = array<i32>} : memref<80x64xi32, #tpu.memory_space<vmem>>, vector<16xi32>,
          %bitcast3A = vector.bitcast %get3A_645 : vector<16xi32> to vector<32xbf16>
          %get3A_646 = arith.index_cast %add3A_642 : i32 to index
          %get3A_647 = arith.constant 0 : index
          %get3A_648 = tpu.vector_load %arg11[%get3A_646, %get3A_647] {strides = array<i32>} : memref<80x64xi32, #tpu.memory_space<vmem>>, vector<16xi32>,
          %bitcast3A_649 = vector.bitcast %get3A_648 : vector<16xi32> to vector<32xbf16>
          %mul3A_650 = arith.mulf %bitcast3A, %bitcast3A_649 : vector<32xbf16>
          %get3A_651 = arith.index_cast %add3A_642 : i32 to index
          %get3A_652 = arith.constant 16 : index
          %get3A_653 = tpu.vector_load %arg10[%get3A_651, %get3A_652] {strides = array<i32>} : memref<80x64xi32, #tpu.memory_space<vmem>>, vector<16xi32>,
          %bitcast3A_654 = vector.bitcast %get3A_653 : vector<16xi32> to vector<32xbf16>
          %get3A_655 = arith.index_cast %add3A_642 : i32 to index
          %get3A_656 = arith.constant 16 : index
          %get3A_657 = tpu.vector_load %arg11[%get3A_655, %get3A_656] {strides = array<i32>} : memref<80x64xi32, #tpu.memory_space<vmem>>, vector<16xi32>,
          %bitcast3A_658 = vector.bitcast %get3A_657 : vector<16xi32> to vector<32xbf16>
          %mul3A_659 = arith.mulf %bitcast3A_654, %bitcast3A_658 : vector<32xbf16>
          %add3A_660 = arith.addf %mul3A_650, %mul3A_659 : vector<32xbf16>
          %get3A_661 = arith.index_cast %add3A_642 : i32 to index
          %get3A_662 = arith.constant 32 : index
          %get3A_663 = tpu.vector_load %arg10[%get3A_661, %get3A_662] {strides = array<i32>} : memref<80x64xi32, #tpu.memory_space<vmem>>, vector<16xi32>,
          %bitcast3A_664 = vector.bitcast %get3A_663 : vector<16xi32> to vector<32xbf16>
          %get3A_665 = arith.index_cast %add3A_642 : i32 to index
          %get3A_666 = arith.constant 32 : index
          %get3A_667 = tpu.vector_load %arg11[%get3A_665, %get3A_666] {strides = array<i32>} : memref<80x64xi32, #tpu.memory_space<vmem>>, vector<16xi32>,
          %bitcast3A_668 = vector.bitcast %get3A_667 : vector<16xi32> to vector<32xbf16>
          %mul3A_669 = arith.mulf %bitcast3A_664, %bitcast3A_668 : vector<32xbf16>
          %add3A_670 = arith.addf %add3A_660, %mul3A_669 : vector<32xbf16>
          %get3A_671 = arith.index_cast %add3A_642 : i32 to index
          %get3A_672 = arith.constant 48 : index
          %get3A_673 = tpu.vector_load %arg10[%get3A_671, %get3A_672] {strides = array<i32>} : memref<80x64xi32, #tpu.memory_space<vmem>>, vector<16xi32>,
          %bitcast3A_674 = vector.bitcast %get3A_673 : vector<16xi32> to vector<32xbf16>
          %get3A_675 = arith.index_cast %add3A_642 : i32 to index
          %get3A_676 = arith.constant 48 : index
          %get3A_677 = tpu.vector_load %arg11[%get3A_675, %get3A_676] {strides = array<i32>} : memref<80x64xi32, #tpu.memory_space<vmem>>, vector<16xi32>,
          %bitcast3A_678 = vector.bitcast %get3A_677 : vector<16xi32> to vector<32xbf16>
          %mul3A_679 = arith.mulf %bitcast3A_674, %bitcast3A_678 : vector<32xbf16>
          %add3A_680 = arith.addf %add3A_670, %mul3A_679 : vector<32xbf16>
          %bitcast3A_681 = vector.bitcast %add3A_680 : vector<32xbf16> to vector<16xi32>
          %shift_left3A = arith.constant 16 : i32
          %shift_left3A_682 = vector.broadcast %shift_left3A : i32 to vector<16xi32>
          %shift_left3A_683 = arith.shli %bitcast3A_681, %shift_left3A_682 : vector<16xi32>
          %bitcast_convert_type3A = tpu.bitcast %shift_left3A_683 : vector<16xi32> -> vector<16xf32>
          %bitcast_convert_type3A_684 = tpu.bitcast %bitcast3A_681 : vector<16xi32> -> vector<16xf32>
          %add3A_685 = arith.addf %bitcast_convert_type3A, %bitcast_convert_type3A_684 : vector<16xf32>
          %mul3A_686 = arith.constant 16 : i32
          %mul3A_687 = arith.muli %scan3A_617, %mul3A_686 : i32
          %mul3A_688 = arith.constant 4 : i32
          %mul3A_689 = arith.muli %scan3A_634, %mul3A_688 : i32
          %add3A_690 = arith.addi %mul3A_687, %mul3A_689 : i32
          %add3A_691 = arith.constant 1 : i32
          %add3A_692 = arith.addi %add3A_690, %add3A_691 : i32
          %get3A_693 = arith.index_cast %add3A_692 : i32 to index
          %get3A_694 = arith.constant 0 : index
          %get3A_695 = tpu.vector_load %arg10[%get3A_693, %get3A_694] {strides = array<i32>} : memref<80x64xi32, #tpu.memory_space<vmem>>, vector<16xi32>,
          %bitcast3A_696 = vector.bitcast %get3A_695 : vector<16xi32> to vector<32xbf16>
          %get3A_697 = arith.index_cast %add3A_692 : i32 to index
          %get3A_698 = arith.constant 0 : index
          %get3A_699 = tpu.vector_load %arg11[%get3A_697, %get3A_698] {strides = array<i32>} : memref<80x64xi32, #tpu.memory_space<vmem>>, vector<16xi32>,
          %bitcast3A_700 = vector.bitcast %get3A_699 : vector<16xi32> to vector<32xbf16>
          %mul3A_701 = arith.mulf %bitcast3A_696, %bitcast3A_700 : vector<32xbf16>
          %get3A_702 = arith.index_cast %add3A_692 : i32 to index
          %get3A_703 = arith.constant 16 : index
          %get3A_704 = tpu.vector_load %arg10[%get3A_702, %get3A_703] {strides = array<i32>} : memref<80x64xi32, #tpu.memory_space<vmem>>, vector<16xi32>,
          %bitcast3A_705 = vector.bitcast %get3A_704 : vector<16xi32> to vector<32xbf16>
          %get3A_706 = arith.index_cast %add3A_692 : i32 to index
          %get3A_707 = arith.constant 16 : index
          %get3A_708 = tpu.vector_load %arg11[%get3A_706, %get3A_707] {strides = array<i32>} : memref<80x64xi32, #tpu.memory_space<vmem>>, vector<16xi32>,
          %bitcast3A_709 = vector.bitcast %get3A_708 : vector<16xi32> to vector<32xbf16>
          %mul3A_710 = arith.mulf %bitcast3A_705, %bitcast3A_709 : vector<32xbf16>
          %add3A_711 = arith.addf %mul3A_701, %mul3A_710 : vector<32xbf16>
          %get3A_712 = arith.index_cast %add3A_692 : i32 to index
          %get3A_713 = arith.constant 32 : index
          %get3A_714 = tpu.vector_load %arg10[%get3A_712, %get3A_713] {strides = array<i32>} : memref<80x64xi32, #tpu.memory_space<vmem>>, vector<16xi32>,
          %bitcast3A_715 = vector.bitcast %get3A_714 : vector<16xi32> to vector<32xbf16>
          %get3A_716 = arith.index_cast %add3A_692 : i32 to index
          %get3A_717 = arith.constant 32 : index
          %get3A_718 = tpu.vector_load %arg11[%get3A_716, %get3A_717] {strides = array<i32>} : memref<80x64xi32, #tpu.memory_space<vmem>>, vector<16xi32>,
          %bitcast3A_719 = vector.bitcast %get3A_718 : vector<16xi32> to vector<32xbf16>
          %mul3A_720 = arith.mulf %bitcast3A_715, %bitcast3A_719 : vector<32xbf16>
          %add3A_721 = arith.addf %add3A_711, %mul3A_720 : vector<32xbf16>
          %get3A_722 = arith.index_cast %add3A_692 : i32 to index
          %get3A_723 = arith.constant 48 : index
          %get3A_724 = tpu.vector_load %arg10[%get3A_722, %get3A_723] {strides = array<i32>} : memref<80x64xi32, #tpu.memory_space<vmem>>, vector<16xi32>,
          %bitcast3A_725 = vector.bitcast %get3A_724 : vector<16xi32> to vector<32xbf16>
          %get3A_726 = arith.index_cast %add3A_692 : i32 to index
          %get3A_727 = arith.constant 48 : index
          %get3A_728 = tpu.vector_load %arg11[%get3A_726, %get3A_727] {strides = array<i32>} : memref<80x64xi32, #tpu.memory_space<vmem>>, vector<16xi32>,
          %bitcast3A_729 = vector.bitcast %get3A_728 : vector<16xi32> to vector<32xbf16>
          %mul3A_730 = arith.mulf %bitcast3A_725, %bitcast3A_729 : vector<32xbf16>
          %add3A_731 = arith.addf %add3A_721, %mul3A_730 : vector<32xbf16>
          %bitcast3A_732 = vector.bitcast %add3A_731 : vector<32xbf16> to vector<16xi32>
          %shift_left3A_733 = arith.constant 16 : i32
          %shift_left3A_734 = vector.broadcast %shift_left3A_733 : i32 to vector<16xi32>
          %shift_left3A_735 = arith.shli %bitcast3A_732, %shift_left3A_734 : vector<16xi32>
          %bitcast_convert_type3A_736 = tpu.bitcast %shift_left3A_735 : vector<16xi32> -> vector<16xf32>
          %bitcast_convert_type3A_737 = tpu.bitcast %bitcast3A_732 : vector<16xi32> -> vector<16xf32>
          %add3A_738 = arith.addf %bitcast_convert_type3A_736, %bitcast_convert_type3A_737 : vector<16xf32>
          %mul3A_739 = arith.constant 16 : i32
          %mul3A_740 = arith.muli %scan3A_617, %mul3A_739 : i32
          %mul3A_741 = arith.constant 4 : i32
          %mul3A_742 = arith.muli %scan3A_634, %mul3A_741 : i32
          %add3A_743 = arith.addi %mul3A_740, %mul3A_742 : i32
          %add3A_744 = arith.constant 2 : i32
          %add3A_745 = arith.addi %add3A_743, %add3A_744 : i32
          %get3A_746 = arith.index_cast %add3A_745 : i32 to index
          %get3A_747 = arith.constant 0 : index
          %get3A_748 = tpu.vector_load %arg10[%get3A_746, %get3A_747] {strides = array<i32>} : memref<80x64xi32, #tpu.memory_space<vmem>>, vector<16xi32>,
          %bitcast3A_749 = vector.bitcast %get3A_748 : vector<16xi32> to vector<32xbf16>
          %get3A_750 = arith.index_cast %add3A_745 : i32 to index
          %get3A_751 = arith.constant 0 : index
          %get3A_752 = tpu.vector_load %arg11[%get3A_750, %get3A_751] {strides = array<i32>} : memref<80x64xi32, #tpu.memory_space<vmem>>, vector<16xi32>,
          %bitcast3A_753 = vector.bitcast %get3A_752 : vector<16xi32> to vector<32xbf16>
          %mul3A_754 = arith.mulf %bitcast3A_749, %bitcast3A_753 : vector<32xbf16>
          %get3A_755 = arith.index_cast %add3A_745 : i32 to index
          %get3A_756 = arith.constant 16 : index
          %get3A_757 = tpu.vector_load %arg10[%get3A_755, %get3A_756] {strides = array<i32>} : memref<80x64xi32, #tpu.memory_space<vmem>>, vector<16xi32>,
          %bitcast3A_758 = vector.bitcast %get3A_757 : vector<16xi32> to vector<32xbf16>
          %get3A_759 = arith.index_cast %add3A_745 : i32 to index
          %get3A_760 = arith.constant 16 : index
          %get3A_761 = tpu.vector_load %arg11[%get3A_759, %get3A_760] {strides = array<i32>} : memref<80x64xi32, #tpu.memory_space<vmem>>, vector<16xi32>,
          %bitcast3A_762 = vector.bitcast %get3A_761 : vector<16xi32> to vector<32xbf16>
          %mul3A_763 = arith.mulf %bitcast3A_758, %bitcast3A_762 : vector<32xbf16>
          %add3A_764 = arith.addf %mul3A_754, %mul3A_763 : vector<32xbf16>
          %get3A_765 = arith.index_cast %add3A_745 : i32 to index
          %get3A_766 = arith.constant 32 : index
          %get3A_767 = tpu.vector_load %arg10[%get3A_765, %get3A_766] {strides = array<i32>} : memref<80x64xi32, #tpu.memory_space<vmem>>, vector<16xi32>,
          %bitcast3A_768 = vector.bitcast %get3A_767 : vector<16xi32> to vector<32xbf16>
          %get3A_769 = arith.index_cast %add3A_745 : i32 to index
          %get3A_770 = arith.constant 32 : index
          %get3A_771 = tpu.vector_load %arg11[%get3A_769, %get3A_770] {strides = array<i32>} : memref<80x64xi32, #tpu.memory_space<vmem>>, vector<16xi32>,
          %bitcast3A_772 = vector.bitcast %get3A_771 : vector<16xi32> to vector<32xbf16>
          %mul3A_773 = arith.mulf %bitcast3A_768, %bitcast3A_772 : vector<32xbf16>
          %add3A_774 = arith.addf %add3A_764, %mul3A_773 : vector<32xbf16>
          %get3A_775 = arith.index_cast %add3A_745 : i32 to index
          %get3A_776 = arith.constant 48 : index
          %get3A_777 = tpu.vector_load %arg10[%get3A_775, %get3A_776] {strides = array<i32>} : memref<80x64xi32, #tpu.memory_space<vmem>>, vector<16xi32>,
          %bitcast3A_778 = vector.bitcast %get3A_777 : vector<16xi32> to vector<32xbf16>
          %get3A_779 = arith.index_cast %add3A_745 : i32 to index
          %get3A_780 = arith.constant 48 : index
          %get3A_781 = tpu.vector_load %arg11[%get3A_779, %get3A_780] {strides = array<i32>} : memref<80x64xi32, #tpu.memory_space<vmem>>, vector<16xi32>,
          %bitcast3A_782 = vector.bitcast %get3A_781 : vector<16xi32> to vector<32xbf16>
          %mul3A_783 = arith.mulf %bitcast3A_778, %bitcast3A_782 : vector<32xbf16>
          %add3A_784 = arith.addf %add3A_774, %mul3A_783 : vector<32xbf16>
          %bitcast3A_785 = vector.bitcast %add3A_784 : vector<32xbf16> to vector<16xi32>
          %shift_left3A_786 = arith.constant 16 : i32
          %shift_left3A_787 = vector.broadcast %shift_left3A_786 : i32 to vector<16xi32>
          %shift_left3A_788 = arith.shli %bitcast3A_785, %shift_left3A_787 : vector<16xi32>
          %bitcast_convert_type3A_789 = tpu.bitcast %shift_left3A_788 : vector<16xi32> -> vector<16xf32>
          %bitcast_convert_type3A_790 = tpu.bitcast %bitcast3A_785 : vector<16xi32> -> vector<16xf32>
          %add3A_791 = arith.addf %bitcast_convert_type3A_789, %bitcast_convert_type3A_790 : vector<16xf32>
          %mul3A_792 = arith.constant 16 : i32
          %mul3A_793 = arith.muli %scan3A_617, %mul3A_792 : i32
          %mul3A_794 = arith.constant 4 : i32
          %mul3A_795 = arith.muli %scan3A_634, %mul3A_794 : i32
          %add3A_796 = arith.addi %mul3A_793, %mul3A_795 : i32
          %add3A_797 = arith.constant 3 : i32
          %add3A_798 = arith.addi %add3A_796, %add3A_797 : i32
          %get3A_799 = arith.index_cast %add3A_798 : i32 to index
          %get3A_800 = arith.constant 0 : index
          %get3A_801 = tpu.vector_load %arg10[%get3A_799, %get3A_800] {strides = array<i32>} : memref<80x64xi32, #tpu.memory_space<vmem>>, vector<16xi32>,
          %bitcast3A_802 = vector.bitcast %get3A_801 : vector<16xi32> to vector<32xbf16>
          %get3A_803 = arith.index_cast %add3A_798 : i32 to index
          %get3A_804 = arith.constant 0 : index
          %get3A_805 = tpu.vector_load %arg11[%get3A_803, %get3A_804] {strides = array<i32>} : memref<80x64xi32, #tpu.memory_space<vmem>>, vector<16xi32>,
          %bitcast3A_806 = vector.bitcast %get3A_805 : vector<16xi32> to vector<32xbf16>
          %mul3A_807 = arith.mulf %bitcast3A_802, %bitcast3A_806 : vector<32xbf16>
          %get3A_808 = arith.index_cast %add3A_798 : i32 to index
          %get3A_809 = arith.constant 16 : index
          %get3A_810 = tpu.vector_load %arg10[%get3A_808, %get3A_809] {strides = array<i32>} : memref<80x64xi32, #tpu.memory_space<vmem>>, vector<16xi32>,
          %bitcast3A_811 = vector.bitcast %get3A_810 : vector<16xi32> to vector<32xbf16>
          %get3A_812 = arith.index_cast %add3A_798 : i32 to index
          %get3A_813 = arith.constant 16 : index
          %get3A_814 = tpu.vector_load %arg11[%get3A_812, %get3A_813] {strides = array<i32>} : memref<80x64xi32, #tpu.memory_space<vmem>>, vector<16xi32>,
          %bitcast3A_815 = vector.bitcast %get3A_814 : vector<16xi32> to vector<32xbf16>
          %mul3A_816 = arith.mulf %bitcast3A_811, %bitcast3A_815 : vector<32xbf16>
          %add3A_817 = arith.addf %mul3A_807, %mul3A_816 : vector<32xbf16>
          %get3A_818 = arith.index_cast %add3A_798 : i32 to index
          %get3A_819 = arith.constant 32 : index
          %get3A_820 = tpu.vector_load %arg10[%get3A_818, %get3A_819] {strides = array<i32>} : memref<80x64xi32, #tpu.memory_space<vmem>>, vector<16xi32>,
          %bitcast3A_821 = vector.bitcast %get3A_820 : vector<16xi32> to vector<32xbf16>
          %get3A_822 = arith.index_cast %add3A_798 : i32 to index
          %get3A_823 = arith.constant 32 : index
          %get3A_824 = tpu.vector_load %arg11[%get3A_822, %get3A_823] {strides = array<i32>} : memref<80x64xi32, #tpu.memory_space<vmem>>, vector<16xi32>,
          %bitcast3A_825 = vector.bitcast %get3A_824 : vector<16xi32> to vector<32xbf16>
          %mul3A_826 = arith.mulf %bitcast3A_821, %bitcast3A_825 : vector<32xbf16>
          %add3A_827 = arith.addf %add3A_817, %mul3A_826 : vector<32xbf16>
          %get3A_828 = arith.index_cast %add3A_798 : i32 to index
          %get3A_829 = arith.constant 48 : index
          %get3A_830 = tpu.vector_load %arg10[%get3A_828, %get3A_829] {strides = array<i32>} : memref<80x64xi32, #tpu.memory_space<vmem>>, vector<16xi32>,
          %bitcast3A_831 = vector.bitcast %get3A_830 : vector<16xi32> to vector<32xbf16>
          %get3A_832 = arith.index_cast %add3A_798 : i32 to index
          %get3A_833 = arith.constant 48 : index
          %get3A_834 = tpu.vector_load %arg11[%get3A_832, %get3A_833] {strides = array<i32>} : memref<80x64xi32, #tpu.memory_space<vmem>>, vector<16xi32>,
          %bitcast3A_835 = vector.bitcast %get3A_834 : vector<16xi32> to vector<32xbf16>
          %mul3A_836 = arith.mulf %bitcast3A_831, %bitcast3A_835 : vector<32xbf16>
          %add3A_837 = arith.addf %add3A_827, %mul3A_836 : vector<32xbf16>
          %bitcast3A_838 = vector.bitcast %add3A_837 : vector<32xbf16> to vector<16xi32>
          %shift_left3A_839 = arith.constant 16 : i32
          %shift_left3A_840 = vector.broadcast %shift_left3A_839 : i32 to vector<16xi32>
          %shift_left3A_841 = arith.shli %bitcast3A_838, %shift_left3A_840 : vector<16xi32>
          %bitcast_convert_type3A_842 = tpu.bitcast %shift_left3A_841 : vector<16xi32> -> vector<16xf32>
          %bitcast_convert_type3A_843 = tpu.bitcast %bitcast3A_838 : vector<16xi32> -> vector<16xf32>
          %add3A_844 = arith.addf %bitcast_convert_type3A_842, %bitcast_convert_type3A_843 : vector<16xf32>
          %lt3A = arith.constant 0 : i32
          %lt3A_845 = vector.broadcast %lt3A : i32 to vector<16xi32>
          %lt3A_846 = arith.cmpi slt, %xor3A_10, %lt3A_845 : vector<16xi32>
          %add3A_847 = arith.constant 16 : i32
          %add3A_848 = vector.broadcast %add3A_847 : i32 to vector<16xi32>
          %add3A_849 = arith.addi %xor3A_10, %add3A_848 : vector<16xi32>
          %select_n3A = arith.select %lt3A_846, %add3A_849, %xor3A_10 : vector<16xi1>, vector<16xi32>
          %broadcast_in_dim3A_850 = vector.shape_cast %select_n3A : vector<16xi32> to vector<16x1xi32>
          %gather3A = vector.shape_cast %broadcast_in_dim3A_850 : vector<16x1xi32> to vector<16xi32>
          %gather3A_851 = tpu.dynamic_gather %add3A_685[%gather3A] in [0] : vector<16xf32>, vector<16xi32> -> vector<16xf32>
          %lt3A_852 = arith.constant 0 : i32
          %lt3A_853 = vector.broadcast %lt3A_852 : i32 to vector<16xi32>
          %lt3A_854 = arith.cmpi slt, %xor3A_10, %lt3A_853 : vector<16xi32>
          %add3A_855 = arith.constant 16 : i32
          %add3A_856 = vector.broadcast %add3A_855 : i32 to vector<16xi32>
          %add3A_857 = arith.addi %xor3A_10, %add3A_856 : vector<16xi32>
          %select_n3A_858 = arith.select %lt3A_854, %add3A_857, %xor3A_10 : vector<16xi1>, vector<16xi32>
          %broadcast_in_dim3A_859 = vector.shape_cast %select_n3A_858 : vector<16xi32> to vector<16x1xi32>
          %gather3A_860 = vector.shape_cast %broadcast_in_dim3A_859 : vector<16x1xi32> to vector<16xi32>
          %gather3A_861 = tpu.dynamic_gather %add3A_738[%gather3A_860] in [0] : vector<16xf32>, vector<16xi32> -> vector<16xf32>
          %select_n3A_862 = arith.select %eq3A_23, %add3A_685, %gather3A_861 : vector<16xi1>, vector<16xf32>
          %select_n3A_863 = arith.select %eq3A_23, %gather3A_851, %add3A_738 : vector<16xi1>, vector<16xf32>
          %add3A_864 = arith.addf %select_n3A_862, %select_n3A_863 : vector<16xf32>
          %lt3A_865 = arith.constant 0 : i32
          %lt3A_866 = vector.broadcast %lt3A_865 : i32 to vector<16xi32>
          %lt3A_867 = arith.cmpi slt, %xor3A_10, %lt3A_866 : vector<16xi32>
          %add3A_868 = arith.constant 16 : i32
          %add3A_869 = vector.broadcast %add3A_868 : i32 to vector<16xi32>
          %add3A_870 = arith.addi %xor3A_10, %add3A_869 : vector<16xi32>
          %select_n3A_871 = arith.select %lt3A_867, %add3A_870, %xor3A_10 : vector<16xi1>, vector<16xi32>
          %broadcast_in_dim3A_872 = vector.shape_cast %select_n3A_871 : vector<16xi32> to vector<16x1xi32>
          %gather3A_873 = vector.shape_cast %broadcast_in_dim3A_872 : vector<16x1xi32> to vector<16xi32>
          %gather3A_874 = tpu.dynamic_gather %add3A_791[%gather3A_873] in [0] : vector<16xf32>, vector<16xi32> -> vector<16xf32>
          %lt3A_875 = arith.constant 0 : i32
          %lt3A_876 = vector.broadcast %lt3A_875 : i32 to vector<16xi32>
          %lt3A_877 = arith.cmpi slt, %xor3A_10, %lt3A_876 : vector<16xi32>
          %add3A_878 = arith.constant 16 : i32
          %add3A_879 = vector.broadcast %add3A_878 : i32 to vector<16xi32>
          %add3A_880 = arith.addi %xor3A_10, %add3A_879 : vector<16xi32>
          %select_n3A_881 = arith.select %lt3A_877, %add3A_880, %xor3A_10 : vector<16xi1>, vector<16xi32>
          %broadcast_in_dim3A_882 = vector.shape_cast %select_n3A_881 : vector<16xi32> to vector<16x1xi32>
          %gather3A_883 = vector.shape_cast %broadcast_in_dim3A_882 : vector<16x1xi32> to vector<16xi32>
          %gather3A_884 = tpu.dynamic_gather %add3A_844[%gather3A_883] in [0] : vector<16xf32>, vector<16xi32> -> vector<16xf32>
          %select_n3A_885 = arith.select %eq3A_23, %add3A_791, %gather3A_884 : vector<16xi1>, vector<16xf32>
          %select_n3A_886 = arith.select %eq3A_23, %gather3A_874, %add3A_844 : vector<16xi1>, vector<16xf32>
          %add3A_887 = arith.addf %select_n3A_885, %select_n3A_886 : vector<16xf32>
          %lt3A_888 = arith.constant 0 : i32
          %lt3A_889 = vector.broadcast %lt3A_888 : i32 to vector<16xi32>
          %lt3A_890 = arith.cmpi slt, %xor3A_13, %lt3A_889 : vector<16xi32>
          %add3A_891 = arith.constant 16 : i32
          %add3A_892 = vector.broadcast %add3A_891 : i32 to vector<16xi32>
          %add3A_893 = arith.addi %xor3A_13, %add3A_892 : vector<16xi32>
          %select_n3A_894 = arith.select %lt3A_890, %add3A_893, %xor3A_13 : vector<16xi1>, vector<16xi32>
          %broadcast_in_dim3A_895 = vector.shape_cast %select_n3A_894 : vector<16xi32> to vector<16x1xi32>
          %gather3A_896 = vector.shape_cast %broadcast_in_dim3A_895 : vector<16x1xi32> to vector<16xi32>
          %gather3A_897 = tpu.dynamic_gather %add3A_864[%gather3A_896] in [0] : vector<16xf32>, vector<16xi32> -> vector<16xf32>
          %lt3A_898 = arith.constant 0 : i32
          %lt3A_899 = vector.broadcast %lt3A_898 : i32 to vector<16xi32>
          %lt3A_900 = arith.cmpi slt, %xor3A_13, %lt3A_899 : vector<16xi32>
          %add3A_901 = arith.constant 16 : i32
          %add3A_902 = vector.broadcast %add3A_901 : i32 to vector<16xi32>
          %add3A_903 = arith.addi %xor3A_13, %add3A_902 : vector<16xi32>
          %select_n3A_904 = arith.select %lt3A_900, %add3A_903, %xor3A_13 : vector<16xi1>, vector<16xi32>
          %broadcast_in_dim3A_905 = vector.shape_cast %select_n3A_904 : vector<16xi32> to vector<16x1xi32>
          %gather3A_906 = vector.shape_cast %broadcast_in_dim3A_905 : vector<16x1xi32> to vector<16xi32>
          %gather3A_907 = tpu.dynamic_gather %add3A_887[%gather3A_906] in [0] : vector<16xf32>, vector<16xi32> -> vector<16xf32>
          %select_n3A_908 = arith.select %eq3A_29, %add3A_864, %gather3A_907 : vector<16xi1>, vector<16xf32>
          %select_n3A_909 = arith.select %eq3A_29, %gather3A_897, %add3A_887 : vector<16xi1>, vector<16xf32>
          %add3A_910 = arith.addf %select_n3A_908, %select_n3A_909 : vector<16xf32>
          %lt3A_911 = arith.constant 0 : i32
          %lt3A_912 = vector.broadcast %lt3A_911 : i32 to vector<16xi32>
          %lt3A_913 = arith.cmpi slt, %xor3A_16, %lt3A_912 : vector<16xi32>
          %add3A_914 = arith.constant 16 : i32
          %add3A_915 = vector.broadcast %add3A_914 : i32 to vector<16xi32>
          %add3A_916 = arith.addi %xor3A_16, %add3A_915 : vector<16xi32>
          %select_n3A_917 = arith.select %lt3A_913, %add3A_916, %xor3A_16 : vector<16xi1>, vector<16xi32>
          %broadcast_in_dim3A_918 = vector.shape_cast %select_n3A_917 : vector<16xi32> to vector<16x1xi32>
          %gather3A_919 = vector.shape_cast %broadcast_in_dim3A_918 : vector<16x1xi32> to vector<16xi32>
          %gather3A_920 = tpu.dynamic_gather %add3A_910[%gather3A_919] in [0] : vector<16xf32>, vector<16xi32> -> vector<16xf32>
          %add3A_921 = arith.addf %add3A_910, %gather3A_920 : vector<16xf32>
          %lt3A_922 = arith.constant 0 : i32
          %lt3A_923 = vector.broadcast %lt3A_922 : i32 to vector<16xi32>
          %lt3A_924 = arith.cmpi slt, %xor3A_19, %lt3A_923 : vector<16xi32>
          %add3A_925 = arith.constant 16 : i32
          %add3A_926 = vector.broadcast %add3A_925 : i32 to vector<16xi32>
          %add3A_927 = arith.addi %xor3A_19, %add3A_926 : vector<16xi32>
          %select_n3A_928 = arith.select %lt3A_924, %add3A_927, %xor3A_19 : vector<16xi1>, vector<16xi32>
          %broadcast_in_dim3A_929 = vector.shape_cast %select_n3A_928 : vector<16xi32> to vector<16x1xi32>
          %gather3A_930 = vector.shape_cast %broadcast_in_dim3A_929 : vector<16x1xi32> to vector<16xi32>
          %gather3A_931 = tpu.dynamic_gather %add3A_921[%gather3A_930] in [0] : vector<16xf32>, vector<16xi32> -> vector<16xf32>
          %add3A_932 = arith.addf %add3A_921, %gather3A_931 : vector<16xf32>
          %eq3A_933 = vector.broadcast %scan3A_634 : i32 to vector<16xi32>
          %eq3A_934 = arith.cmpi eq, %shift_right_arithmetic3A_8, %eq3A_933 : vector<16xi32>
          %select_n3A_935 = arith.select %eq3A_934, %add3A_932, %scan3A_635 : vector<16xi1>, vector<16xf32>
          scf.yield %select_n3A_935 : vector<16xf32>
        }
        %scan3A_625 = arith.constant 4 : i32
        %mul3A_626 = arith.constant 80 : i32
        %mul3A_627 = arith.muli %add3A_486, %mul3A_626 : i32
        %mul3A_628 = arith.constant 16 : i32
        %mul3A_629 = arith.muli %scan3A_617, %mul3A_628 : i32
        %add3A_630 = arith.addi %mul3A_627, %mul3A_629 : i32
        %swap3A_631 = arith.index_cast %add3A_630 : i32 to index
        %swap3A_632 = tpu.vector_load %arg12[%swap3A_631] {strides = array<i32>} : memref<10000xf32, #tpu.memory_space<vmem>>, vector<16xf32>,
        tpu.vector_store %arg12[%swap3A_631], %scan3A_624 {strides = array<i32>} : memref<10000xf32, #tpu.memory_space<vmem>>, vector<16xf32>,
        %scan3A_633 = arith.constant 0 : i32
        scf.yield %scan3A_633 : i32
      }
      %scan3A_493 = arith.constant 5 : i32
      %mul3A_494 = arith.constant 80 : i32
      %mul3A_495 = arith.muli %add3A_486, %mul3A_494 : i32
      %add3A_496 = arith.constant 0 : i32
      %add3A_497 = arith.addi %mul3A_495, %add3A_496 : i32
      %get3A_498 = arith.index_cast %add3A_497 : i32 to index
      %get3A_499 = tpu.vector_load %arg12[%get3A_498] {strides = array<i32>} : memref<10000xf32, #tpu.memory_space<vmem>>, vector<16xf32>,
      %neg3A_500 = arith.constant 0.000000e+00 : f32
      %neg3A_501 = vector.broadcast %neg3A_500 : f32 to vector<16xf32>
      %neg3A_502 = arith.subf %neg3A_501, %get3A_499 : vector<16xf32>
      %exp3A_503 = math.exp %neg3A_502 : vector<16xf32>
      %add3A_504 = arith.constant 1.000000e+00 : f32
      %add3A_505 = vector.broadcast %add3A_504 : f32 to vector<16xf32>
      %add3A_506 = arith.addf %add3A_505, %exp3A_503 : vector<16xf32>
      %div3A_507 = arith.constant 1.000000e+00 : f32
      %div3A_508 = vector.broadcast %div3A_507 : f32 to vector<16xf32>
      %div3A_509 = arith.divf %div3A_508, %add3A_506 : vector<16xf32>
      %mul3A_510 = arith.constant 80 : i32
      %mul3A_511 = arith.muli %add3A_486, %mul3A_510 : i32
      %add3A_512 = arith.constant 0 : i32
      %add3A_513 = arith.addi %mul3A_511, %add3A_512 : i32
      %swap3A_514 = arith.index_cast %add3A_513 : i32 to index
      %swap3A_515 = tpu.vector_load %arg12[%swap3A_514] {strides = array<i32>} : memref<10000xf32, #tpu.memory_space<vmem>>, vector<16xf32>,
      tpu.vector_store %arg12[%swap3A_514], %div3A_509 {strides = array<i32>} : memref<10000xf32, #tpu.memory_space<vmem>>, vector<16xf32>,
      %mul3A_516 = arith.constant 80 : i32
      %mul3A_517 = arith.muli %add3A_486, %mul3A_516 : i32
      %add3A_518 = arith.constant 16 : i32
      %add3A_519 = arith.addi %mul3A_517, %add3A_518 : i32
      %get3A_520 = arith.index_cast %add3A_519 : i32 to index
      %get3A_521 = tpu.vector_load %arg12[%get3A_520] {strides = array<i32>} : memref<10000xf32, #tpu.memory_space<vmem>>, vector<16xf32>,
      %neg3A_522 = arith.constant 0.000000e+00 : f32
      %neg3A_523 = vector.broadcast %neg3A_522 : f32 to vector<16xf32>
      %neg3A_524 = arith.subf %neg3A_523, %get3A_521 : vector<16xf32>
      %exp3A_525 = math.exp %neg3A_524 : vector<16xf32>
      %add3A_526 = arith.constant 1.000000e+00 : f32
      %add3A_527 = vector.broadcast %add3A_526 : f32 to vector<16xf32>
      %add3A_528 = arith.addf %add3A_527, %exp3A_525 : vector<16xf32>
      %div3A_529 = arith.constant 1.000000e+00 : f32
      %div3A_530 = vector.broadcast %div3A_529 : f32 to vector<16xf32>
      %div3A_531 = arith.divf %div3A_530, %add3A_528 : vector<16xf32>
      %mul3A_532 = arith.constant 80 : i32
      %mul3A_533 = arith.muli %add3A_486, %mul3A_532 : i32
      %add3A_534 = arith.constant 16 : i32
      %add3A_535 = arith.addi %mul3A_533, %add3A_534 : i32
      %swap3A_536 = arith.index_cast %add3A_535 : i32 to index
      %swap3A_537 = tpu.vector_load %arg12[%swap3A_536] {strides = array<i32>} : memref<10000xf32, #tpu.memory_space<vmem>>, vector<16xf32>,
      tpu.vector_store %arg12[%swap3A_536], %div3A_531 {strides = array<i32>} : memref<10000xf32, #tpu.memory_space<vmem>>, vector<16xf32>,
      %mul3A_538 = arith.constant 80 : i32
      %mul3A_539 = arith.muli %add3A_486, %mul3A_538 : i32
      %add3A_540 = arith.constant 32 : i32
      %add3A_541 = arith.addi %mul3A_539, %add3A_540 : i32
      %get3A_542 = arith.index_cast %add3A_541 : i32 to index
      %get3A_543 = tpu.vector_load %arg12[%get3A_542] {strides = array<i32>} : memref<10000xf32, #tpu.memory_space<vmem>>, vector<16xf32>,
      %neg3A_544 = arith.constant 0.000000e+00 : f32
      %neg3A_545 = vector.broadcast %neg3A_544 : f32 to vector<16xf32>
      %neg3A_546 = arith.subf %neg3A_545, %get3A_543 : vector<16xf32>
      %exp3A_547 = math.exp %neg3A_546 : vector<16xf32>
      %add3A_548 = arith.constant 1.000000e+00 : f32
      %add3A_549 = vector.broadcast %add3A_548 : f32 to vector<16xf32>
      %add3A_550 = arith.addf %add3A_549, %exp3A_547 : vector<16xf32>
      %div3A_551 = arith.constant 1.000000e+00 : f32
      %div3A_552 = vector.broadcast %div3A_551 : f32 to vector<16xf32>
      %div3A_553 = arith.divf %div3A_552, %add3A_550 : vector<16xf32>
      %mul3A_554 = arith.constant 80 : i32
      %mul3A_555 = arith.muli %add3A_486, %mul3A_554 : i32
      %add3A_556 = arith.constant 32 : i32
      %add3A_557 = arith.addi %mul3A_555, %add3A_556 : i32
      %swap3A_558 = arith.index_cast %add3A_557 : i32 to index
      %swap3A_559 = tpu.vector_load %arg12[%swap3A_558] {strides = array<i32>} : memref<10000xf32, #tpu.memory_space<vmem>>, vector<16xf32>,
      tpu.vector_store %arg12[%swap3A_558], %div3A_553 {strides = array<i32>} : memref<10000xf32, #tpu.memory_space<vmem>>, vector<16xf32>,
      %mul3A_560 = arith.constant 80 : i32
      %mul3A_561 = arith.muli %add3A_486, %mul3A_560 : i32
      %add3A_562 = arith.constant 48 : i32
      %add3A_563 = arith.addi %mul3A_561, %add3A_562 : i32
      %get3A_564 = arith.index_cast %add3A_563 : i32 to index
      %get3A_565 = tpu.vector_load %arg12[%get3A_564] {strides = array<i32>} : memref<10000xf32, #tpu.memory_space<vmem>>, vector<16xf32>,
      %neg3A_566 = arith.constant 0.000000e+00 : f32
      %neg3A_567 = vector.broadcast %neg3A_566 : f32 to vector<16xf32>
      %neg3A_568 = arith.subf %neg3A_567, %get3A_565 : vector<16xf32>
      %exp3A_569 = math.exp %neg3A_568 : vector<16xf32>
      %add3A_570 = arith.constant 1.000000e+00 : f32
      %add3A_571 = vector.broadcast %add3A_570 : f32 to vector<16xf32>
      %add3A_572 = arith.addf %add3A_571, %exp3A_569 : vector<16xf32>
      %div3A_573 = arith.constant 1.000000e+00 : f32
      %div3A_574 = vector.broadcast %div3A_573 : f32 to vector<16xf32>
      %div3A_575 = arith.divf %div3A_574, %add3A_572 : vector<16xf32>
      %mul3A_576 = arith.constant 80 : i32
      %mul3A_577 = arith.muli %add3A_486, %mul3A_576 : i32
      %add3A_578 = arith.constant 48 : i32
      %add3A_579 = arith.addi %mul3A_577, %add3A_578 : i32
      %swap3A_580 = arith.index_cast %add3A_579 : i32 to index
      %swap3A_581 = tpu.vector_load %arg12[%swap3A_580] {strides = array<i32>} : memref<10000xf32, #tpu.memory_space<vmem>>, vector<16xf32>,
      tpu.vector_store %arg12[%swap3A_580], %div3A_575 {strides = array<i32>} : memref<10000xf32, #tpu.memory_space<vmem>>, vector<16xf32>,
      %mul3A_582 = arith.constant 80 : i32
      %mul3A_583 = arith.muli %add3A_486, %mul3A_582 : i32
      %add3A_584 = arith.constant 64 : i32
      %add3A_585 = arith.addi %mul3A_583, %add3A_584 : i32
      %get3A_586 = arith.index_cast %add3A_585 : i32 to index
      %get3A_587 = tpu.vector_load %arg12[%get3A_586] {strides = array<i32>} : memref<10000xf32, #tpu.memory_space<vmem>>, vector<16xf32>,
      %neg3A_588 = arith.constant 0.000000e+00 : f32
      %neg3A_589 = vector.broadcast %neg3A_588 : f32 to vector<16xf32>
      %neg3A_590 = arith.subf %neg3A_589, %get3A_587 : vector<16xf32>
      %exp3A_591 = math.exp %neg3A_590 : vector<16xf32>
      %add3A_592 = arith.constant 1.000000e+00 : f32
      %add3A_593 = vector.broadcast %add3A_592 : f32 to vector<16xf32>
      %add3A_594 = arith.addf %add3A_593, %exp3A_591 : vector<16xf32>
      %div3A_595 = arith.constant 1.000000e+00 : f32
      %div3A_596 = vector.broadcast %div3A_595 : f32 to vector<16xf32>
      %div3A_597 = arith.divf %div3A_596, %add3A_594 : vector<16xf32>
      %mul3A_598 = arith.constant 80 : i32
      %mul3A_599 = arith.muli %add3A_486, %mul3A_598 : i32
      %add3A_600 = arith.constant 64 : i32
      %add3A_601 = arith.addi %mul3A_599, %add3A_600 : i32
      %swap3A_602 = arith.index_cast %add3A_601 : i32 to index
      %swap3A_603 = tpu.vector_load %arg12[%swap3A_602] {strides = array<i32>} : memref<10000xf32, #tpu.memory_space<vmem>>, vector<16xf32>,
      tpu.vector_store %arg12[%swap3A_602], %div3A_597 {strides = array<i32>} : memref<10000xf32, #tpu.memory_space<vmem>>, vector<16xf32>,
      %add3A_604 = arith.constant 3 : i32
      %add3A_605 = arith.addi %mul3A_331, %add3A_604 : i32
      %mul3A_606 = arith.constant 80 : i32
      %mul3A_607 = arith.muli %add3A_605, %mul3A_606 : i32
      %dma_start3A_608 = tpu.memref_slice %arg6[%mul3A_607] : memref<10000xi32, #tpu.memory_space<vmem>> -> memref<80xi32, #tpu.memory_space<vmem>>
      %dma_start3A_609 = arith.constant 0 : i32
      %dma_start3A_610 = arith.constant 0 : i32
      %dma_start3A_611 = tpu.memref_slice %arg2[%dma_start3A_609, %dma_start3A_610] : memref<10000x64xi32, #tpu.memory_space<hbm>> -> memref<10000x64xi32, #tpu.memory_space<hbm>>
      tpu.enqueue_indirect_dma source(%dma_start3A_611 : memref<10000x64xi32, #tpu.memory_space<hbm>>) target(%arg10 : memref<80x64xi32, #tpu.memory_space<vmem>>) offsets(%dma_start3A_608 : memref<80xi32, #tpu.memory_space<vmem>>) semaphore(%arg14 : memref<!tpu.dma_semaphore, #tpu.memory_space<semaphore_mem>>)
      %dma_start3A_612 = tpu.memref_slice %arg7[%mul3A_607] : memref<10000xi32, #tpu.memory_space<vmem>> -> memref<80xi32, #tpu.memory_space<vmem>>
      %dma_start3A_613 = arith.constant 0 : i32
      %dma_start3A_614 = arith.constant 0 : i32
      %dma_start3A_615 = tpu.memref_slice %arg3[%dma_start3A_613, %dma_start3A_614] : memref<10000x64xi32, #tpu.memory_space<hbm>> -> memref<10000x64xi32, #tpu.memory_space<hbm>>
      tpu.enqueue_indirect_dma source(%dma_start3A_615 : memref<10000x64xi32, #tpu.memory_space<hbm>>) target(%arg11 : memref<80x64xi32, #tpu.memory_space<vmem>>) offsets(%dma_start3A_612 : memref<80xi32, #tpu.memory_space<vmem>>) semaphore(%arg14 : memref<!tpu.dma_semaphore, #tpu.memory_space<semaphore_mem>>)
      %scan3A_616 = arith.constant 0 : i32
      scf.yield %scan3A_616 : i32
    }
    %scan3A_54 = arith.constant 61 : i32
    %dma_wait3A = arith.constant 0 : i32
    %dma_wait3A_55 = arith.constant 0 : i32
    %dma_wait3A_56 = tpu.memref_slice %arg2[%dma_wait3A, %dma_wait3A_55] : memref<10000x64xi32, #tpu.memory_space<hbm>> -> memref<80x64xi32, #tpu.memory_space<hbm>>
    %dma_wait3A_57 = arith.constant 0 : i32
    %dma_wait3A_58 = arith.constant 0 : i32
    %dma_wait3A_59 = tpu.memref_slice %arg2[%dma_wait3A_57, %dma_wait3A_58] : memref<10000x64xi32, #tpu.memory_space<hbm>> -> memref<80x64xi32, #tpu.memory_space<hbm>>
    tpu.wait_dma2 semaphore(%arg13 : memref<!tpu.dma_semaphore, #tpu.memory_space<semaphore_mem>>) src(%dma_wait3A_59 : memref<80x64xi32, #tpu.memory_space<hbm>>) dst(%arg8 : memref<80x64xi32, #tpu.memory_space<vmem>>)
    %dma_wait3A_60 = arith.constant 0 : i32
    %dma_wait3A_61 = arith.constant 0 : i32
    %dma_wait3A_62 = tpu.memref_slice %arg2[%dma_wait3A_60, %dma_wait3A_61] : memref<10000x64xi32, #tpu.memory_space<hbm>> -> memref<80x64xi32, #tpu.memory_space<hbm>>
    %dma_wait3A_63 = arith.constant 0 : i32
    %dma_wait3A_64 = arith.constant 0 : i32
    %dma_wait3A_65 = tpu.memref_slice %arg2[%dma_wait3A_63, %dma_wait3A_64] : memref<10000x64xi32, #tpu.memory_space<hbm>> -> memref<80x64xi32, #tpu.memory_space<hbm>>
    tpu.wait_dma2 semaphore(%arg13 : memref<!tpu.dma_semaphore, #tpu.memory_space<semaphore_mem>>) src(%dma_wait3A_65 : memref<80x64xi32, #tpu.memory_space<hbm>>) dst(%arg9 : memref<80x64xi32, #tpu.memory_space<vmem>>)
    %scan3A_66 = arith.constant 0 : i32
    %scan3A_67 = arith.constant 0 : i32
    %scan3A_68 = arith.constant 5 : i32
    %scan3A_69 = arith.addi %scan3A_67, %scan3A_68 : i32
    %scan3A_70 = arith.constant 1 : i32
    %scan3A_71 = scf.for %scan3A_328 = %scan3A_67 to %scan3A_69 step %scan3A_70 iter_args(%scan3A_329 = %scan3A_66) -> (i32)  : i32 {
      %broadcast_in_dim3A = arith.constant 0.000000e+00 : f32
      %broadcast_in_dim3A_330 = vector.broadcast %broadcast_in_dim3A : f32 to vector<16xf32>
      %scan3A_331 = arith.constant 0 : i32
      %scan3A_332 = arith.constant 4 : i32
      %scan3A_333 = arith.addi %scan3A_331, %scan3A_332 : i32
      %scan3A_334 = arith.constant 1 : i32
      %scan3A_335 = scf.for %scan3A_344 = %scan3A_331 to %scan3A_333 step %scan3A_334 iter_args(%scan3A_345 = %broadcast_in_dim3A_330) -> (vector<16xf32>)  : i32 {
        %mul3A_346 = arith.constant 16 : i32
        %mul3A_347 = arith.muli %scan3A_328, %mul3A_346 : i32
        %mul3A_348 = arith.constant 4 : i32
        %mul3A_349 = arith.muli %scan3A_344, %mul3A_348 : i32
        %add3A_350 = arith.addi %mul3A_347, %mul3A_349 : i32
        %add3A_351 = arith.constant 0 : i32
        %add3A_352 = arith.addi %add3A_350, %add3A_351 : i32
        %get3A_353 = arith.index_cast %add3A_352 : i32 to index
        %get3A_354 = arith.constant 0 : index
        %get3A_355 = tpu.vector_load %arg8[%get3A_353, %get3A_354] {strides = array<i32>} : memref<80x64xi32, #tpu.memory_space<vmem>>, vector<16xi32>,
        %bitcast3A = vector.bitcast %get3A_355 : vector<16xi32> to vector<32xbf16>
        %get3A_356 = arith.index_cast %add3A_352 : i32 to index
        %get3A_357 = arith.constant 0 : index
        %get3A_358 = tpu.vector_load %arg9[%get3A_356, %get3A_357] {strides = array<i32>} : memref<80x64xi32, #tpu.memory_space<vmem>>, vector<16xi32>,
        %bitcast3A_359 = vector.bitcast %get3A_358 : vector<16xi32> to vector<32xbf16>
        %mul3A_360 = arith.mulf %bitcast3A, %bitcast3A_359 : vector<32xbf16>
        %get3A_361 = arith.index_cast %add3A_352 : i32 to index
        %get3A_362 = arith.constant 16 : index
        %get3A_363 = tpu.vector_load %arg8[%get3A_361, %get3A_362] {strides = array<i32>} : memref<80x64xi32, #tpu.memory_space<vmem>>, vector<16xi32>,
        %bitcast3A_364 = vector.bitcast %get3A_363 : vector<16xi32> to vector<32xbf16>
        %get3A_365 = arith.index_cast %add3A_352 : i32 to index
        %get3A_366 = arith.constant 16 : index
        %get3A_367 = tpu.vector_load %arg9[%get3A_365, %get3A_366] {strides = array<i32>} : memref<80x64xi32, #tpu.memory_space<vmem>>, vector<16xi32>,
        %bitcast3A_368 = vector.bitcast %get3A_367 : vector<16xi32> to vector<32xbf16>
        %mul3A_369 = arith.mulf %bitcast3A_364, %bitcast3A_368 : vector<32xbf16>
        %add3A_370 = arith.addf %mul3A_360, %mul3A_369 : vector<32xbf16>
        %get3A_371 = arith.index_cast %add3A_352 : i32 to index
        %get3A_372 = arith.constant 32 : index
        %get3A_373 = tpu.vector_load %arg8[%get3A_371, %get3A_372] {strides = array<i32>} : memref<80x64xi32, #tpu.memory_space<vmem>>, vector<16xi32>,
        %bitcast3A_374 = vector.bitcast %get3A_373 : vector<16xi32> to vector<32xbf16>
        %get3A_375 = arith.index_cast %add3A_352 : i32 to index
        %get3A_376 = arith.constant 32 : index
        %get3A_377 = tpu.vector_load %arg9[%get3A_375, %get3A_376] {strides = array<i32>} : memref<80x64xi32, #tpu.memory_space<vmem>>, vector<16xi32>,
        %bitcast3A_378 = vector.bitcast %get3A_377 : vector<16xi32> to vector<32xbf16>
        %mul3A_379 = arith.mulf %bitcast3A_374, %bitcast3A_378 : vector<32xbf16>
        %add3A_380 = arith.addf %add3A_370, %mul3A_379 : vector<32xbf16>
        %get3A_381 = arith.index_cast %add3A_352 : i32 to index
        %get3A_382 = arith.constant 48 : index
        %get3A_383 = tpu.vector_load %arg8[%get3A_381, %get3A_382] {strides = array<i32>} : memref<80x64xi32, #tpu.memory_space<vmem>>, vector<16xi32>,
        %bitcast3A_384 = vector.bitcast %get3A_383 : vector<16xi32> to vector<32xbf16>
        %get3A_385 = arith.index_cast %add3A_352 : i32 to index
        %get3A_386 = arith.constant 48 : index
        %get3A_387 = tpu.vector_load %arg9[%get3A_385, %get3A_386] {strides = array<i32>} : memref<80x64xi32, #tpu.memory_space<vmem>>, vector<16xi32>,
        %bitcast3A_388 = vector.bitcast %get3A_387 : vector<16xi32> to vector<32xbf16>
        %mul3A_389 = arith.mulf %bitcast3A_384, %bitcast3A_388 : vector<32xbf16>
        %add3A_390 = arith.addf %add3A_380, %mul3A_389 : vector<32xbf16>
        %bitcast3A_391 = vector.bitcast %add3A_390 : vector<32xbf16> to vector<16xi32>
        %shift_left3A = arith.constant 16 : i32
        %shift_left3A_392 = vector.broadcast %shift_left3A : i32 to vector<16xi32>
        %shift_left3A_393 = arith.shli %bitcast3A_391, %shift_left3A_392 : vector<16xi32>
        %bitcast_convert_type3A = tpu.bitcast %shift_left3A_393 : vector<16xi32> -> vector<16xf32>
        %bitcast_convert_type3A_394 = tpu.bitcast %bitcast3A_391 : vector<16xi32> -> vector<16xf32>
        %add3A_395 = arith.addf %bitcast_convert_type3A, %bitcast_convert_type3A_394 : vector<16xf32>
        %mul3A_396 = arith.constant 16 : i32
        %mul3A_397 = arith.muli %scan3A_328, %mul3A_396 : i32
        %mul3A_398 = arith.constant 4 : i32
        %mul3A_399 = arith.muli %scan3A_344, %mul3A_398 : i32
        %add3A_400 = arith.addi %mul3A_397, %mul3A_399 : i32
        %add3A_401 = arith.constant 1 : i32
        %add3A_402 = arith.addi %add3A_400, %add3A_401 : i32
        %get3A_403 = arith.index_cast %add3A_402 : i32 to index
        %get3A_404 = arith.constant 0 : index
        %get3A_405 = tpu.vector_load %arg8[%get3A_403, %get3A_404] {strides = array<i32>} : memref<80x64xi32, #tpu.memory_space<vmem>>, vector<16xi32>,
        %bitcast3A_406 = vector.bitcast %get3A_405 : vector<16xi32> to vector<32xbf16>
        %get3A_407 = arith.index_cast %add3A_402 : i32 to index
        %get3A_408 = arith.constant 0 : index
        %get3A_409 = tpu.vector_load %arg9[%get3A_407, %get3A_408] {strides = array<i32>} : memref<80x64xi32, #tpu.memory_space<vmem>>, vector<16xi32>,
        %bitcast3A_410 = vector.bitcast %get3A_409 : vector<16xi32> to vector<32xbf16>
        %mul3A_411 = arith.mulf %bitcast3A_406, %bitcast3A_410 : vector<32xbf16>
        %get3A_412 = arith.index_cast %add3A_402 : i32 to index
        %get3A_413 = arith.constant 16 : index
        %get3A_414 = tpu.vector_load %arg8[%get3A_412, %get3A_413] {strides = array<i32>} : memref<80x64xi32, #tpu.memory_space<vmem>>, vector<16xi32>,
        %bitcast3A_415 = vector.bitcast %get3A_414 : vector<16xi32> to vector<32xbf16>
        %get3A_416 = arith.index_cast %add3A_402 : i32 to index
        %get3A_417 = arith.constant 16 : index
        %get3A_418 = tpu.vector_load %arg9[%get3A_416, %get3A_417] {strides = array<i32>} : memref<80x64xi32, #tpu.memory_space<vmem>>, vector<16xi32>,
        %bitcast3A_419 = vector.bitcast %get3A_418 : vector<16xi32> to vector<32xbf16>
        %mul3A_420 = arith.mulf %bitcast3A_415, %bitcast3A_419 : vector<32xbf16>
        %add3A_421 = arith.addf %mul3A_411, %mul3A_420 : vector<32xbf16>
        %get3A_422 = arith.index_cast %add3A_402 : i32 to index
        %get3A_423 = arith.constant 32 : index
        %get3A_424 = tpu.vector_load %arg8[%get3A_422, %get3A_423] {strides = array<i32>} : memref<80x64xi32, #tpu.memory_space<vmem>>, vector<16xi32>,
        %bitcast3A_425 = vector.bitcast %get3A_424 : vector<16xi32> to vector<32xbf16>
        %get3A_426 = arith.index_cast %add3A_402 : i32 to index
        %get3A_427 = arith.constant 32 : index
        %get3A_428 = tpu.vector_load %arg9[%get3A_426, %get3A_427] {strides = array<i32>} : memref<80x64xi32, #tpu.memory_space<vmem>>, vector<16xi32>,
        %bitcast3A_429 = vector.bitcast %get3A_428 : vector<16xi32> to vector<32xbf16>
        %mul3A_430 = arith.mulf %bitcast3A_425, %bitcast3A_429 : vector<32xbf16>
        %add3A_431 = arith.addf %add3A_421, %mul3A_430 : vector<32xbf16>
        %get3A_432 = arith.index_cast %add3A_402 : i32 to index
        %get3A_433 = arith.constant 48 : index
        %get3A_434 = tpu.vector_load %arg8[%get3A_432, %get3A_433] {strides = array<i32>} : memref<80x64xi32, #tpu.memory_space<vmem>>, vector<16xi32>,
        %bitcast3A_435 = vector.bitcast %get3A_434 : vector<16xi32> to vector<32xbf16>
        %get3A_436 = arith.index_cast %add3A_402 : i32 to index
        %get3A_437 = arith.constant 48 : index
        %get3A_438 = tpu.vector_load %arg9[%get3A_436, %get3A_437] {strides = array<i32>} : memref<80x64xi32, #tpu.memory_space<vmem>>, vector<16xi32>,
        %bitcast3A_439 = vector.bitcast %get3A_438 : vector<16xi32> to vector<32xbf16>
        %mul3A_440 = arith.mulf %bitcast3A_435, %bitcast3A_439 : vector<32xbf16>
        %add3A_441 = arith.addf %add3A_431, %mul3A_440 : vector<32xbf16>
        %bitcast3A_442 = vector.bitcast %add3A_441 : vector<32xbf16> to vector<16xi32>
        %shift_left3A_443 = arith.constant 16 : i32
        %shift_left3A_444 = vector.broadcast %shift_left3A_443 : i32 to vector<16xi32>
        %shift_left3A_445 = arith.shli %bitcast3A_442, %shift_left3A_444 : vector<16xi32>
        %bitcast_convert_type3A_446 = tpu.bitcast %shift_left3A_445 : vector<16xi32> -> vector<16xf32>
        %bitcast_convert_type3A_447 = tpu.bitcast %bitcast3A_442 : vector<16xi32> -> vector<16xf32>
        %add3A_448 = arith.addf %bitcast_convert_type3A_446, %bitcast_convert_type3A_447 : vector<16xf32>
        %mul3A_449 = arith.constant 16 : i32
        %mul3A_450 = arith.muli %scan3A_328, %mul3A_449 : i32
        %mul3A_451 = arith.constant 4 : i32
        %mul3A_452 = arith.muli %scan3A_344, %mul3A_451 : i32
        %add3A_453 = arith.addi %mul3A_450, %mul3A_452 : i32
        %add3A_454 = arith.constant 2 : i32
        %add3A_455 = arith.addi %add3A_453, %add3A_454 : i32
        %get3A_456 = arith.index_cast %add3A_455 : i32 to index
        %get3A_457 = arith.constant 0 : index
        %get3A_458 = tpu.vector_load %arg8[%get3A_456, %get3A_457] {strides = array<i32>} : memref<80x64xi32, #tpu.memory_space<vmem>>, vector<16xi32>,
        %bitcast3A_459 = vector.bitcast %get3A_458 : vector<16xi32> to vector<32xbf16>
        %get3A_460 = arith.index_cast %add3A_455 : i32 to index
        %get3A_461 = arith.constant 0 : index
        %get3A_462 = tpu.vector_load %arg9[%get3A_460, %get3A_461] {strides = array<i32>} : memref<80x64xi32, #tpu.memory_space<vmem>>, vector<16xi32>,
        %bitcast3A_463 = vector.bitcast %get3A_462 : vector<16xi32> to vector<32xbf16>
        %mul3A_464 = arith.mulf %bitcast3A_459, %bitcast3A_463 : vector<32xbf16>
        %get3A_465 = arith.index_cast %add3A_455 : i32 to index
        %get3A_466 = arith.constant 16 : index
        %get3A_467 = tpu.vector_load %arg8[%get3A_465, %get3A_466] {strides = array<i32>} : memref<80x64xi32, #tpu.memory_space<vmem>>, vector<16xi32>,
        %bitcast3A_468 = vector.bitcast %get3A_467 : vector<16xi32> to vector<32xbf16>
        %get3A_469 = arith.index_cast %add3A_455 : i32 to index
        %get3A_470 = arith.constant 16 : index
        %get3A_471 = tpu.vector_load %arg9[%get3A_469, %get3A_470] {strides = array<i32>} : memref<80x64xi32, #tpu.memory_space<vmem>>, vector<16xi32>,
        %bitcast3A_472 = vector.bitcast %get3A_471 : vector<16xi32> to vector<32xbf16>
        %mul3A_473 = arith.mulf %bitcast3A_468, %bitcast3A_472 : vector<32xbf16>
        %add3A_474 = arith.addf %mul3A_464, %mul3A_473 : vector<32xbf16>
        %get3A_475 = arith.index_cast %add3A_455 : i32 to index
        %get3A_476 = arith.constant 32 : index
        %get3A_477 = tpu.vector_load %arg8[%get3A_475, %get3A_476] {strides = array<i32>} : memref<80x64xi32, #tpu.memory_space<vmem>>, vector<16xi32>,
        %bitcast3A_478 = vector.bitcast %get3A_477 : vector<16xi32> to vector<32xbf16>
        %get3A_479 = arith.index_cast %add3A_455 : i32 to index
        %get3A_480 = arith.constant 32 : index
        %get3A_481 = tpu.vector_load %arg9[%get3A_479, %get3A_480] {strides = array<i32>} : memref<80x64xi32, #tpu.memory_space<vmem>>, vector<16xi32>,
        %bitcast3A_482 = vector.bitcast %get3A_481 : vector<16xi32> to vector<32xbf16>
        %mul3A_483 = arith.mulf %bitcast3A_478, %bitcast3A_482 : vector<32xbf16>
        %add3A_484 = arith.addf %add3A_474, %mul3A_483 : vector<32xbf16>
        %get3A_485 = arith.index_cast %add3A_455 : i32 to index
        %get3A_486 = arith.constant 48 : index
        %get3A_487 = tpu.vector_load %arg8[%get3A_485, %get3A_486] {strides = array<i32>} : memref<80x64xi32, #tpu.memory_space<vmem>>, vector<16xi32>,
        %bitcast3A_488 = vector.bitcast %get3A_487 : vector<16xi32> to vector<32xbf16>
        %get3A_489 = arith.index_cast %add3A_455 : i32 to index
        %get3A_490 = arith.constant 48 : index
        %get3A_491 = tpu.vector_load %arg9[%get3A_489, %get3A_490] {strides = array<i32>} : memref<80x64xi32, #tpu.memory_space<vmem>>, vector<16xi32>,
        %bitcast3A_492 = vector.bitcast %get3A_491 : vector<16xi32> to vector<32xbf16>
        %mul3A_493 = arith.mulf %bitcast3A_488, %bitcast3A_492 : vector<32xbf16>
        %add3A_494 = arith.addf %add3A_484, %mul3A_493 : vector<32xbf16>
        %bitcast3A_495 = vector.bitcast %add3A_494 : vector<32xbf16> to vector<16xi32>
        %shift_left3A_496 = arith.constant 16 : i32
        %shift_left3A_497 = vector.broadcast %shift_left3A_496 : i32 to vector<16xi32>
        %shift_left3A_498 = arith.shli %bitcast3A_495, %shift_left3A_497 : vector<16xi32>
        %bitcast_convert_type3A_499 = tpu.bitcast %shift_left3A_498 : vector<16xi32> -> vector<16xf32>
        %bitcast_convert_type3A_500 = tpu.bitcast %bitcast3A_495 : vector<16xi32> -> vector<16xf32>
        %add3A_501 = arith.addf %bitcast_convert_type3A_499, %bitcast_convert_type3A_500 : vector<16xf32>
        %mul3A_502 = arith.constant 16 : i32
        %mul3A_503 = arith.muli %scan3A_328, %mul3A_502 : i32
        %mul3A_504 = arith.constant 4 : i32
        %mul3A_505 = arith.muli %scan3A_344, %mul3A_504 : i32
        %add3A_506 = arith.addi %mul3A_503, %mul3A_505 : i32
        %add3A_507 = arith.constant 3 : i32
        %add3A_508 = arith.addi %add3A_506, %add3A_507 : i32
        %get3A_509 = arith.index_cast %add3A_508 : i32 to index
        %get3A_510 = arith.constant 0 : index
        %get3A_511 = tpu.vector_load %arg8[%get3A_509, %get3A_510] {strides = array<i32>} : memref<80x64xi32, #tpu.memory_space<vmem>>, vector<16xi32>,
        %bitcast3A_512 = vector.bitcast %get3A_511 : vector<16xi32> to vector<32xbf16>
        %get3A_513 = arith.index_cast %add3A_508 : i32 to index
        %get3A_514 = arith.constant 0 : index
        %get3A_515 = tpu.vector_load %arg9[%get3A_513, %get3A_514] {strides = array<i32>} : memref<80x64xi32, #tpu.memory_space<vmem>>, vector<16xi32>,
        %bitcast3A_516 = vector.bitcast %get3A_515 : vector<16xi32> to vector<32xbf16>
        %mul3A_517 = arith.mulf %bitcast3A_512, %bitcast3A_516 : vector<32xbf16>
        %get3A_518 = arith.index_cast %add3A_508 : i32 to index
        %get3A_519 = arith.constant 16 : index
        %get3A_520 = tpu.vector_load %arg8[%get3A_518, %get3A_519] {strides = array<i32>} : memref<80x64xi32, #tpu.memory_space<vmem>>, vector<16xi32>,
        %bitcast3A_521 = vector.bitcast %get3A_520 : vector<16xi32> to vector<32xbf16>
        %get3A_522 = arith.index_cast %add3A_508 : i32 to index
        %get3A_523 = arith.constant 16 : index
        %get3A_524 = tpu.vector_load %arg9[%get3A_522, %get3A_523] {strides = array<i32>} : memref<80x64xi32, #tpu.memory_space<vmem>>, vector<16xi32>,
        %bitcast3A_525 = vector.bitcast %get3A_524 : vector<16xi32> to vector<32xbf16>
        %mul3A_526 = arith.mulf %bitcast3A_521, %bitcast3A_525 : vector<32xbf16>
        %add3A_527 = arith.addf %mul3A_517, %mul3A_526 : vector<32xbf16>
        %get3A_528 = arith.index_cast %add3A_508 : i32 to index
        %get3A_529 = arith.constant 32 : index
        %get3A_530 = tpu.vector_load %arg8[%get3A_528, %get3A_529] {strides = array<i32>} : memref<80x64xi32, #tpu.memory_space<vmem>>, vector<16xi32>,
        %bitcast3A_531 = vector.bitcast %get3A_530 : vector<16xi32> to vector<32xbf16>
        %get3A_532 = arith.index_cast %add3A_508 : i32 to index
        %get3A_533 = arith.constant 32 : index
        %get3A_534 = tpu.vector_load %arg9[%get3A_532, %get3A_533] {strides = array<i32>} : memref<80x64xi32, #tpu.memory_space<vmem>>, vector<16xi32>,
        %bitcast3A_535 = vector.bitcast %get3A_534 : vector<16xi32> to vector<32xbf16>
        %mul3A_536 = arith.mulf %bitcast3A_531, %bitcast3A_535 : vector<32xbf16>
        %add3A_537 = arith.addf %add3A_527, %mul3A_536 : vector<32xbf16>
        %get3A_538 = arith.index_cast %add3A_508 : i32 to index
        %get3A_539 = arith.constant 48 : index
        %get3A_540 = tpu.vector_load %arg8[%get3A_538, %get3A_539] {strides = array<i32>} : memref<80x64xi32, #tpu.memory_space<vmem>>, vector<16xi32>,
        %bitcast3A_541 = vector.bitcast %get3A_540 : vector<16xi32> to vector<32xbf16>
        %get3A_542 = arith.index_cast %add3A_508 : i32 to index
        %get3A_543 = arith.constant 48 : index
        %get3A_544 = tpu.vector_load %arg9[%get3A_542, %get3A_543] {strides = array<i32>} : memref<80x64xi32, #tpu.memory_space<vmem>>, vector<16xi32>,
        %bitcast3A_545 = vector.bitcast %get3A_544 : vector<16xi32> to vector<32xbf16>
        %mul3A_546 = arith.mulf %bitcast3A_541, %bitcast3A_545 : vector<32xbf16>
        %add3A_547 = arith.addf %add3A_537, %mul3A_546 : vector<32xbf16>
        %bitcast3A_548 = vector.bitcast %add3A_547 : vector<32xbf16> to vector<16xi32>
        %shift_left3A_549 = arith.constant 16 : i32
        %shift_left3A_550 = vector.broadcast %shift_left3A_549 : i32 to vector<16xi32>
        %shift_left3A_551 = arith.shli %bitcast3A_548, %shift_left3A_550 : vector<16xi32>
        %bitcast_convert_type3A_552 = tpu.bitcast %shift_left3A_551 : vector<16xi32> -> vector<16xf32>
        %bitcast_convert_type3A_553 = tpu.bitcast %bitcast3A_548 : vector<16xi32> -> vector<16xf32>
        %add3A_554 = arith.addf %bitcast_convert_type3A_552, %bitcast_convert_type3A_553 : vector<16xf32>
        %lt3A = arith.constant 0 : i32
        %lt3A_555 = vector.broadcast %lt3A : i32 to vector<16xi32>
        %lt3A_556 = arith.cmpi slt, %xor3A_10, %lt3A_555 : vector<16xi32>
        %add3A_557 = arith.constant 16 : i32
        %add3A_558 = vector.broadcast %add3A_557 : i32 to vector<16xi32>
        %add3A_559 = arith.addi %xor3A_10, %add3A_558 : vector<16xi32>
        %select_n3A = arith.select %lt3A_556, %add3A_559, %xor3A_10 : vector<16xi1>, vector<16xi32>
        %broadcast_in_dim3A_560 = vector.shape_cast %select_n3A : vector<16xi32> to vector<16x1xi32>
        %gather3A = vector.shape_cast %broadcast_in_dim3A_560 : vector<16x1xi32> to vector<16xi32>
        %gather3A_561 = tpu.dynamic_gather %add3A_395[%gather3A] in [0] : vector<16xf32>, vector<16xi32> -> vector<16xf32>
        %lt3A_562 = arith.constant 0 : i32
        %lt3A_563 = vector.broadcast %lt3A_562 : i32 to vector<16xi32>
        %lt3A_564 = arith.cmpi slt, %xor3A_10, %lt3A_563 : vector<16xi32>
        %add3A_565 = arith.constant 16 : i32
        %add3A_566 = vector.broadcast %add3A_565 : i32 to vector<16xi32>
        %add3A_567 = arith.addi %xor3A_10, %add3A_566 : vector<16xi32>
        %select_n3A_568 = arith.select %lt3A_564, %add3A_567, %xor3A_10 : vector<16xi1>, vector<16xi32>
        %broadcast_in_dim3A_569 = vector.shape_cast %select_n3A_568 : vector<16xi32> to vector<16x1xi32>
        %gather3A_570 = vector.shape_cast %broadcast_in_dim3A_569 : vector<16x1xi32> to vector<16xi32>
        %gather3A_571 = tpu.dynamic_gather %add3A_448[%gather3A_570] in [0] : vector<16xf32>, vector<16xi32> -> vector<16xf32>
        %select_n3A_572 = arith.select %eq3A_23, %add3A_395, %gather3A_571 : vector<16xi1>, vector<16xf32>
        %select_n3A_573 = arith.select %eq3A_23, %gather3A_561, %add3A_448 : vector<16xi1>, vector<16xf32>
        %add3A_574 = arith.addf %select_n3A_572, %select_n3A_573 : vector<16xf32>
        %lt3A_575 = arith.constant 0 : i32
        %lt3A_576 = vector.broadcast %lt3A_575 : i32 to vector<16xi32>
        %lt3A_577 = arith.cmpi slt, %xor3A_10, %lt3A_576 : vector<16xi32>
        %add3A_578 = arith.constant 16 : i32
        %add3A_579 = vector.broadcast %add3A_578 : i32 to vector<16xi32>
        %add3A_580 = arith.addi %xor3A_10, %add3A_579 : vector<16xi32>
        %select_n3A_581 = arith.select %lt3A_577, %add3A_580, %xor3A_10 : vector<16xi1>, vector<16xi32>
        %broadcast_in_dim3A_582 = vector.shape_cast %select_n3A_581 : vector<16xi32> to vector<16x1xi32>
        %gather3A_583 = vector.shape_cast %broadcast_in_dim3A_582 : vector<16x1xi32> to vector<16xi32>
        %gather3A_584 = tpu.dynamic_gather %add3A_501[%gather3A_583] in [0] : vector<16xf32>, vector<16xi32> -> vector<16xf32>
        %lt3A_585 = arith.constant 0 : i32
        %lt3A_586 = vector.broadcast %lt3A_585 : i32 to vector<16xi32>
        %lt3A_587 = arith.cmpi slt, %xor3A_10, %lt3A_586 : vector<16xi32>
        %add3A_588 = arith.constant 16 : i32
        %add3A_589 = vector.broadcast %add3A_588 : i32 to vector<16xi32>
        %add3A_590 = arith.addi %xor3A_10, %add3A_589 : vector<16xi32>
        %select_n3A_591 = arith.select %lt3A_587, %add3A_590, %xor3A_10 : vector<16xi1>, vector<16xi32>
        %broadcast_in_dim3A_592 = vector.shape_cast %select_n3A_591 : vector<16xi32> to vector<16x1xi32>
        %gather3A_593 = vector.shape_cast %broadcast_in_dim3A_592 : vector<16x1xi32> to vector<16xi32>
        %gather3A_594 = tpu.dynamic_gather %add3A_554[%gather3A_593] in [0] : vector<16xf32>, vector<16xi32> -> vector<16xf32>
        %select_n3A_595 = arith.select %eq3A_23, %add3A_501, %gather3A_594 : vector<16xi1>, vector<16xf32>
        %select_n3A_596 = arith.select %eq3A_23, %gather3A_584, %add3A_554 : vector<16xi1>, vector<16xf32>
        %add3A_597 = arith.addf %select_n3A_595, %select_n3A_596 : vector<16xf32>
        %lt3A_598 = arith.constant 0 : i32
        %lt3A_599 = vector.broadcast %lt3A_598 : i32 to vector<16xi32>
        %lt3A_600 = arith.cmpi slt, %xor3A_13, %lt3A_599 : vector<16xi32>
        %add3A_601 = arith.constant 16 : i32
        %add3A_602 = vector.broadcast %add3A_601 : i32 to vector<16xi32>
        %add3A_603 = arith.addi %xor3A_13, %add3A_602 : vector<16xi32>
        %select_n3A_604 = arith.select %lt3A_600, %add3A_603, %xor3A_13 : vector<16xi1>, vector<16xi32>
        %broadcast_in_dim3A_605 = vector.shape_cast %select_n3A_604 : vector<16xi32> to vector<16x1xi32>
        %gather3A_606 = vector.shape_cast %broadcast_in_dim3A_605 : vector<16x1xi32> to vector<16xi32>
        %gather3A_607 = tpu.dynamic_gather %add3A_574[%gather3A_606] in [0] : vector<16xf32>, vector<16xi32> -> vector<16xf32>
        %lt3A_608 = arith.constant 0 : i32
        %lt3A_609 = vector.broadcast %lt3A_608 : i32 to vector<16xi32>
        %lt3A_610 = arith.cmpi slt, %xor3A_13, %lt3A_609 : vector<16xi32>
        %add3A_611 = arith.constant 16 : i32
        %add3A_612 = vector.broadcast %add3A_611 : i32 to vector<16xi32>
        %add3A_613 = arith.addi %xor3A_13, %add3A_612 : vector<16xi32>
        %select_n3A_614 = arith.select %lt3A_610, %add3A_613, %xor3A_13 : vector<16xi1>, vector<16xi32>
        %broadcast_in_dim3A_615 = vector.shape_cast %select_n3A_614 : vector<16xi32> to vector<16x1xi32>
        %gather3A_616 = vector.shape_cast %broadcast_in_dim3A_615 : vector<16x1xi32> to vector<16xi32>
        %gather3A_617 = tpu.dynamic_gather %add3A_597[%gather3A_616] in [0] : vector<16xf32>, vector<16xi32> -> vector<16xf32>
        %select_n3A_618 = arith.select %eq3A_29, %add3A_574, %gather3A_617 : vector<16xi1>, vector<16xf32>
        %select_n3A_619 = arith.select %eq3A_29, %gather3A_607, %add3A_597 : vector<16xi1>, vector<16xf32>
        %add3A_620 = arith.addf %select_n3A_618, %select_n3A_619 : vector<16xf32>
        %lt3A_621 = arith.constant 0 : i32
        %lt3A_622 = vector.broadcast %lt3A_621 : i32 to vector<16xi32>
        %lt3A_623 = arith.cmpi slt, %xor3A_16, %lt3A_622 : vector<16xi32>
        %add3A_624 = arith.constant 16 : i32
        %add3A_625 = vector.broadcast %add3A_624 : i32 to vector<16xi32>
        %add3A_626 = arith.addi %xor3A_16, %add3A_625 : vector<16xi32>
        %select_n3A_627 = arith.select %lt3A_623, %add3A_626, %xor3A_16 : vector<16xi1>, vector<16xi32>
        %broadcast_in_dim3A_628 = vector.shape_cast %select_n3A_627 : vector<16xi32> to vector<16x1xi32>
        %gather3A_629 = vector.shape_cast %broadcast_in_dim3A_628 : vector<16x1xi32> to vector<16xi32>
        %gather3A_630 = tpu.dynamic_gather %add3A_620[%gather3A_629] in [0] : vector<16xf32>, vector<16xi32> -> vector<16xf32>
        %add3A_631 = arith.addf %add3A_620, %gather3A_630 : vector<16xf32>
        %lt3A_632 = arith.constant 0 : i32
        %lt3A_633 = vector.broadcast %lt3A_632 : i32 to vector<16xi32>
        %lt3A_634 = arith.cmpi slt, %xor3A_19, %lt3A_633 : vector<16xi32>
        %add3A_635 = arith.constant 16 : i32
        %add3A_636 = vector.broadcast %add3A_635 : i32 to vector<16xi32>
        %add3A_637 = arith.addi %xor3A_19, %add3A_636 : vector<16xi32>
        %select_n3A_638 = arith.select %lt3A_634, %add3A_637, %xor3A_19 : vector<16xi1>, vector<16xi32>
        %broadcast_in_dim3A_639 = vector.shape_cast %select_n3A_638 : vector<16xi32> to vector<16x1xi32>
        %gather3A_640 = vector.shape_cast %broadcast_in_dim3A_639 : vector<16x1xi32> to vector<16xi32>
        %gather3A_641 = tpu.dynamic_gather %add3A_631[%gather3A_640] in [0] : vector<16xf32>, vector<16xi32> -> vector<16xf32>
        %add3A_642 = arith.addf %add3A_631, %gather3A_641 : vector<16xf32>
        %eq3A_643 = vector.broadcast %scan3A_344 : i32 to vector<16xi32>
        %eq3A_644 = arith.cmpi eq, %shift_right_arithmetic3A_8, %eq3A_643 : vector<16xi32>
        %select_n3A_645 = arith.select %eq3A_644, %add3A_642, %scan3A_345 : vector<16xi1>, vector<16xf32>
        scf.yield %select_n3A_645 : vector<16xf32>
      }
      %scan3A_336 = arith.constant 4 : i32
      %mul3A_337 = arith.constant 16 : i32
      %mul3A_338 = arith.muli %scan3A_328, %mul3A_337 : i32
      %add3A_339 = arith.constant 9760 : i32
      %add3A_340 = arith.addi %add3A_339, %mul3A_338 : i32
      %swap3A_341 = arith.index_cast %add3A_340 : i32 to index
      %swap3A_342 = tpu.vector_load %arg12[%swap3A_341] {strides = array<i32>} : memref<10000xf32, #tpu.memory_space<vmem>>, vector<16xf32>,
      tpu.vector_store %arg12[%swap3A_341], %scan3A_335 {strides = array<i32>} : memref<10000xf32, #tpu.memory_space<vmem>>, vector<16xf32>,
      %scan3A_343 = arith.constant 0 : i32
      scf.yield %scan3A_343 : i32
    }
    %scan3A_72 = arith.constant 5 : i32
    %get3A = arith.constant 9760 : index
    %get3A_73 = tpu.vector_load %arg12[%get3A] {strides = array<i32>} : memref<10000xf32, #tpu.memory_space<vmem>>, vector<16xf32>,
    %neg3A = arith.constant 0.000000e+00 : f32
    %neg3A_74 = vector.broadcast %neg3A : f32 to vector<16xf32>
    %neg3A_75 = arith.subf %neg3A_74, %get3A_73 : vector<16xf32>
    %exp3A = math.exp %neg3A_75 : vector<16xf32>
    %add3A_76 = arith.constant 1.000000e+00 : f32
    %add3A_77 = vector.broadcast %add3A_76 : f32 to vector<16xf32>
    %add3A_78 = arith.addf %add3A_77, %exp3A : vector<16xf32>
    %div3A = arith.constant 1.000000e+00 : f32
    %div3A_79 = vector.broadcast %div3A : f32 to vector<16xf32>
    %div3A_80 = arith.divf %div3A_79, %add3A_78 : vector<16xf32>
    %swap3A = arith.constant 9760 : index
    %swap3A_81 = tpu.vector_load %arg12[%swap3A] {strides = array<i32>} : memref<10000xf32, #tpu.memory_space<vmem>>, vector<16xf32>,
    tpu.vector_store %arg12[%swap3A], %div3A_80 {strides = array<i32>} : memref<10000xf32, #tpu.memory_space<vmem>>, vector<16xf32>,
    %get3A_82 = arith.constant 9776 : index
    %get3A_83 = tpu.vector_load %arg12[%get3A_82] {strides = array<i32>} : memref<10000xf32, #tpu.memory_space<vmem>>, vector<16xf32>,
    %neg3A_84 = arith.constant 0.000000e+00 : f32
    %neg3A_85 = vector.broadcast %neg3A_84 : f32 to vector<16xf32>
    %neg3A_86 = arith.subf %neg3A_85, %get3A_83 : vector<16xf32>
    %exp3A_87 = math.exp %neg3A_86 : vector<16xf32>
    %add3A_88 = arith.constant 1.000000e+00 : f32
    %add3A_89 = vector.broadcast %add3A_88 : f32 to vector<16xf32>
    %add3A_90 = arith.addf %add3A_89, %exp3A_87 : vector<16xf32>
    %div3A_91 = arith.constant 1.000000e+00 : f32
    %div3A_92 = vector.broadcast %div3A_91 : f32 to vector<16xf32>
    %div3A_93 = arith.divf %div3A_92, %add3A_90 : vector<16xf32>
    %swap3A_94 = arith.constant 9776 : index
    %swap3A_95 = tpu.vector_load %arg12[%swap3A_94] {strides = array<i32>} : memref<10000xf32, #tpu.memory_space<vmem>>, vector<16xf32>,
    tpu.vector_store %arg12[%swap3A_94], %div3A_93 {strides = array<i32>} : memref<10000xf32, #tpu.memory_space<vmem>>, vector<16xf32>,
    %get3A_96 = arith.constant 9792 : index
    %get3A_97 = tpu.vector_load %arg12[%get3A_96] {strides = array<i32>} : memref<10000xf32, #tpu.memory_space<vmem>>, vector<16xf32>,
    %neg3A_98 = arith.constant 0.000000e+00 : f32
    %neg3A_99 = vector.broadcast %neg3A_98 : f32 to vector<16xf32>
    %neg3A_100 = arith.subf %neg3A_99, %get3A_97 : vector<16xf32>
    %exp3A_101 = math.exp %neg3A_100 : vector<16xf32>
    %add3A_102 = arith.constant 1.000000e+00 : f32
    %add3A_103 = vector.broadcast %add3A_102 : f32 to vector<16xf32>
    %add3A_104 = arith.addf %add3A_103, %exp3A_101 : vector<16xf32>
    %div3A_105 = arith.constant 1.000000e+00 : f32
    %div3A_106 = vector.broadcast %div3A_105 : f32 to vector<16xf32>
    %div3A_107 = arith.divf %div3A_106, %add3A_104 : vector<16xf32>
    %swap3A_108 = arith.constant 9792 : index
    %swap3A_109 = tpu.vector_load %arg12[%swap3A_108] {strides = array<i32>} : memref<10000xf32, #tpu.memory_space<vmem>>, vector<16xf32>,
    tpu.vector_store %arg12[%swap3A_108], %div3A_107 {strides = array<i32>} : memref<10000xf32, #tpu.memory_space<vmem>>, vector<16xf32>,
    %get3A_110 = arith.constant 9808 : index
    %get3A_111 = tpu.vector_load %arg12[%get3A_110] {strides = array<i32>} : memref<10000xf32, #tpu.memory_space<vmem>>, vector<16xf32>,
    %neg3A_112 = arith.constant 0.000000e+00 : f32
    %neg3A_113 = vector.broadcast %neg3A_112 : f32 to vector<16xf32>
    %neg3A_114 = arith.subf %neg3A_113, %get3A_111 : vector<16xf32>
    %exp3A_115 = math.exp %neg3A_114 : vector<16xf32>
    %add3A_116 = arith.constant 1.000000e+00 : f32
    %add3A_117 = vector.broadcast %add3A_116 : f32 to vector<16xf32>
    %add3A_118 = arith.addf %add3A_117, %exp3A_115 : vector<16xf32>
    %div3A_119 = arith.constant 1.000000e+00 : f32
    %div3A_120 = vector.broadcast %div3A_119 : f32 to vector<16xf32>
    %div3A_121 = arith.divf %div3A_120, %add3A_118 : vector<16xf32>
    %swap3A_122 = arith.constant 9808 : index
    %swap3A_123 = tpu.vector_load %arg12[%swap3A_122] {strides = array<i32>} : memref<10000xf32, #tpu.memory_space<vmem>>, vector<16xf32>,
    tpu.vector_store %arg12[%swap3A_122], %div3A_121 {strides = array<i32>} : memref<10000xf32, #tpu.memory_space<vmem>>, vector<16xf32>,
    %get3A_124 = arith.constant 9824 : index
    %get3A_125 = tpu.vector_load %arg12[%get3A_124] {strides = array<i32>} : memref<10000xf32, #tpu.memory_space<vmem>>, vector<16xf32>,
    %neg3A_126 = arith.constant 0.000000e+00 : f32
    %neg3A_127 = vector.broadcast %neg3A_126 : f32 to vector<16xf32>
    %neg3A_128 = arith.subf %neg3A_127, %get3A_125 : vector<16xf32>
    %exp3A_129 = math.exp %neg3A_128 : vector<16xf32>
    %add3A_130 = arith.constant 1.000000e+00 : f32
    %add3A_131 = vector.broadcast %add3A_130 : f32 to vector<16xf32>
    %add3A_132 = arith.addf %add3A_131, %exp3A_129 : vector<16xf32>
    %div3A_133 = arith.constant 1.000000e+00 : f32
    %div3A_134 = vector.broadcast %div3A_133 : f32 to vector<16xf32>
    %div3A_135 = arith.divf %div3A_134, %add3A_132 : vector<16xf32>
    %swap3A_136 = arith.constant 9824 : index
    %swap3A_137 = tpu.vector_load %arg12[%swap3A_136] {strides = array<i32>} : memref<10000xf32, #tpu.memory_space<vmem>>, vector<16xf32>,
    tpu.vector_store %arg12[%swap3A_136], %div3A_135 {strides = array<i32>} : memref<10000xf32, #tpu.memory_space<vmem>>, vector<16xf32>,
    %dma_start3A_138 = arith.constant 9920 : i32
    %dma_start3A_139 = tpu.memref_slice %arg6[%dma_start3A_138] : memref<10000xi32, #tpu.memory_space<vmem>> -> memref<80xi32, #tpu.memory_space<vmem>>
    %dma_start3A_140 = arith.constant 0 : i32
    %dma_start3A_141 = arith.constant 0 : i32
    %dma_start3A_142 = tpu.memref_slice %arg2[%dma_start3A_140, %dma_start3A_141] : memref<10000x64xi32, #tpu.memory_space<hbm>> -> memref<10000x64xi32, #tpu.memory_space<hbm>>
    tpu.enqueue_indirect_dma source(%dma_start3A_142 : memref<10000x64xi32, #tpu.memory_space<hbm>>) target(%arg8 : memref<80x64xi32, #tpu.memory_space<vmem>>) offsets(%dma_start3A_139 : memref<80xi32, #tpu.memory_space<vmem>>) semaphore(%arg13 : memref<!tpu.dma_semaphore, #tpu.memory_space<semaphore_mem>>)
    %dma_start3A_143 = arith.constant 9920 : i32
    %dma_start3A_144 = tpu.memref_slice %arg7[%dma_start3A_143] : memref<10000xi32, #tpu.memory_space<vmem>> -> memref<80xi32, #tpu.memory_space<vmem>>
    %dma_start3A_145 = arith.constant 0 : i32
    %dma_start3A_146 = arith.constant 0 : i32
    %dma_start3A_147 = tpu.memref_slice %arg3[%dma_start3A_145, %dma_start3A_146] : memref<10000x64xi32, #tpu.memory_space<hbm>> -> memref<10000x64xi32, #tpu.memory_space<hbm>>
    tpu.enqueue_indirect_dma source(%dma_start3A_147 : memref<10000x64xi32, #tpu.memory_space<hbm>>) target(%arg9 : memref<80x64xi32, #tpu.memory_space<vmem>>) offsets(%dma_start3A_144 : memref<80xi32, #tpu.memory_space<vmem>>) semaphore(%arg13 : memref<!tpu.dma_semaphore, #tpu.memory_space<semaphore_mem>>)
    %dma_wait3A_148 = arith.constant 0 : i32
    %dma_wait3A_149 = arith.constant 0 : i32
    %dma_wait3A_150 = tpu.memref_slice %arg2[%dma_wait3A_148, %dma_wait3A_149] : memref<10000x64xi32, #tpu.memory_space<hbm>> -> memref<80x64xi32, #tpu.memory_space<hbm>>
    %dma_wait3A_151 = arith.constant 0 : i32
    %dma_wait3A_152 = arith.constant 0 : i32
    %dma_wait3A_153 = tpu.memref_slice %arg2[%dma_wait3A_151, %dma_wait3A_152] : memref<10000x64xi32, #tpu.memory_space<hbm>> -> memref<80x64xi32, #tpu.memory_space<hbm>>
    tpu.wait_dma2 semaphore(%arg14 : memref<!tpu.dma_semaphore, #tpu.memory_space<semaphore_mem>>) src(%dma_wait3A_153 : memref<80x64xi32, #tpu.memory_space<hbm>>) dst(%arg10 : memref<80x64xi32, #tpu.memory_space<vmem>>)
    %dma_wait3A_154 = arith.constant 0 : i32
    %dma_wait3A_155 = arith.constant 0 : i32
    %dma_wait3A_156 = tpu.memref_slice %arg2[%dma_wait3A_154, %dma_wait3A_155] : memref<10000x64xi32, #tpu.memory_space<hbm>> -> memref<80x64xi32, #tpu.memory_space<hbm>>
    %dma_wait3A_157 = arith.constant 0 : i32
    %dma_wait3A_158 = arith.constant 0 : i32
    %dma_wait3A_159 = tpu.memref_slice %arg2[%dma_wait3A_157, %dma_wait3A_158] : memref<10000x64xi32, #tpu.memory_space<hbm>> -> memref<80x64xi32, #tpu.memory_space<hbm>>
    tpu.wait_dma2 semaphore(%arg14 : memref<!tpu.dma_semaphore, #tpu.memory_space<semaphore_mem>>) src(%dma_wait3A_159 : memref<80x64xi32, #tpu.memory_space<hbm>>) dst(%arg11 : memref<80x64xi32, #tpu.memory_space<vmem>>)
    %scan3A_160 = arith.constant 0 : i32
    %scan3A_161 = arith.constant 0 : i32
    %scan3A_162 = arith.constant 5 : i32
    %scan3A_163 = arith.addi %scan3A_161, %scan3A_162 : i32
    %scan3A_164 = arith.constant 1 : i32
    %scan3A_165 = scf.for %scan3A_328 = %scan3A_161 to %scan3A_163 step %scan3A_164 iter_args(%scan3A_329 = %scan3A_160) -> (i32)  : i32 {
      %broadcast_in_dim3A = arith.constant 0.000000e+00 : f32
      %broadcast_in_dim3A_330 = vector.broadcast %broadcast_in_dim3A : f32 to vector<16xf32>
      %scan3A_331 = arith.constant 0 : i32
      %scan3A_332 = arith.constant 4 : i32
      %scan3A_333 = arith.addi %scan3A_331, %scan3A_332 : i32
      %scan3A_334 = arith.constant 1 : i32
      %scan3A_335 = scf.for %scan3A_344 = %scan3A_331 to %scan3A_333 step %scan3A_334 iter_args(%scan3A_345 = %broadcast_in_dim3A_330) -> (vector<16xf32>)  : i32 {
        %mul3A_346 = arith.constant 16 : i32
        %mul3A_347 = arith.muli %scan3A_328, %mul3A_346 : i32
        %mul3A_348 = arith.constant 4 : i32
        %mul3A_349 = arith.muli %scan3A_344, %mul3A_348 : i32
        %add3A_350 = arith.addi %mul3A_347, %mul3A_349 : i32
        %add3A_351 = arith.constant 0 : i32
        %add3A_352 = arith.addi %add3A_350, %add3A_351 : i32
        %get3A_353 = arith.index_cast %add3A_352 : i32 to index
        %get3A_354 = arith.constant 0 : index
        %get3A_355 = tpu.vector_load %arg10[%get3A_353, %get3A_354] {strides = array<i32>} : memref<80x64xi32, #tpu.memory_space<vmem>>, vector<16xi32>,
        %bitcast3A = vector.bitcast %get3A_355 : vector<16xi32> to vector<32xbf16>
        %get3A_356 = arith.index_cast %add3A_352 : i32 to index
        %get3A_357 = arith.constant 0 : index
        %get3A_358 = tpu.vector_load %arg11[%get3A_356, %get3A_357] {strides = array<i32>} : memref<80x64xi32, #tpu.memory_space<vmem>>, vector<16xi32>,
        %bitcast3A_359 = vector.bitcast %get3A_358 : vector<16xi32> to vector<32xbf16>
        %mul3A_360 = arith.mulf %bitcast3A, %bitcast3A_359 : vector<32xbf16>
        %get3A_361 = arith.index_cast %add3A_352 : i32 to index
        %get3A_362 = arith.constant 16 : index
        %get3A_363 = tpu.vector_load %arg10[%get3A_361, %get3A_362] {strides = array<i32>} : memref<80x64xi32, #tpu.memory_space<vmem>>, vector<16xi32>,
        %bitcast3A_364 = vector.bitcast %get3A_363 : vector<16xi32> to vector<32xbf16>
        %get3A_365 = arith.index_cast %add3A_352 : i32 to index
        %get3A_366 = arith.constant 16 : index
        %get3A_367 = tpu.vector_load %arg11[%get3A_365, %get3A_366] {strides = array<i32>} : memref<80x64xi32, #tpu.memory_space<vmem>>, vector<16xi32>,
        %bitcast3A_368 = vector.bitcast %get3A_367 : vector<16xi32> to vector<32xbf16>
        %mul3A_369 = arith.mulf %bitcast3A_364, %bitcast3A_368 : vector<32xbf16>
        %add3A_370 = arith.addf %mul3A_360, %mul3A_369 : vector<32xbf16>
        %get3A_371 = arith.index_cast %add3A_352 : i32 to index
        %get3A_372 = arith.constant 32 : index
        %get3A_373 = tpu.vector_load %arg10[%get3A_371, %get3A_372] {strides = array<i32>} : memref<80x64xi32, #tpu.memory_space<vmem>>, vector<16xi32>,
        %bitcast3A_374 = vector.bitcast %get3A_373 : vector<16xi32> to vector<32xbf16>
        %get3A_375 = arith.index_cast %add3A_352 : i32 to index
        %get3A_376 = arith.constant 32 : index
        %get3A_377 = tpu.vector_load %arg11[%get3A_375, %get3A_376] {strides = array<i32>} : memref<80x64xi32, #tpu.memory_space<vmem>>, vector<16xi32>,
        %bitcast3A_378 = vector.bitcast %get3A_377 : vector<16xi32> to vector<32xbf16>
        %mul3A_379 = arith.mulf %bitcast3A_374, %bitcast3A_378 : vector<32xbf16>
        %add3A_380 = arith.addf %add3A_370, %mul3A_379 : vector<32xbf16>
        %get3A_381 = arith.index_cast %add3A_352 : i32 to index
        %get3A_382 = arith.constant 48 : index
        %get3A_383 = tpu.vector_load %arg10[%get3A_381, %get3A_382] {strides = array<i32>} : memref<80x64xi32, #tpu.memory_space<vmem>>, vector<16xi32>,
        %bitcast3A_384 = vector.bitcast %get3A_383 : vector<16xi32> to vector<32xbf16>
        %get3A_385 = arith.index_cast %add3A_352 : i32 to index
        %get3A_386 = arith.constant 48 : index
        %get3A_387 = tpu.vector_load %arg11[%get3A_385, %get3A_386] {strides = array<i32>} : memref<80x64xi32, #tpu.memory_space<vmem>>, vector<16xi32>,
        %bitcast3A_388 = vector.bitcast %get3A_387 : vector<16xi32> to vector<32xbf16>
        %mul3A_389 = arith.mulf %bitcast3A_384, %bitcast3A_388 : vector<32xbf16>
        %add3A_390 = arith.addf %add3A_380, %mul3A_389 : vector<32xbf16>
        %bitcast3A_391 = vector.bitcast %add3A_390 : vector<32xbf16> to vector<16xi32>
        %shift_left3A = arith.constant 16 : i32
        %shift_left3A_392 = vector.broadcast %shift_left3A : i32 to vector<16xi32>
        %shift_left3A_393 = arith.shli %bitcast3A_391, %shift_left3A_392 : vector<16xi32>
        %bitcast_convert_type3A = tpu.bitcast %shift_left3A_393 : vector<16xi32> -> vector<16xf32>
        %bitcast_convert_type3A_394 = tpu.bitcast %bitcast3A_391 : vector<16xi32> -> vector<16xf32>
        %add3A_395 = arith.addf %bitcast_convert_type3A, %bitcast_convert_type3A_394 : vector<16xf32>
        %mul3A_396 = arith.constant 16 : i32
        %mul3A_397 = arith.muli %scan3A_328, %mul3A_396 : i32
        %mul3A_398 = arith.constant 4 : i32
        %mul3A_399 = arith.muli %scan3A_344, %mul3A_398 : i32
        %add3A_400 = arith.addi %mul3A_397, %mul3A_399 : i32
        %add3A_401 = arith.constant 1 : i32
        %add3A_402 = arith.addi %add3A_400, %add3A_401 : i32
        %get3A_403 = arith.index_cast %add3A_402 : i32 to index
        %get3A_404 = arith.constant 0 : index
        %get3A_405 = tpu.vector_load %arg10[%get3A_403, %get3A_404] {strides = array<i32>} : memref<80x64xi32, #tpu.memory_space<vmem>>, vector<16xi32>,
        %bitcast3A_406 = vector.bitcast %get3A_405 : vector<16xi32> to vector<32xbf16>
        %get3A_407 = arith.index_cast %add3A_402 : i32 to index
        %get3A_408 = arith.constant 0 : index
        %get3A_409 = tpu.vector_load %arg11[%get3A_407, %get3A_408] {strides = array<i32>} : memref<80x64xi32, #tpu.memory_space<vmem>>, vector<16xi32>,
        %bitcast3A_410 = vector.bitcast %get3A_409 : vector<16xi32> to vector<32xbf16>
        %mul3A_411 = arith.mulf %bitcast3A_406, %bitcast3A_410 : vector<32xbf16>
        %get3A_412 = arith.index_cast %add3A_402 : i32 to index
        %get3A_413 = arith.constant 16 : index
        %get3A_414 = tpu.vector_load %arg10[%get3A_412, %get3A_413] {strides = array<i32>} : memref<80x64xi32, #tpu.memory_space<vmem>>, vector<16xi32>,
        %bitcast3A_415 = vector.bitcast %get3A_414 : vector<16xi32> to vector<32xbf16>
        %get3A_416 = arith.index_cast %add3A_402 : i32 to index
        %get3A_417 = arith.constant 16 : index
        %get3A_418 = tpu.vector_load %arg11[%get3A_416, %get3A_417] {strides = array<i32>} : memref<80x64xi32, #tpu.memory_space<vmem>>, vector<16xi32>,
        %bitcast3A_419 = vector.bitcast %get3A_418 : vector<16xi32> to vector<32xbf16>
        %mul3A_420 = arith.mulf %bitcast3A_415, %bitcast3A_419 : vector<32xbf16>
        %add3A_421 = arith.addf %mul3A_411, %mul3A_420 : vector<32xbf16>
        %get3A_422 = arith.index_cast %add3A_402 : i32 to index
        %get3A_423 = arith.constant 32 : index
        %get3A_424 = tpu.vector_load %arg10[%get3A_422, %get3A_423] {strides = array<i32>} : memref<80x64xi32, #tpu.memory_space<vmem>>, vector<16xi32>,
        %bitcast3A_425 = vector.bitcast %get3A_424 : vector<16xi32> to vector<32xbf16>
        %get3A_426 = arith.index_cast %add3A_402 : i32 to index
        %get3A_427 = arith.constant 32 : index
        %get3A_428 = tpu.vector_load %arg11[%get3A_426, %get3A_427] {strides = array<i32>} : memref<80x64xi32, #tpu.memory_space<vmem>>, vector<16xi32>,
        %bitcast3A_429 = vector.bitcast %get3A_428 : vector<16xi32> to vector<32xbf16>
        %mul3A_430 = arith.mulf %bitcast3A_425, %bitcast3A_429 : vector<32xbf16>
        %add3A_431 = arith.addf %add3A_421, %mul3A_430 : vector<32xbf16>
        %get3A_432 = arith.index_cast %add3A_402 : i32 to index
        %get3A_433 = arith.constant 48 : index
        %get3A_434 = tpu.vector_load %arg10[%get3A_432, %get3A_433] {strides = array<i32>} : memref<80x64xi32, #tpu.memory_space<vmem>>, vector<16xi32>,
        %bitcast3A_435 = vector.bitcast %get3A_434 : vector<16xi32> to vector<32xbf16>
        %get3A_436 = arith.index_cast %add3A_402 : i32 to index
        %get3A_437 = arith.constant 48 : index
        %get3A_438 = tpu.vector_load %arg11[%get3A_436, %get3A_437] {strides = array<i32>} : memref<80x64xi32, #tpu.memory_space<vmem>>, vector<16xi32>,
        %bitcast3A_439 = vector.bitcast %get3A_438 : vector<16xi32> to vector<32xbf16>
        %mul3A_440 = arith.mulf %bitcast3A_435, %bitcast3A_439 : vector<32xbf16>
        %add3A_441 = arith.addf %add3A_431, %mul3A_440 : vector<32xbf16>
        %bitcast3A_442 = vector.bitcast %add3A_441 : vector<32xbf16> to vector<16xi32>
        %shift_left3A_443 = arith.constant 16 : i32
        %shift_left3A_444 = vector.broadcast %shift_left3A_443 : i32 to vector<16xi32>
        %shift_left3A_445 = arith.shli %bitcast3A_442, %shift_left3A_444 : vector<16xi32>
        %bitcast_convert_type3A_446 = tpu.bitcast %shift_left3A_445 : vector<16xi32> -> vector<16xf32>
        %bitcast_convert_type3A_447 = tpu.bitcast %bitcast3A_442 : vector<16xi32> -> vector<16xf32>
        %add3A_448 = arith.addf %bitcast_convert_type3A_446, %bitcast_convert_type3A_447 : vector<16xf32>
        %mul3A_449 = arith.constant 16 : i32
        %mul3A_450 = arith.muli %scan3A_328, %mul3A_449 : i32
        %mul3A_451 = arith.constant 4 : i32
        %mul3A_452 = arith.muli %scan3A_344, %mul3A_451 : i32
        %add3A_453 = arith.addi %mul3A_450, %mul3A_452 : i32
        %add3A_454 = arith.constant 2 : i32
        %add3A_455 = arith.addi %add3A_453, %add3A_454 : i32
        %get3A_456 = arith.index_cast %add3A_455 : i32 to index
        %get3A_457 = arith.constant 0 : index
        %get3A_458 = tpu.vector_load %arg10[%get3A_456, %get3A_457] {strides = array<i32>} : memref<80x64xi32, #tpu.memory_space<vmem>>, vector<16xi32>,
        %bitcast3A_459 = vector.bitcast %get3A_458 : vector<16xi32> to vector<32xbf16>
        %get3A_460 = arith.index_cast %add3A_455 : i32 to index
        %get3A_461 = arith.constant 0 : index
        %get3A_462 = tpu.vector_load %arg11[%get3A_460, %get3A_461] {strides = array<i32>} : memref<80x64xi32, #tpu.memory_space<vmem>>, vector<16xi32>,
        %bitcast3A_463 = vector.bitcast %get3A_462 : vector<16xi32> to vector<32xbf16>
        %mul3A_464 = arith.mulf %bitcast3A_459, %bitcast3A_463 : vector<32xbf16>
        %get3A_465 = arith.index_cast %add3A_455 : i32 to index
        %get3A_466 = arith.constant 16 : index
        %get3A_467 = tpu.vector_load %arg10[%get3A_465, %get3A_466] {strides = array<i32>} : memref<80x64xi32, #tpu.memory_space<vmem>>, vector<16xi32>,
        %bitcast3A_468 = vector.bitcast %get3A_467 : vector<16xi32> to vector<32xbf16>
        %get3A_469 = arith.index_cast %add3A_455 : i32 to index
        %get3A_470 = arith.constant 16 : index
        %get3A_471 = tpu.vector_load %arg11[%get3A_469, %get3A_470] {strides = array<i32>} : memref<80x64xi32, #tpu.memory_space<vmem>>, vector<16xi32>,
        %bitcast3A_472 = vector.bitcast %get3A_471 : vector<16xi32> to vector<32xbf16>
        %mul3A_473 = arith.mulf %bitcast3A_468, %bitcast3A_472 : vector<32xbf16>
        %add3A_474 = arith.addf %mul3A_464, %mul3A_473 : vector<32xbf16>
        %get3A_475 = arith.index_cast %add3A_455 : i32 to index
        %get3A_476 = arith.constant 32 : index
        %get3A_477 = tpu.vector_load %arg10[%get3A_475, %get3A_476] {strides = array<i32>} : memref<80x64xi32, #tpu.memory_space<vmem>>, vector<16xi32>,
        %bitcast3A_478 = vector.bitcast %get3A_477 : vector<16xi32> to vector<32xbf16>
        %get3A_479 = arith.index_cast %add3A_455 : i32 to index
        %get3A_480 = arith.constant 32 : index
        %get3A_481 = tpu.vector_load %arg11[%get3A_479, %get3A_480] {strides = array<i32>} : memref<80x64xi32, #tpu.memory_space<vmem>>, vector<16xi32>,
        %bitcast3A_482 = vector.bitcast %get3A_481 : vector<16xi32> to vector<32xbf16>
        %mul3A_483 = arith.mulf %bitcast3A_478, %bitcast3A_482 : vector<32xbf16>
        %add3A_484 = arith.addf %add3A_474, %mul3A_483 : vector<32xbf16>
        %get3A_485 = arith.index_cast %add3A_455 : i32 to index
        %get3A_486 = arith.constant 48 : index
        %get3A_487 = tpu.vector_load %arg10[%get3A_485, %get3A_486] {strides = array<i32>} : memref<80x64xi32, #tpu.memory_space<vmem>>, vector<16xi32>,
        %bitcast3A_488 = vector.bitcast %get3A_487 : vector<16xi32> to vector<32xbf16>
        %get3A_489 = arith.index_cast %add3A_455 : i32 to index
        %get3A_490 = arith.constant 48 : index
        %get3A_491 = tpu.vector_load %arg11[%get3A_489, %get3A_490] {strides = array<i32>} : memref<80x64xi32, #tpu.memory_space<vmem>>, vector<16xi32>,
        %bitcast3A_492 = vector.bitcast %get3A_491 : vector<16xi32> to vector<32xbf16>
        %mul3A_493 = arith.mulf %bitcast3A_488, %bitcast3A_492 : vector<32xbf16>
        %add3A_494 = arith.addf %add3A_484, %mul3A_493 : vector<32xbf16>
        %bitcast3A_495 = vector.bitcast %add3A_494 : vector<32xbf16> to vector<16xi32>
        %shift_left3A_496 = arith.constant 16 : i32
        %shift_left3A_497 = vector.broadcast %shift_left3A_496 : i32 to vector<16xi32>
        %shift_left3A_498 = arith.shli %bitcast3A_495, %shift_left3A_497 : vector<16xi32>
        %bitcast_convert_type3A_499 = tpu.bitcast %shift_left3A_498 : vector<16xi32> -> vector<16xf32>
        %bitcast_convert_type3A_500 = tpu.bitcast %bitcast3A_495 : vector<16xi32> -> vector<16xf32>
        %add3A_501 = arith.addf %bitcast_convert_type3A_499, %bitcast_convert_type3A_500 : vector<16xf32>
        %mul3A_502 = arith.constant 16 : i32
        %mul3A_503 = arith.muli %scan3A_328, %mul3A_502 : i32
        %mul3A_504 = arith.constant 4 : i32
        %mul3A_505 = arith.muli %scan3A_344, %mul3A_504 : i32
        %add3A_506 = arith.addi %mul3A_503, %mul3A_505 : i32
        %add3A_507 = arith.constant 3 : i32
        %add3A_508 = arith.addi %add3A_506, %add3A_507 : i32
        %get3A_509 = arith.index_cast %add3A_508 : i32 to index
        %get3A_510 = arith.constant 0 : index
        %get3A_511 = tpu.vector_load %arg10[%get3A_509, %get3A_510] {strides = array<i32>} : memref<80x64xi32, #tpu.memory_space<vmem>>, vector<16xi32>,
        %bitcast3A_512 = vector.bitcast %get3A_511 : vector<16xi32> to vector<32xbf16>
        %get3A_513 = arith.index_cast %add3A_508 : i32 to index
        %get3A_514 = arith.constant 0 : index
        %get3A_515 = tpu.vector_load %arg11[%get3A_513, %get3A_514] {strides = array<i32>} : memref<80x64xi32, #tpu.memory_space<vmem>>, vector<16xi32>,
        %bitcast3A_516 = vector.bitcast %get3A_515 : vector<16xi32> to vector<32xbf16>
        %mul3A_517 = arith.mulf %bitcast3A_512, %bitcast3A_516 : vector<32xbf16>
        %get3A_518 = arith.index_cast %add3A_508 : i32 to index
        %get3A_519 = arith.constant 16 : index
        %get3A_520 = tpu.vector_load %arg10[%get3A_518, %get3A_519] {strides = array<i32>} : memref<80x64xi32, #tpu.memory_space<vmem>>, vector<16xi32>,
        %bitcast3A_521 = vector.bitcast %get3A_520 : vector<16xi32> to vector<32xbf16>
        %get3A_522 = arith.index_cast %add3A_508 : i32 to index
        %get3A_523 = arith.constant 16 : index
        %get3A_524 = tpu.vector_load %arg11[%get3A_522, %get3A_523] {strides = array<i32>} : memref<80x64xi32, #tpu.memory_space<vmem>>, vector<16xi32>,
        %bitcast3A_525 = vector.bitcast %get3A_524 : vector<16xi32> to vector<32xbf16>
        %mul3A_526 = arith.mulf %bitcast3A_521, %bitcast3A_525 : vector<32xbf16>
        %add3A_527 = arith.addf %mul3A_517, %mul3A_526 : vector<32xbf16>
        %get3A_528 = arith.index_cast %add3A_508 : i32 to index
        %get3A_529 = arith.constant 32 : index
        %get3A_530 = tpu.vector_load %arg10[%get3A_528, %get3A_529] {strides = array<i32>} : memref<80x64xi32, #tpu.memory_space<vmem>>, vector<16xi32>,
        %bitcast3A_531 = vector.bitcast %get3A_530 : vector<16xi32> to vector<32xbf16>
        %get3A_532 = arith.index_cast %add3A_508 : i32 to index
        %get3A_533 = arith.constant 32 : index
        %get3A_534 = tpu.vector_load %arg11[%get3A_532, %get3A_533] {strides = array<i32>} : memref<80x64xi32, #tpu.memory_space<vmem>>, vector<16xi32>,
        %bitcast3A_535 = vector.bitcast %get3A_534 : vector<16xi32> to vector<32xbf16>
        %mul3A_536 = arith.mulf %bitcast3A_531, %bitcast3A_535 : vector<32xbf16>
        %add3A_537 = arith.addf %add3A_527, %mul3A_536 : vector<32xbf16>
        %get3A_538 = arith.index_cast %add3A_508 : i32 to index
        %get3A_539 = arith.constant 48 : index
        %get3A_540 = tpu.vector_load %arg10[%get3A_538, %get3A_539] {strides = array<i32>} : memref<80x64xi32, #tpu.memory_space<vmem>>, vector<16xi32>,
        %bitcast3A_541 = vector.bitcast %get3A_540 : vector<16xi32> to vector<32xbf16>
        %get3A_542 = arith.index_cast %add3A_508 : i32 to index
        %get3A_543 = arith.constant 48 : index
        %get3A_544 = tpu.vector_load %arg11[%get3A_542, %get3A_543] {strides = array<i32>} : memref<80x64xi32, #tpu.memory_space<vmem>>, vector<16xi32>,
        %bitcast3A_545 = vector.bitcast %get3A_544 : vector<16xi32> to vector<32xbf16>
        %mul3A_546 = arith.mulf %bitcast3A_541, %bitcast3A_545 : vector<32xbf16>
        %add3A_547 = arith.addf %add3A_537, %mul3A_546 : vector<32xbf16>
        %bitcast3A_548 = vector.bitcast %add3A_547 : vector<32xbf16> to vector<16xi32>
        %shift_left3A_549 = arith.constant 16 : i32
        %shift_left3A_550 = vector.broadcast %shift_left3A_549 : i32 to vector<16xi32>
        %shift_left3A_551 = arith.shli %bitcast3A_548, %shift_left3A_550 : vector<16xi32>
        %bitcast_convert_type3A_552 = tpu.bitcast %shift_left3A_551 : vector<16xi32> -> vector<16xf32>
        %bitcast_convert_type3A_553 = tpu.bitcast %bitcast3A_548 : vector<16xi32> -> vector<16xf32>
        %add3A_554 = arith.addf %bitcast_convert_type3A_552, %bitcast_convert_type3A_553 : vector<16xf32>
        %lt3A = arith.constant 0 : i32
        %lt3A_555 = vector.broadcast %lt3A : i32 to vector<16xi32>
        %lt3A_556 = arith.cmpi slt, %xor3A_10, %lt3A_555 : vector<16xi32>
        %add3A_557 = arith.constant 16 : i32
        %add3A_558 = vector.broadcast %add3A_557 : i32 to vector<16xi32>
        %add3A_559 = arith.addi %xor3A_10, %add3A_558 : vector<16xi32>
        %select_n3A = arith.select %lt3A_556, %add3A_559, %xor3A_10 : vector<16xi1>, vector<16xi32>
        %broadcast_in_dim3A_560 = vector.shape_cast %select_n3A : vector<16xi32> to vector<16x1xi32>
        %gather3A = vector.shape_cast %broadcast_in_dim3A_560 : vector<16x1xi32> to vector<16xi32>
        %gather3A_561 = tpu.dynamic_gather %add3A_395[%gather3A] in [0] : vector<16xf32>, vector<16xi32> -> vector<16xf32>
        %lt3A_562 = arith.constant 0 : i32
        %lt3A_563 = vector.broadcast %lt3A_562 : i32 to vector<16xi32>
        %lt3A_564 = arith.cmpi slt, %xor3A_10, %lt3A_563 : vector<16xi32>
        %add3A_565 = arith.constant 16 : i32
        %add3A_566 = vector.broadcast %add3A_565 : i32 to vector<16xi32>
        %add3A_567 = arith.addi %xor3A_10, %add3A_566 : vector<16xi32>
        %select_n3A_568 = arith.select %lt3A_564, %add3A_567, %xor3A_10 : vector<16xi1>, vector<16xi32>
        %broadcast_in_dim3A_569 = vector.shape_cast %select_n3A_568 : vector<16xi32> to vector<16x1xi32>
        %gather3A_570 = vector.shape_cast %broadcast_in_dim3A_569 : vector<16x1xi32> to vector<16xi32>
        %gather3A_571 = tpu.dynamic_gather %add3A_448[%gather3A_570] in [0] : vector<16xf32>, vector<16xi32> -> vector<16xf32>
        %select_n3A_572 = arith.select %eq3A_23, %add3A_395, %gather3A_571 : vector<16xi1>, vector<16xf32>
        %select_n3A_573 = arith.select %eq3A_23, %gather3A_561, %add3A_448 : vector<16xi1>, vector<16xf32>
        %add3A_574 = arith.addf %select_n3A_572, %select_n3A_573 : vector<16xf32>
        %lt3A_575 = arith.constant 0 : i32
        %lt3A_576 = vector.broadcast %lt3A_575 : i32 to vector<16xi32>
        %lt3A_577 = arith.cmpi slt, %xor3A_10, %lt3A_576 : vector<16xi32>
        %add3A_578 = arith.constant 16 : i32
        %add3A_579 = vector.broadcast %add3A_578 : i32 to vector<16xi32>
        %add3A_580 = arith.addi %xor3A_10, %add3A_579 : vector<16xi32>
        %select_n3A_581 = arith.select %lt3A_577, %add3A_580, %xor3A_10 : vector<16xi1>, vector<16xi32>
        %broadcast_in_dim3A_582 = vector.shape_cast %select_n3A_581 : vector<16xi32> to vector<16x1xi32>
        %gather3A_583 = vector.shape_cast %broadcast_in_dim3A_582 : vector<16x1xi32> to vector<16xi32>
        %gather3A_584 = tpu.dynamic_gather %add3A_501[%gather3A_583] in [0] : vector<16xf32>, vector<16xi32> -> vector<16xf32>
        %lt3A_585 = arith.constant 0 : i32
        %lt3A_586 = vector.broadcast %lt3A_585 : i32 to vector<16xi32>
        %lt3A_587 = arith.cmpi slt, %xor3A_10, %lt3A_586 : vector<16xi32>
        %add3A_588 = arith.constant 16 : i32
        %add3A_589 = vector.broadcast %add3A_588 : i32 to vector<16xi32>
        %add3A_590 = arith.addi %xor3A_10, %add3A_589 : vector<16xi32>
        %select_n3A_591 = arith.select %lt3A_587, %add3A_590, %xor3A_10 : vector<16xi1>, vector<16xi32>
        %broadcast_in_dim3A_592 = vector.shape_cast %select_n3A_591 : vector<16xi32> to vector<16x1xi32>
        %gather3A_593 = vector.shape_cast %broadcast_in_dim3A_592 : vector<16x1xi32> to vector<16xi32>
        %gather3A_594 = tpu.dynamic_gather %add3A_554[%gather3A_593] in [0] : vector<16xf32>, vector<16xi32> -> vector<16xf32>
        %select_n3A_595 = arith.select %eq3A_23, %add3A_501, %gather3A_594 : vector<16xi1>, vector<16xf32>
        %select_n3A_596 = arith.select %eq3A_23, %gather3A_584, %add3A_554 : vector<16xi1>, vector<16xf32>
        %add3A_597 = arith.addf %select_n3A_595, %select_n3A_596 : vector<16xf32>
        %lt3A_598 = arith.constant 0 : i32
        %lt3A_599 = vector.broadcast %lt3A_598 : i32 to vector<16xi32>
        %lt3A_600 = arith.cmpi slt, %xor3A_13, %lt3A_599 : vector<16xi32>
        %add3A_601 = arith.constant 16 : i32
        %add3A_602 = vector.broadcast %add3A_601 : i32 to vector<16xi32>
        %add3A_603 = arith.addi %xor3A_13, %add3A_602 : vector<16xi32>
        %select_n3A_604 = arith.select %lt3A_600, %add3A_603, %xor3A_13 : vector<16xi1>, vector<16xi32>
        %broadcast_in_dim3A_605 = vector.shape_cast %select_n3A_604 : vector<16xi32> to vector<16x1xi32>
        %gather3A_606 = vector.shape_cast %broadcast_in_dim3A_605 : vector<16x1xi32> to vector<16xi32>
        %gather3A_607 = tpu.dynamic_gather %add3A_574[%gather3A_606] in [0] : vector<16xf32>, vector<16xi32> -> vector<16xf32>
        %lt3A_608 = arith.constant 0 : i32
        %lt3A_609 = vector.broadcast %lt3A_608 : i32 to vector<16xi32>
        %lt3A_610 = arith.cmpi slt, %xor3A_13, %lt3A_609 : vector<16xi32>
        %add3A_611 = arith.constant 16 : i32
        %add3A_612 = vector.broadcast %add3A_611 : i32 to vector<16xi32>
        %add3A_613 = arith.addi %xor3A_13, %add3A_612 : vector<16xi32>
        %select_n3A_614 = arith.select %lt3A_610, %add3A_613, %xor3A_13 : vector<16xi1>, vector<16xi32>
        %broadcast_in_dim3A_615 = vector.shape_cast %select_n3A_614 : vector<16xi32> to vector<16x1xi32>
        %gather3A_616 = vector.shape_cast %broadcast_in_dim3A_615 : vector<16x1xi32> to vector<16xi32>
        %gather3A_617 = tpu.dynamic_gather %add3A_597[%gather3A_616] in [0] : vector<16xf32>, vector<16xi32> -> vector<16xf32>
        %select_n3A_618 = arith.select %eq3A_29, %add3A_574, %gather3A_617 : vector<16xi1>, vector<16xf32>
        %select_n3A_619 = arith.select %eq3A_29, %gather3A_607, %add3A_597 : vector<16xi1>, vector<16xf32>
        %add3A_620 = arith.addf %select_n3A_618, %select_n3A_619 : vector<16xf32>
        %lt3A_621 = arith.constant 0 : i32
        %lt3A_622 = vector.broadcast %lt3A_621 : i32 to vector<16xi32>
        %lt3A_623 = arith.cmpi slt, %xor3A_16, %lt3A_622 : vector<16xi32>
        %add3A_624 = arith.constant 16 : i32
        %add3A_625 = vector.broadcast %add3A_624 : i32 to vector<16xi32>
        %add3A_626 = arith.addi %xor3A_16, %add3A_625 : vector<16xi32>
        %select_n3A_627 = arith.select %lt3A_623, %add3A_626, %xor3A_16 : vector<16xi1>, vector<16xi32>
        %broadcast_in_dim3A_628 = vector.shape_cast %select_n3A_627 : vector<16xi32> to vector<16x1xi32>
        %gather3A_629 = vector.shape_cast %broadcast_in_dim3A_628 : vector<16x1xi32> to vector<16xi32>
        %gather3A_630 = tpu.dynamic_gather %add3A_620[%gather3A_629] in [0] : vector<16xf32>, vector<16xi32> -> vector<16xf32>
        %add3A_631 = arith.addf %add3A_620, %gather3A_630 : vector<16xf32>
        %lt3A_632 = arith.constant 0 : i32
        %lt3A_633 = vector.broadcast %lt3A_632 : i32 to vector<16xi32>
        %lt3A_634 = arith.cmpi slt, %xor3A_19, %lt3A_633 : vector<16xi32>
        %add3A_635 = arith.constant 16 : i32
        %add3A_636 = vector.broadcast %add3A_635 : i32 to vector<16xi32>
        %add3A_637 = arith.addi %xor3A_19, %add3A_636 : vector<16xi32>
        %select_n3A_638 = arith.select %lt3A_634, %add3A_637, %xor3A_19 : vector<16xi1>, vector<16xi32>
        %broadcast_in_dim3A_639 = vector.shape_cast %select_n3A_638 : vector<16xi32> to vector<16x1xi32>
        %gather3A_640 = vector.shape_cast %broadcast_in_dim3A_639 : vector<16x1xi32> to vector<16xi32>
        %gather3A_641 = tpu.dynamic_gather %add3A_631[%gather3A_640] in [0] : vector<16xf32>, vector<16xi32> -> vector<16xf32>
        %add3A_642 = arith.addf %add3A_631, %gather3A_641 : vector<16xf32>
        %eq3A_643 = vector.broadcast %scan3A_344 : i32 to vector<16xi32>
        %eq3A_644 = arith.cmpi eq, %shift_right_arithmetic3A_8, %eq3A_643 : vector<16xi32>
        %select_n3A_645 = arith.select %eq3A_644, %add3A_642, %scan3A_345 : vector<16xi1>, vector<16xf32>
        scf.yield %select_n3A_645 : vector<16xf32>
      }
      %scan3A_336 = arith.constant 4 : i32
      %mul3A_337 = arith.constant 16 : i32
      %mul3A_338 = arith.muli %scan3A_328, %mul3A_337 : i32
      %add3A_339 = arith.constant 9840 : i32
      %add3A_340 = arith.addi %add3A_339, %mul3A_338 : i32
      %swap3A_341 = arith.index_cast %add3A_340 : i32 to index
      %swap3A_342 = tpu.vector_load %arg12[%swap3A_341] {strides = array<i32>} : memref<10000xf32, #tpu.memory_space<vmem>>, vector<16xf32>,
      tpu.vector_store %arg12[%swap3A_341], %scan3A_335 {strides = array<i32>} : memref<10000xf32, #tpu.memory_space<vmem>>, vector<16xf32>,
      %scan3A_343 = arith.constant 0 : i32
      scf.yield %scan3A_343 : i32
    }
    %scan3A_166 = arith.constant 5 : i32
    %get3A_167 = arith.constant 9840 : index
    %get3A_168 = tpu.vector_load %arg12[%get3A_167] {strides = array<i32>} : memref<10000xf32, #tpu.memory_space<vmem>>, vector<16xf32>,
    %neg3A_169 = arith.constant 0.000000e+00 : f32
    %neg3A_170 = vector.broadcast %neg3A_169 : f32 to vector<16xf32>
    %neg3A_171 = arith.subf %neg3A_170, %get3A_168 : vector<16xf32>
    %exp3A_172 = math.exp %neg3A_171 : vector<16xf32>
    %add3A_173 = arith.constant 1.000000e+00 : f32
    %add3A_174 = vector.broadcast %add3A_173 : f32 to vector<16xf32>
    %add3A_175 = arith.addf %add3A_174, %exp3A_172 : vector<16xf32>
    %div3A_176 = arith.constant 1.000000e+00 : f32
    %div3A_177 = vector.broadcast %div3A_176 : f32 to vector<16xf32>
    %div3A_178 = arith.divf %div3A_177, %add3A_175 : vector<16xf32>
    %swap3A_179 = arith.constant 9840 : index
    %swap3A_180 = tpu.vector_load %arg12[%swap3A_179] {strides = array<i32>} : memref<10000xf32, #tpu.memory_space<vmem>>, vector<16xf32>,
    tpu.vector_store %arg12[%swap3A_179], %div3A_178 {strides = array<i32>} : memref<10000xf32, #tpu.memory_space<vmem>>, vector<16xf32>,
    %get3A_181 = arith.constant 9856 : index
    %get3A_182 = tpu.vector_load %arg12[%get3A_181] {strides = array<i32>} : memref<10000xf32, #tpu.memory_space<vmem>>, vector<16xf32>,
    %neg3A_183 = arith.constant 0.000000e+00 : f32
    %neg3A_184 = vector.broadcast %neg3A_183 : f32 to vector<16xf32>
    %neg3A_185 = arith.subf %neg3A_184, %get3A_182 : vector<16xf32>
    %exp3A_186 = math.exp %neg3A_185 : vector<16xf32>
    %add3A_187 = arith.constant 1.000000e+00 : f32
    %add3A_188 = vector.broadcast %add3A_187 : f32 to vector<16xf32>
    %add3A_189 = arith.addf %add3A_188, %exp3A_186 : vector<16xf32>
    %div3A_190 = arith.constant 1.000000e+00 : f32
    %div3A_191 = vector.broadcast %div3A_190 : f32 to vector<16xf32>
    %div3A_192 = arith.divf %div3A_191, %add3A_189 : vector<16xf32>
    %swap3A_193 = arith.constant 9856 : index
    %swap3A_194 = tpu.vector_load %arg12[%swap3A_193] {strides = array<i32>} : memref<10000xf32, #tpu.memory_space<vmem>>, vector<16xf32>,
    tpu.vector_store %arg12[%swap3A_193], %div3A_192 {strides = array<i32>} : memref<10000xf32, #tpu.memory_space<vmem>>, vector<16xf32>,
    %get3A_195 = arith.constant 9872 : index
    %get3A_196 = tpu.vector_load %arg12[%get3A_195] {strides = array<i32>} : memref<10000xf32, #tpu.memory_space<vmem>>, vector<16xf32>,
    %neg3A_197 = arith.constant 0.000000e+00 : f32
    %neg3A_198 = vector.broadcast %neg3A_197 : f32 to vector<16xf32>
    %neg3A_199 = arith.subf %neg3A_198, %get3A_196 : vector<16xf32>
    %exp3A_200 = math.exp %neg3A_199 : vector<16xf32>
    %add3A_201 = arith.constant 1.000000e+00 : f32
    %add3A_202 = vector.broadcast %add3A_201 : f32 to vector<16xf32>
    %add3A_203 = arith.addf %add3A_202, %exp3A_200 : vector<16xf32>
    %div3A_204 = arith.constant 1.000000e+00 : f32
    %div3A_205 = vector.broadcast %div3A_204 : f32 to vector<16xf32>
    %div3A_206 = arith.divf %div3A_205, %add3A_203 : vector<16xf32>
    %swap3A_207 = arith.constant 9872 : index
    %swap3A_208 = tpu.vector_load %arg12[%swap3A_207] {strides = array<i32>} : memref<10000xf32, #tpu.memory_space<vmem>>, vector<16xf32>,
    tpu.vector_store %arg12[%swap3A_207], %div3A_206 {strides = array<i32>} : memref<10000xf32, #tpu.memory_space<vmem>>, vector<16xf32>,
    %get3A_209 = arith.constant 9888 : index
    %get3A_210 = tpu.vector_load %arg12[%get3A_209] {strides = array<i32>} : memref<10000xf32, #tpu.memory_space<vmem>>, vector<16xf32>,
    %neg3A_211 = arith.constant 0.000000e+00 : f32
    %neg3A_212 = vector.broadcast %neg3A_211 : f32 to vector<16xf32>
    %neg3A_213 = arith.subf %neg3A_212, %get3A_210 : vector<16xf32>
    %exp3A_214 = math.exp %neg3A_213 : vector<16xf32>
    %add3A_215 = arith.constant 1.000000e+00 : f32
    %add3A_216 = vector.broadcast %add3A_215 : f32 to vector<16xf32>
    %add3A_217 = arith.addf %add3A_216, %exp3A_214 : vector<16xf32>
    %div3A_218 = arith.constant 1.000000e+00 : f32
    %div3A_219 = vector.broadcast %div3A_218 : f32 to vector<16xf32>
    %div3A_220 = arith.divf %div3A_219, %add3A_217 : vector<16xf32>
    %swap3A_221 = arith.constant 9888 : index
    %swap3A_222 = tpu.vector_load %arg12[%swap3A_221] {strides = array<i32>} : memref<10000xf32, #tpu.memory_space<vmem>>, vector<16xf32>,
    tpu.vector_store %arg12[%swap3A_221], %div3A_220 {strides = array<i32>} : memref<10000xf32, #tpu.memory_space<vmem>>, vector<16xf32>,
    %get3A_223 = arith.constant 9904 : index
    %get3A_224 = tpu.vector_load %arg12[%get3A_223] {strides = array<i32>} : memref<10000xf32, #tpu.memory_space<vmem>>, vector<16xf32>,
    %neg3A_225 = arith.constant 0.000000e+00 : f32
    %neg3A_226 = vector.broadcast %neg3A_225 : f32 to vector<16xf32>
    %neg3A_227 = arith.subf %neg3A_226, %get3A_224 : vector<16xf32>
    %exp3A_228 = math.exp %neg3A_227 : vector<16xf32>
    %add3A_229 = arith.constant 1.000000e+00 : f32
    %add3A_230 = vector.broadcast %add3A_229 : f32 to vector<16xf32>
    %add3A_231 = arith.addf %add3A_230, %exp3A_228 : vector<16xf32>
    %div3A_232 = arith.constant 1.000000e+00 : f32
    %div3A_233 = vector.broadcast %div3A_232 : f32 to vector<16xf32>
    %div3A_234 = arith.divf %div3A_233, %add3A_231 : vector<16xf32>
    %swap3A_235 = arith.constant 9904 : index
    %swap3A_236 = tpu.vector_load %arg12[%swap3A_235] {strides = array<i32>} : memref<10000xf32, #tpu.memory_space<vmem>>, vector<16xf32>,
    tpu.vector_store %arg12[%swap3A_235], %div3A_234 {strides = array<i32>} : memref<10000xf32, #tpu.memory_space<vmem>>, vector<16xf32>,
    %dma_wait3A_237 = arith.constant 0 : i32
    %dma_wait3A_238 = arith.constant 0 : i32
    %dma_wait3A_239 = tpu.memref_slice %arg2[%dma_wait3A_237, %dma_wait3A_238] : memref<10000x64xi32, #tpu.memory_space<hbm>> -> memref<80x64xi32, #tpu.memory_space<hbm>>
    %dma_wait3A_240 = arith.constant 0 : i32
    %dma_wait3A_241 = arith.constant 0 : i32
    %dma_wait3A_242 = tpu.memref_slice %arg2[%dma_wait3A_240, %dma_wait3A_241] : memref<10000x64xi32, #tpu.memory_space<hbm>> -> memref<80x64xi32, #tpu.memory_space<hbm>>
    tpu.wait_dma2 semaphore(%arg13 : memref<!tpu.dma_semaphore, #tpu.memory_space<semaphore_mem>>) src(%dma_wait3A_242 : memref<80x64xi32, #tpu.memory_space<hbm>>) dst(%arg8 : memref<80x64xi32, #tpu.memory_space<vmem>>)
    %dma_wait3A_243 = arith.constant 0 : i32
    %dma_wait3A_244 = arith.constant 0 : i32
    %dma_wait3A_245 = tpu.memref_slice %arg2[%dma_wait3A_243, %dma_wait3A_244] : memref<10000x64xi32, #tpu.memory_space<hbm>> -> memref<80x64xi32, #tpu.memory_space<hbm>>
    %dma_wait3A_246 = arith.constant 0 : i32
    %dma_wait3A_247 = arith.constant 0 : i32
    %dma_wait3A_248 = tpu.memref_slice %arg2[%dma_wait3A_246, %dma_wait3A_247] : memref<10000x64xi32, #tpu.memory_space<hbm>> -> memref<80x64xi32, #tpu.memory_space<hbm>>
    tpu.wait_dma2 semaphore(%arg13 : memref<!tpu.dma_semaphore, #tpu.memory_space<semaphore_mem>>) src(%dma_wait3A_248 : memref<80x64xi32, #tpu.memory_space<hbm>>) dst(%arg9 : memref<80x64xi32, #tpu.memory_space<vmem>>)
    %scan3A_249 = arith.constant 0 : i32
    %scan3A_250 = arith.constant 0 : i32
    %scan3A_251 = arith.constant 5 : i32
    %scan3A_252 = arith.addi %scan3A_250, %scan3A_251 : i32
    %scan3A_253 = arith.constant 1 : i32
    %scan3A_254 = scf.for %scan3A_328 = %scan3A_250 to %scan3A_252 step %scan3A_253 iter_args(%scan3A_329 = %scan3A_249) -> (i32)  : i32 {
      %broadcast_in_dim3A = arith.constant 0.000000e+00 : f32
      %broadcast_in_dim3A_330 = vector.broadcast %broadcast_in_dim3A : f32 to vector<16xf32>
      %scan3A_331 = arith.constant 0 : i32
      %scan3A_332 = arith.constant 4 : i32
      %scan3A_333 = arith.addi %scan3A_331, %scan3A_332 : i32
      %scan3A_334 = arith.constant 1 : i32
      %scan3A_335 = scf.for %scan3A_344 = %scan3A_331 to %scan3A_333 step %scan3A_334 iter_args(%scan3A_345 = %broadcast_in_dim3A_330) -> (vector<16xf32>)  : i32 {
        %mul3A_346 = arith.constant 16 : i32
        %mul3A_347 = arith.muli %scan3A_328, %mul3A_346 : i32
        %mul3A_348 = arith.constant 4 : i32
        %mul3A_349 = arith.muli %scan3A_344, %mul3A_348 : i32
        %add3A_350 = arith.addi %mul3A_347, %mul3A_349 : i32
        %add3A_351 = arith.constant 0 : i32
        %add3A_352 = arith.addi %add3A_350, %add3A_351 : i32
        %get3A_353 = arith.index_cast %add3A_352 : i32 to index
        %get3A_354 = arith.constant 0 : index
        %get3A_355 = tpu.vector_load %arg8[%get3A_353, %get3A_354] {strides = array<i32>} : memref<80x64xi32, #tpu.memory_space<vmem>>, vector<16xi32>,
        %bitcast3A = vector.bitcast %get3A_355 : vector<16xi32> to vector<32xbf16>
        %get3A_356 = arith.index_cast %add3A_352 : i32 to index
        %get3A_357 = arith.constant 0 : index
        %get3A_358 = tpu.vector_load %arg9[%get3A_356, %get3A_357] {strides = array<i32>} : memref<80x64xi32, #tpu.memory_space<vmem>>, vector<16xi32>,
        %bitcast3A_359 = vector.bitcast %get3A_358 : vector<16xi32> to vector<32xbf16>
        %mul3A_360 = arith.mulf %bitcast3A, %bitcast3A_359 : vector<32xbf16>
        %get3A_361 = arith.index_cast %add3A_352 : i32 to index
        %get3A_362 = arith.constant 16 : index
        %get3A_363 = tpu.vector_load %arg8[%get3A_361, %get3A_362] {strides = array<i32>} : memref<80x64xi32, #tpu.memory_space<vmem>>, vector<16xi32>,
        %bitcast3A_364 = vector.bitcast %get3A_363 : vector<16xi32> to vector<32xbf16>
        %get3A_365 = arith.index_cast %add3A_352 : i32 to index
        %get3A_366 = arith.constant 16 : index
        %get3A_367 = tpu.vector_load %arg9[%get3A_365, %get3A_366] {strides = array<i32>} : memref<80x64xi32, #tpu.memory_space<vmem>>, vector<16xi32>,
        %bitcast3A_368 = vector.bitcast %get3A_367 : vector<16xi32> to vector<32xbf16>
        %mul3A_369 = arith.mulf %bitcast3A_364, %bitcast3A_368 : vector<32xbf16>
        %add3A_370 = arith.addf %mul3A_360, %mul3A_369 : vector<32xbf16>
        %get3A_371 = arith.index_cast %add3A_352 : i32 to index
        %get3A_372 = arith.constant 32 : index
        %get3A_373 = tpu.vector_load %arg8[%get3A_371, %get3A_372] {strides = array<i32>} : memref<80x64xi32, #tpu.memory_space<vmem>>, vector<16xi32>,
        %bitcast3A_374 = vector.bitcast %get3A_373 : vector<16xi32> to vector<32xbf16>
        %get3A_375 = arith.index_cast %add3A_352 : i32 to index
        %get3A_376 = arith.constant 32 : index
        %get3A_377 = tpu.vector_load %arg9[%get3A_375, %get3A_376] {strides = array<i32>} : memref<80x64xi32, #tpu.memory_space<vmem>>, vector<16xi32>,
        %bitcast3A_378 = vector.bitcast %get3A_377 : vector<16xi32> to vector<32xbf16>
        %mul3A_379 = arith.mulf %bitcast3A_374, %bitcast3A_378 : vector<32xbf16>
        %add3A_380 = arith.addf %add3A_370, %mul3A_379 : vector<32xbf16>
        %get3A_381 = arith.index_cast %add3A_352 : i32 to index
        %get3A_382 = arith.constant 48 : index
        %get3A_383 = tpu.vector_load %arg8[%get3A_381, %get3A_382] {strides = array<i32>} : memref<80x64xi32, #tpu.memory_space<vmem>>, vector<16xi32>,
        %bitcast3A_384 = vector.bitcast %get3A_383 : vector<16xi32> to vector<32xbf16>
        %get3A_385 = arith.index_cast %add3A_352 : i32 to index
        %get3A_386 = arith.constant 48 : index
        %get3A_387 = tpu.vector_load %arg9[%get3A_385, %get3A_386] {strides = array<i32>} : memref<80x64xi32, #tpu.memory_space<vmem>>, vector<16xi32>,
        %bitcast3A_388 = vector.bitcast %get3A_387 : vector<16xi32> to vector<32xbf16>
        %mul3A_389 = arith.mulf %bitcast3A_384, %bitcast3A_388 : vector<32xbf16>
        %add3A_390 = arith.addf %add3A_380, %mul3A_389 : vector<32xbf16>
        %bitcast3A_391 = vector.bitcast %add3A_390 : vector<32xbf16> to vector<16xi32>
        %shift_left3A = arith.constant 16 : i32
        %shift_left3A_392 = vector.broadcast %shift_left3A : i32 to vector<16xi32>
        %shift_left3A_393 = arith.shli %bitcast3A_391, %shift_left3A_392 : vector<16xi32>
        %bitcast_convert_type3A = tpu.bitcast %shift_left3A_393 : vector<16xi32> -> vector<16xf32>
        %bitcast_convert_type3A_394 = tpu.bitcast %bitcast3A_391 : vector<16xi32> -> vector<16xf32>
        %add3A_395 = arith.addf %bitcast_convert_type3A, %bitcast_convert_type3A_394 : vector<16xf32>
        %mul3A_396 = arith.constant 16 : i32
        %mul3A_397 = arith.muli %scan3A_328, %mul3A_396 : i32
        %mul3A_398 = arith.constant 4 : i32
        %mul3A_399 = arith.muli %scan3A_344, %mul3A_398 : i32
        %add3A_400 = arith.addi %mul3A_397, %mul3A_399 : i32
        %add3A_401 = arith.constant 1 : i32
        %add3A_402 = arith.addi %add3A_400, %add3A_401 : i32
        %get3A_403 = arith.index_cast %add3A_402 : i32 to index
        %get3A_404 = arith.constant 0 : index
        %get3A_405 = tpu.vector_load %arg8[%get3A_403, %get3A_404] {strides = array<i32>} : memref<80x64xi32, #tpu.memory_space<vmem>>, vector<16xi32>,
        %bitcast3A_406 = vector.bitcast %get3A_405 : vector<16xi32> to vector<32xbf16>
        %get3A_407 = arith.index_cast %add3A_402 : i32 to index
        %get3A_408 = arith.constant 0 : index
        %get3A_409 = tpu.vector_load %arg9[%get3A_407, %get3A_408] {strides = array<i32>} : memref<80x64xi32, #tpu.memory_space<vmem>>, vector<16xi32>,
        %bitcast3A_410 = vector.bitcast %get3A_409 : vector<16xi32> to vector<32xbf16>
        %mul3A_411 = arith.mulf %bitcast3A_406, %bitcast3A_410 : vector<32xbf16>
        %get3A_412 = arith.index_cast %add3A_402 : i32 to index
        %get3A_413 = arith.constant 16 : index
        %get3A_414 = tpu.vector_load %arg8[%get3A_412, %get3A_413] {strides = array<i32>} : memref<80x64xi32, #tpu.memory_space<vmem>>, vector<16xi32>,
        %bitcast3A_415 = vector.bitcast %get3A_414 : vector<16xi32> to vector<32xbf16>
        %get3A_416 = arith.index_cast %add3A_402 : i32 to index
        %get3A_417 = arith.constant 16 : index
        %get3A_418 = tpu.vector_load %arg9[%get3A_416, %get3A_417] {strides = array<i32>} : memref<80x64xi32, #tpu.memory_space<vmem>>, vector<16xi32>,
        %bitcast3A_419 = vector.bitcast %get3A_418 : vector<16xi32> to vector<32xbf16>
        %mul3A_420 = arith.mulf %bitcast3A_415, %bitcast3A_419 : vector<32xbf16>
        %add3A_421 = arith.addf %mul3A_411, %mul3A_420 : vector<32xbf16>
        %get3A_422 = arith.index_cast %add3A_402 : i32 to index
        %get3A_423 = arith.constant 32 : index
        %get3A_424 = tpu.vector_load %arg8[%get3A_422, %get3A_423] {strides = array<i32>} : memref<80x64xi32, #tpu.memory_space<vmem>>, vector<16xi32>,
        %bitcast3A_425 = vector.bitcast %get3A_424 : vector<16xi32> to vector<32xbf16>
        %get3A_426 = arith.index_cast %add3A_402 : i32 to index
        %get3A_427 = arith.constant 32 : index
        %get3A_428 = tpu.vector_load %arg9[%get3A_426, %get3A_427] {strides = array<i32>} : memref<80x64xi32, #tpu.memory_space<vmem>>, vector<16xi32>,
        %bitcast3A_429 = vector.bitcast %get3A_428 : vector<16xi32> to vector<32xbf16>
        %mul3A_430 = arith.mulf %bitcast3A_425, %bitcast3A_429 : vector<32xbf16>
        %add3A_431 = arith.addf %add3A_421, %mul3A_430 : vector<32xbf16>
        %get3A_432 = arith.index_cast %add3A_402 : i32 to index
        %get3A_433 = arith.constant 48 : index
        %get3A_434 = tpu.vector_load %arg8[%get3A_432, %get3A_433] {strides = array<i32>} : memref<80x64xi32, #tpu.memory_space<vmem>>, vector<16xi32>,
        %bitcast3A_435 = vector.bitcast %get3A_434 : vector<16xi32> to vector<32xbf16>
        %get3A_436 = arith.index_cast %add3A_402 : i32 to index
        %get3A_437 = arith.constant 48 : index
        %get3A_438 = tpu.vector_load %arg9[%get3A_436, %get3A_437] {strides = array<i32>} : memref<80x64xi32, #tpu.memory_space<vmem>>, vector<16xi32>,
        %bitcast3A_439 = vector.bitcast %get3A_438 : vector<16xi32> to vector<32xbf16>
        %mul3A_440 = arith.mulf %bitcast3A_435, %bitcast3A_439 : vector<32xbf16>
        %add3A_441 = arith.addf %add3A_431, %mul3A_440 : vector<32xbf16>
        %bitcast3A_442 = vector.bitcast %add3A_441 : vector<32xbf16> to vector<16xi32>
        %shift_left3A_443 = arith.constant 16 : i32
        %shift_left3A_444 = vector.broadcast %shift_left3A_443 : i32 to vector<16xi32>
        %shift_left3A_445 = arith.shli %bitcast3A_442, %shift_left3A_444 : vector<16xi32>
        %bitcast_convert_type3A_446 = tpu.bitcast %shift_left3A_445 : vector<16xi32> -> vector<16xf32>
        %bitcast_convert_type3A_447 = tpu.bitcast %bitcast3A_442 : vector<16xi32> -> vector<16xf32>
        %add3A_448 = arith.addf %bitcast_convert_type3A_446, %bitcast_convert_type3A_447 : vector<16xf32>
        %mul3A_449 = arith.constant 16 : i32
        %mul3A_450 = arith.muli %scan3A_328, %mul3A_449 : i32
        %mul3A_451 = arith.constant 4 : i32
        %mul3A_452 = arith.muli %scan3A_344, %mul3A_451 : i32
        %add3A_453 = arith.addi %mul3A_450, %mul3A_452 : i32
        %add3A_454 = arith.constant 2 : i32
        %add3A_455 = arith.addi %add3A_453, %add3A_454 : i32
        %get3A_456 = arith.index_cast %add3A_455 : i32 to index
        %get3A_457 = arith.constant 0 : index
        %get3A_458 = tpu.vector_load %arg8[%get3A_456, %get3A_457] {strides = array<i32>} : memref<80x64xi32, #tpu.memory_space<vmem>>, vector<16xi32>,
        %bitcast3A_459 = vector.bitcast %get3A_458 : vector<16xi32> to vector<32xbf16>
        %get3A_460 = arith.index_cast %add3A_455 : i32 to index
        %get3A_461 = arith.constant 0 : index
        %get3A_462 = tpu.vector_load %arg9[%get3A_460, %get3A_461] {strides = array<i32>} : memref<80x64xi32, #tpu.memory_space<vmem>>, vector<16xi32>,
        %bitcast3A_463 = vector.bitcast %get3A_462 : vector<16xi32> to vector<32xbf16>
        %mul3A_464 = arith.mulf %bitcast3A_459, %bitcast3A_463 : vector<32xbf16>
        %get3A_465 = arith.index_cast %add3A_455 : i32 to index
        %get3A_466 = arith.constant 16 : index
        %get3A_467 = tpu.vector_load %arg8[%get3A_465, %get3A_466] {strides = array<i32>} : memref<80x64xi32, #tpu.memory_space<vmem>>, vector<16xi32>,
        %bitcast3A_468 = vector.bitcast %get3A_467 : vector<16xi32> to vector<32xbf16>
        %get3A_469 = arith.index_cast %add3A_455 : i32 to index
        %get3A_470 = arith.constant 16 : index
        %get3A_471 = tpu.vector_load %arg9[%get3A_469, %get3A_470] {strides = array<i32>} : memref<80x64xi32, #tpu.memory_space<vmem>>, vector<16xi32>,
        %bitcast3A_472 = vector.bitcast %get3A_471 : vector<16xi32> to vector<32xbf16>
        %mul3A_473 = arith.mulf %bitcast3A_468, %bitcast3A_472 : vector<32xbf16>
        %add3A_474 = arith.addf %mul3A_464, %mul3A_473 : vector<32xbf16>
        %get3A_475 = arith.index_cast %add3A_455 : i32 to index
        %get3A_476 = arith.constant 32 : index
        %get3A_477 = tpu.vector_load %arg8[%get3A_475, %get3A_476] {strides = array<i32>} : memref<80x64xi32, #tpu.memory_space<vmem>>, vector<16xi32>,
        %bitcast3A_478 = vector.bitcast %get3A_477 : vector<16xi32> to vector<32xbf16>
        %get3A_479 = arith.index_cast %add3A_455 : i32 to index
        %get3A_480 = arith.constant 32 : index
        %get3A_481 = tpu.vector_load %arg9[%get3A_479, %get3A_480] {strides = array<i32>} : memref<80x64xi32, #tpu.memory_space<vmem>>, vector<16xi32>,
        %bitcast3A_482 = vector.bitcast %get3A_481 : vector<16xi32> to vector<32xbf16>
        %mul3A_483 = arith.mulf %bitcast3A_478, %bitcast3A_482 : vector<32xbf16>
        %add3A_484 = arith.addf %add3A_474, %mul3A_483 : vector<32xbf16>
        %get3A_485 = arith.index_cast %add3A_455 : i32 to index
        %get3A_486 = arith.constant 48 : index
        %get3A_487 = tpu.vector_load %arg8[%get3A_485, %get3A_486] {strides = array<i32>} : memref<80x64xi32, #tpu.memory_space<vmem>>, vector<16xi32>,
        %bitcast3A_488 = vector.bitcast %get3A_487 : vector<16xi32> to vector<32xbf16>
        %get3A_489 = arith.index_cast %add3A_455 : i32 to index
        %get3A_490 = arith.constant 48 : index
        %get3A_491 = tpu.vector_load %arg9[%get3A_489, %get3A_490] {strides = array<i32>} : memref<80x64xi32, #tpu.memory_space<vmem>>, vector<16xi32>,
        %bitcast3A_492 = vector.bitcast %get3A_491 : vector<16xi32> to vector<32xbf16>
        %mul3A_493 = arith.mulf %bitcast3A_488, %bitcast3A_492 : vector<32xbf16>
        %add3A_494 = arith.addf %add3A_484, %mul3A_493 : vector<32xbf16>
        %bitcast3A_495 = vector.bitcast %add3A_494 : vector<32xbf16> to vector<16xi32>
        %shift_left3A_496 = arith.constant 16 : i32
        %shift_left3A_497 = vector.broadcast %shift_left3A_496 : i32 to vector<16xi32>
        %shift_left3A_498 = arith.shli %bitcast3A_495, %shift_left3A_497 : vector<16xi32>
        %bitcast_convert_type3A_499 = tpu.bitcast %shift_left3A_498 : vector<16xi32> -> vector<16xf32>
        %bitcast_convert_type3A_500 = tpu.bitcast %bitcast3A_495 : vector<16xi32> -> vector<16xf32>
        %add3A_501 = arith.addf %bitcast_convert_type3A_499, %bitcast_convert_type3A_500 : vector<16xf32>
        %mul3A_502 = arith.constant 16 : i32
        %mul3A_503 = arith.muli %scan3A_328, %mul3A_502 : i32
        %mul3A_504 = arith.constant 4 : i32
        %mul3A_505 = arith.muli %scan3A_344, %mul3A_504 : i32
        %add3A_506 = arith.addi %mul3A_503, %mul3A_505 : i32
        %add3A_507 = arith.constant 3 : i32
        %add3A_508 = arith.addi %add3A_506, %add3A_507 : i32
        %get3A_509 = arith.index_cast %add3A_508 : i32 to index
        %get3A_510 = arith.constant 0 : index
        %get3A_511 = tpu.vector_load %arg8[%get3A_509, %get3A_510] {strides = array<i32>} : memref<80x64xi32, #tpu.memory_space<vmem>>, vector<16xi32>,
        %bitcast3A_512 = vector.bitcast %get3A_511 : vector<16xi32> to vector<32xbf16>
        %get3A_513 = arith.index_cast %add3A_508 : i32 to index
        %get3A_514 = arith.constant 0 : index
        %get3A_515 = tpu.vector_load %arg9[%get3A_513, %get3A_514] {strides = array<i32>} : memref<80x64xi32, #tpu.memory_space<vmem>>, vector<16xi32>,
        %bitcast3A_516 = vector.bitcast %get3A_515 : vector<16xi32> to vector<32xbf16>
        %mul3A_517 = arith.mulf %bitcast3A_512, %bitcast3A_516 : vector<32xbf16>
        %get3A_518 = arith.index_cast %add3A_508 : i32 to index
        %get3A_519 = arith.constant 16 : index
        %get3A_520 = tpu.vector_load %arg8[%get3A_518, %get3A_519] {strides = array<i32>} : memref<80x64xi32, #tpu.memory_space<vmem>>, vector<16xi32>,
        %bitcast3A_521 = vector.bitcast %get3A_520 : vector<16xi32> to vector<32xbf16>
        %get3A_522 = arith.index_cast %add3A_508 : i32 to index
        %get3A_523 = arith.constant 16 : index
        %get3A_524 = tpu.vector_load %arg9[%get3A_522, %get3A_523] {strides = array<i32>} : memref<80x64xi32, #tpu.memory_space<vmem>>, vector<16xi32>,
        %bitcast3A_525 = vector.bitcast %get3A_524 : vector<16xi32> to vector<32xbf16>
        %mul3A_526 = arith.mulf %bitcast3A_521, %bitcast3A_525 : vector<32xbf16>
        %add3A_527 = arith.addf %mul3A_517, %mul3A_526 : vector<32xbf16>
        %get3A_528 = arith.index_cast %add3A_508 : i32 to index
        %get3A_529 = arith.constant 32 : index
        %get3A_530 = tpu.vector_load %arg8[%get3A_528, %get3A_529] {strides = array<i32>} : memref<80x64xi32, #tpu.memory_space<vmem>>, vector<16xi32>,
        %bitcast3A_531 = vector.bitcast %get3A_530 : vector<16xi32> to vector<32xbf16>
        %get3A_532 = arith.index_cast %add3A_508 : i32 to index
        %get3A_533 = arith.constant 32 : index
        %get3A_534 = tpu.vector_load %arg9[%get3A_532, %get3A_533] {strides = array<i32>} : memref<80x64xi32, #tpu.memory_space<vmem>>, vector<16xi32>,
        %bitcast3A_535 = vector.bitcast %get3A_534 : vector<16xi32> to vector<32xbf16>
        %mul3A_536 = arith.mulf %bitcast3A_531, %bitcast3A_535 : vector<32xbf16>
        %add3A_537 = arith.addf %add3A_527, %mul3A_536 : vector<32xbf16>
        %get3A_538 = arith.index_cast %add3A_508 : i32 to index
        %get3A_539 = arith.constant 48 : index
        %get3A_540 = tpu.vector_load %arg8[%get3A_538, %get3A_539] {strides = array<i32>} : memref<80x64xi32, #tpu.memory_space<vmem>>, vector<16xi32>,
        %bitcast3A_541 = vector.bitcast %get3A_540 : vector<16xi32> to vector<32xbf16>
        %get3A_542 = arith.index_cast %add3A_508 : i32 to index
        %get3A_543 = arith.constant 48 : index
        %get3A_544 = tpu.vector_load %arg9[%get3A_542, %get3A_543] {strides = array<i32>} : memref<80x64xi32, #tpu.memory_space<vmem>>, vector<16xi32>,
        %bitcast3A_545 = vector.bitcast %get3A_544 : vector<16xi32> to vector<32xbf16>
        %mul3A_546 = arith.mulf %bitcast3A_541, %bitcast3A_545 : vector<32xbf16>
        %add3A_547 = arith.addf %add3A_537, %mul3A_546 : vector<32xbf16>
        %bitcast3A_548 = vector.bitcast %add3A_547 : vector<32xbf16> to vector<16xi32>
        %shift_left3A_549 = arith.constant 16 : i32
        %shift_left3A_550 = vector.broadcast %shift_left3A_549 : i32 to vector<16xi32>
        %shift_left3A_551 = arith.shli %bitcast3A_548, %shift_left3A_550 : vector<16xi32>
        %bitcast_convert_type3A_552 = tpu.bitcast %shift_left3A_551 : vector<16xi32> -> vector<16xf32>
        %bitcast_convert_type3A_553 = tpu.bitcast %bitcast3A_548 : vector<16xi32> -> vector<16xf32>
        %add3A_554 = arith.addf %bitcast_convert_type3A_552, %bitcast_convert_type3A_553 : vector<16xf32>
        %lt3A = arith.constant 0 : i32
        %lt3A_555 = vector.broadcast %lt3A : i32 to vector<16xi32>
        %lt3A_556 = arith.cmpi slt, %xor3A_10, %lt3A_555 : vector<16xi32>
        %add3A_557 = arith.constant 16 : i32
        %add3A_558 = vector.broadcast %add3A_557 : i32 to vector<16xi32>
        %add3A_559 = arith.addi %xor3A_10, %add3A_558 : vector<16xi32>
        %select_n3A = arith.select %lt3A_556, %add3A_559, %xor3A_10 : vector<16xi1>, vector<16xi32>
        %broadcast_in_dim3A_560 = vector.shape_cast %select_n3A : vector<16xi32> to vector<16x1xi32>
        %gather3A = vector.shape_cast %broadcast_in_dim3A_560 : vector<16x1xi32> to vector<16xi32>
        %gather3A_561 = tpu.dynamic_gather %add3A_395[%gather3A] in [0] : vector<16xf32>, vector<16xi32> -> vector<16xf32>
        %lt3A_562 = arith.constant 0 : i32
        %lt3A_563 = vector.broadcast %lt3A_562 : i32 to vector<16xi32>
        %lt3A_564 = arith.cmpi slt, %xor3A_10, %lt3A_563 : vector<16xi32>
        %add3A_565 = arith.constant 16 : i32
        %add3A_566 = vector.broadcast %add3A_565 : i32 to vector<16xi32>
        %add3A_567 = arith.addi %xor3A_10, %add3A_566 : vector<16xi32>
        %select_n3A_568 = arith.select %lt3A_564, %add3A_567, %xor3A_10 : vector<16xi1>, vector<16xi32>
        %broadcast_in_dim3A_569 = vector.shape_cast %select_n3A_568 : vector<16xi32> to vector<16x1xi32>
        %gather3A_570 = vector.shape_cast %broadcast_in_dim3A_569 : vector<16x1xi32> to vector<16xi32>
        %gather3A_571 = tpu.dynamic_gather %add3A_448[%gather3A_570] in [0] : vector<16xf32>, vector<16xi32> -> vector<16xf32>
        %select_n3A_572 = arith.select %eq3A_23, %add3A_395, %gather3A_571 : vector<16xi1>, vector<16xf32>
        %select_n3A_573 = arith.select %eq3A_23, %gather3A_561, %add3A_448 : vector<16xi1>, vector<16xf32>
        %add3A_574 = arith.addf %select_n3A_572, %select_n3A_573 : vector<16xf32>
        %lt3A_575 = arith.constant 0 : i32
        %lt3A_576 = vector.broadcast %lt3A_575 : i32 to vector<16xi32>
        %lt3A_577 = arith.cmpi slt, %xor3A_10, %lt3A_576 : vector<16xi32>
        %add3A_578 = arith.constant 16 : i32
        %add3A_579 = vector.broadcast %add3A_578 : i32 to vector<16xi32>
        %add3A_580 = arith.addi %xor3A_10, %add3A_579 : vector<16xi32>
        %select_n3A_581 = arith.select %lt3A_577, %add3A_580, %xor3A_10 : vector<16xi1>, vector<16xi32>
        %broadcast_in_dim3A_582 = vector.shape_cast %select_n3A_581 : vector<16xi32> to vector<16x1xi32>
        %gather3A_583 = vector.shape_cast %broadcast_in_dim3A_582 : vector<16x1xi32> to vector<16xi32>
        %gather3A_584 = tpu.dynamic_gather %add3A_501[%gather3A_583] in [0] : vector<16xf32>, vector<16xi32> -> vector<16xf32>
        %lt3A_585 = arith.constant 0 : i32
        %lt3A_586 = vector.broadcast %lt3A_585 : i32 to vector<16xi32>
        %lt3A_587 = arith.cmpi slt, %xor3A_10, %lt3A_586 : vector<16xi32>
        %add3A_588 = arith.constant 16 : i32
        %add3A_589 = vector.broadcast %add3A_588 : i32 to vector<16xi32>
        %add3A_590 = arith.addi %xor3A_10, %add3A_589 : vector<16xi32>
        %select_n3A_591 = arith.select %lt3A_587, %add3A_590, %xor3A_10 : vector<16xi1>, vector<16xi32>
        %broadcast_in_dim3A_592 = vector.shape_cast %select_n3A_591 : vector<16xi32> to vector<16x1xi32>
        %gather3A_593 = vector.shape_cast %broadcast_in_dim3A_592 : vector<16x1xi32> to vector<16xi32>
        %gather3A_594 = tpu.dynamic_gather %add3A_554[%gather3A_593] in [0] : vector<16xf32>, vector<16xi32> -> vector<16xf32>
        %select_n3A_595 = arith.select %eq3A_23, %add3A_501, %gather3A_594 : vector<16xi1>, vector<16xf32>
        %select_n3A_596 = arith.select %eq3A_23, %gather3A_584, %add3A_554 : vector<16xi1>, vector<16xf32>
        %add3A_597 = arith.addf %select_n3A_595, %select_n3A_596 : vector<16xf32>
        %lt3A_598 = arith.constant 0 : i32
        %lt3A_599 = vector.broadcast %lt3A_598 : i32 to vector<16xi32>
        %lt3A_600 = arith.cmpi slt, %xor3A_13, %lt3A_599 : vector<16xi32>
        %add3A_601 = arith.constant 16 : i32
        %add3A_602 = vector.broadcast %add3A_601 : i32 to vector<16xi32>
        %add3A_603 = arith.addi %xor3A_13, %add3A_602 : vector<16xi32>
        %select_n3A_604 = arith.select %lt3A_600, %add3A_603, %xor3A_13 : vector<16xi1>, vector<16xi32>
        %broadcast_in_dim3A_605 = vector.shape_cast %select_n3A_604 : vector<16xi32> to vector<16x1xi32>
        %gather3A_606 = vector.shape_cast %broadcast_in_dim3A_605 : vector<16x1xi32> to vector<16xi32>
        %gather3A_607 = tpu.dynamic_gather %add3A_574[%gather3A_606] in [0] : vector<16xf32>, vector<16xi32> -> vector<16xf32>
        %lt3A_608 = arith.constant 0 : i32
        %lt3A_609 = vector.broadcast %lt3A_608 : i32 to vector<16xi32>
        %lt3A_610 = arith.cmpi slt, %xor3A_13, %lt3A_609 : vector<16xi32>
        %add3A_611 = arith.constant 16 : i32
        %add3A_612 = vector.broadcast %add3A_611 : i32 to vector<16xi32>
        %add3A_613 = arith.addi %xor3A_13, %add3A_612 : vector<16xi32>
        %select_n3A_614 = arith.select %lt3A_610, %add3A_613, %xor3A_13 : vector<16xi1>, vector<16xi32>
        %broadcast_in_dim3A_615 = vector.shape_cast %select_n3A_614 : vector<16xi32> to vector<16x1xi32>
        %gather3A_616 = vector.shape_cast %broadcast_in_dim3A_615 : vector<16x1xi32> to vector<16xi32>
        %gather3A_617 = tpu.dynamic_gather %add3A_597[%gather3A_616] in [0] : vector<16xf32>, vector<16xi32> -> vector<16xf32>
        %select_n3A_618 = arith.select %eq3A_29, %add3A_574, %gather3A_617 : vector<16xi1>, vector<16xf32>
        %select_n3A_619 = arith.select %eq3A_29, %gather3A_607, %add3A_597 : vector<16xi1>, vector<16xf32>
        %add3A_620 = arith.addf %select_n3A_618, %select_n3A_619 : vector<16xf32>
        %lt3A_621 = arith.constant 0 : i32
        %lt3A_622 = vector.broadcast %lt3A_621 : i32 to vector<16xi32>
        %lt3A_623 = arith.cmpi slt, %xor3A_16, %lt3A_622 : vector<16xi32>
        %add3A_624 = arith.constant 16 : i32
        %add3A_625 = vector.broadcast %add3A_624 : i32 to vector<16xi32>
        %add3A_626 = arith.addi %xor3A_16, %add3A_625 : vector<16xi32>
        %select_n3A_627 = arith.select %lt3A_623, %add3A_626, %xor3A_16 : vector<16xi1>, vector<16xi32>
        %broadcast_in_dim3A_628 = vector.shape_cast %select_n3A_627 : vector<16xi32> to vector<16x1xi32>
        %gather3A_629 = vector.shape_cast %broadcast_in_dim3A_628 : vector<16x1xi32> to vector<16xi32>
        %gather3A_630 = tpu.dynamic_gather %add3A_620[%gather3A_629] in [0] : vector<16xf32>, vector<16xi32> -> vector<16xf32>
        %add3A_631 = arith.addf %add3A_620, %gather3A_630 : vector<16xf32>
        %lt3A_632 = arith.constant 0 : i32
        %lt3A_633 = vector.broadcast %lt3A_632 : i32 to vector<16xi32>
        %lt3A_634 = arith.cmpi slt, %xor3A_19, %lt3A_633 : vector<16xi32>
        %add3A_635 = arith.constant 16 : i32
        %add3A_636 = vector.broadcast %add3A_635 : i32 to vector<16xi32>
        %add3A_637 = arith.addi %xor3A_19, %add3A_636 : vector<16xi32>
        %select_n3A_638 = arith.select %lt3A_634, %add3A_637, %xor3A_19 : vector<16xi1>, vector<16xi32>
        %broadcast_in_dim3A_639 = vector.shape_cast %select_n3A_638 : vector<16xi32> to vector<16x1xi32>
        %gather3A_640 = vector.shape_cast %broadcast_in_dim3A_639 : vector<16x1xi32> to vector<16xi32>
        %gather3A_641 = tpu.dynamic_gather %add3A_631[%gather3A_640] in [0] : vector<16xf32>, vector<16xi32> -> vector<16xf32>
        %add3A_642 = arith.addf %add3A_631, %gather3A_641 : vector<16xf32>
        %eq3A_643 = vector.broadcast %scan3A_344 : i32 to vector<16xi32>
        %eq3A_644 = arith.cmpi eq, %shift_right_arithmetic3A_8, %eq3A_643 : vector<16xi32>
        %select_n3A_645 = arith.select %eq3A_644, %add3A_642, %scan3A_345 : vector<16xi1>, vector<16xf32>
        scf.yield %select_n3A_645 : vector<16xf32>
      }
      %scan3A_336 = arith.constant 4 : i32
      %mul3A_337 = arith.constant 16 : i32
      %mul3A_338 = arith.muli %scan3A_328, %mul3A_337 : i32
      %add3A_339 = arith.constant 9920 : i32
      %add3A_340 = arith.addi %add3A_339, %mul3A_338 : i32
      %swap3A_341 = arith.index_cast %add3A_340 : i32 to index
      %swap3A_342 = tpu.vector_load %arg12[%swap3A_341] {strides = array<i32>} : memref<10000xf32, #tpu.memory_space<vmem>>, vector<16xf32>,
      tpu.vector_store %arg12[%swap3A_341], %scan3A_335 {strides = array<i32>} : memref<10000xf32, #tpu.memory_space<vmem>>, vector<16xf32>,
      %scan3A_343 = arith.constant 0 : i32
      scf.yield %scan3A_343 : i32
    }
    %scan3A_255 = arith.constant 5 : i32
    %get3A_256 = arith.constant 9920 : index
    %get3A_257 = tpu.vector_load %arg12[%get3A_256] {strides = array<i32>} : memref<10000xf32, #tpu.memory_space<vmem>>, vector<16xf32>,
    %neg3A_258 = arith.constant 0.000000e+00 : f32
    %neg3A_259 = vector.broadcast %neg3A_258 : f32 to vector<16xf32>
    %neg3A_260 = arith.subf %neg3A_259, %get3A_257 : vector<16xf32>
    %exp3A_261 = math.exp %neg3A_260 : vector<16xf32>
    %add3A_262 = arith.constant 1.000000e+00 : f32
    %add3A_263 = vector.broadcast %add3A_262 : f32 to vector<16xf32>
    %add3A_264 = arith.addf %add3A_263, %exp3A_261 : vector<16xf32>
    %div3A_265 = arith.constant 1.000000e+00 : f32
    %div3A_266 = vector.broadcast %div3A_265 : f32 to vector<16xf32>
    %div3A_267 = arith.divf %div3A_266, %add3A_264 : vector<16xf32>
    %swap3A_268 = arith.constant 9920 : index
    %swap3A_269 = tpu.vector_load %arg12[%swap3A_268] {strides = array<i32>} : memref<10000xf32, #tpu.memory_space<vmem>>, vector<16xf32>,
    tpu.vector_store %arg12[%swap3A_268], %div3A_267 {strides = array<i32>} : memref<10000xf32, #tpu.memory_space<vmem>>, vector<16xf32>,
    %get3A_270 = arith.constant 9936 : index
    %get3A_271 = tpu.vector_load %arg12[%get3A_270] {strides = array<i32>} : memref<10000xf32, #tpu.memory_space<vmem>>, vector<16xf32>,
    %neg3A_272 = arith.constant 0.000000e+00 : f32
    %neg3A_273 = vector.broadcast %neg3A_272 : f32 to vector<16xf32>
    %neg3A_274 = arith.subf %neg3A_273, %get3A_271 : vector<16xf32>
    %exp3A_275 = math.exp %neg3A_274 : vector<16xf32>
    %add3A_276 = arith.constant 1.000000e+00 : f32
    %add3A_277 = vector.broadcast %add3A_276 : f32 to vector<16xf32>
    %add3A_278 = arith.addf %add3A_277, %exp3A_275 : vector<16xf32>
    %div3A_279 = arith.constant 1.000000e+00 : f32
    %div3A_280 = vector.broadcast %div3A_279 : f32 to vector<16xf32>
    %div3A_281 = arith.divf %div3A_280, %add3A_278 : vector<16xf32>
    %swap3A_282 = arith.constant 9936 : index
    %swap3A_283 = tpu.vector_load %arg12[%swap3A_282] {strides = array<i32>} : memref<10000xf32, #tpu.memory_space<vmem>>, vector<16xf32>,
    tpu.vector_store %arg12[%swap3A_282], %div3A_281 {strides = array<i32>} : memref<10000xf32, #tpu.memory_space<vmem>>, vector<16xf32>,
    %get3A_284 = arith.constant 9952 : index
    %get3A_285 = tpu.vector_load %arg12[%get3A_284] {strides = array<i32>} : memref<10000xf32, #tpu.memory_space<vmem>>, vector<16xf32>,
    %neg3A_286 = arith.constant 0.000000e+00 : f32
    %neg3A_287 = vector.broadcast %neg3A_286 : f32 to vector<16xf32>
    %neg3A_288 = arith.subf %neg3A_287, %get3A_285 : vector<16xf32>
    %exp3A_289 = math.exp %neg3A_288 : vector<16xf32>
    %add3A_290 = arith.constant 1.000000e+00 : f32
    %add3A_291 = vector.broadcast %add3A_290 : f32 to vector<16xf32>
    %add3A_292 = arith.addf %add3A_291, %exp3A_289 : vector<16xf32>
    %div3A_293 = arith.constant 1.000000e+00 : f32
    %div3A_294 = vector.broadcast %div3A_293 : f32 to vector<16xf32>
    %div3A_295 = arith.divf %div3A_294, %add3A_292 : vector<16xf32>
    %swap3A_296 = arith.constant 9952 : index
    %swap3A_297 = tpu.vector_load %arg12[%swap3A_296] {strides = array<i32>} : memref<10000xf32, #tpu.memory_space<vmem>>, vector<16xf32>,
    tpu.vector_store %arg12[%swap3A_296], %div3A_295 {strides = array<i32>} : memref<10000xf32, #tpu.memory_space<vmem>>, vector<16xf32>,
    %get3A_298 = arith.constant 9968 : index
    %get3A_299 = tpu.vector_load %arg12[%get3A_298] {strides = array<i32>} : memref<10000xf32, #tpu.memory_space<vmem>>, vector<16xf32>,
    %neg3A_300 = arith.constant 0.000000e+00 : f32
    %neg3A_301 = vector.broadcast %neg3A_300 : f32 to vector<16xf32>
    %neg3A_302 = arith.subf %neg3A_301, %get3A_299 : vector<16xf32>
    %exp3A_303 = math.exp %neg3A_302 : vector<16xf32>
    %add3A_304 = arith.constant 1.000000e+00 : f32
    %add3A_305 = vector.broadcast %add3A_304 : f32 to vector<16xf32>
    %add3A_306 = arith.addf %add3A_305, %exp3A_303 : vector<16xf32>
    %div3A_307 = arith.constant 1.000000e+00 : f32
    %div3A_308 = vector.broadcast %div3A_307 : f32 to vector<16xf32>
    %div3A_309 = arith.divf %div3A_308, %add3A_306 : vector<16xf32>
    %swap3A_310 = arith.constant 9968 : index
    %swap3A_311 = tpu.vector_load %arg12[%swap3A_310] {strides = array<i32>} : memref<10000xf32, #tpu.memory_space<vmem>>, vector<16xf32>,
    tpu.vector_store %arg12[%swap3A_310], %div3A_309 {strides = array<i32>} : memref<10000xf32, #tpu.memory_space<vmem>>, vector<16xf32>,
    %get3A_312 = arith.constant 9984 : index
    %get3A_313 = tpu.vector_load %arg12[%get3A_312] {strides = array<i32>} : memref<10000xf32, #tpu.memory_space<vmem>>, vector<16xf32>,
    %neg3A_314 = arith.constant 0.000000e+00 : f32
    %neg3A_315 = vector.broadcast %neg3A_314 : f32 to vector<16xf32>
    %neg3A_316 = arith.subf %neg3A_315, %get3A_313 : vector<16xf32>
    %exp3A_317 = math.exp %neg3A_316 : vector<16xf32>
    %add3A_318 = arith.constant 1.000000e+00 : f32
    %add3A_319 = vector.broadcast %add3A_318 : f32 to vector<16xf32>
    %add3A_320 = arith.addf %add3A_319, %exp3A_317 : vector<16xf32>
    %div3A_321 = arith.constant 1.000000e+00 : f32
    %div3A_322 = vector.broadcast %div3A_321 : f32 to vector<16xf32>
    %div3A_323 = arith.divf %div3A_322, %add3A_320 : vector<16xf32>
    %swap3A_324 = arith.constant 9984 : index
    %swap3A_325 = tpu.vector_load %arg12[%swap3A_324] {strides = array<i32>} : memref<10000xf32, #tpu.memory_space<vmem>>, vector<16xf32>,
    tpu.vector_store %arg12[%swap3A_324], %div3A_323 {strides = array<i32>} : memref<10000xf32, #tpu.memory_space<vmem>>, vector<16xf32>,
    %mul3A_326 = arith.constant 10000 : i32
    %mul3A_327 = arith.muli %add3A, %mul3A_326 : i32
    "tpu.region"() ({
      %run_scoped3A = tpu.sem_alloc : memref<!tpu.dma_semaphore, #tpu.memory_space<semaphore_mem>>
      %dma_start3A_328 = tpu.memref_slice %arg5[%mul3A_327] : memref<320000xf32, #tpu.memory_space<hbm>> -> memref<10000xf32, #tpu.memory_space<hbm>>
      %dma_start3A_329 = tpu.memref_slice %arg5[%mul3A_327] : memref<320000xf32, #tpu.memory_space<hbm>> -> memref<10000xf32, #tpu.memory_space<hbm>>
      tpu.enqueue_dma source(%arg12 : memref<10000xf32, #tpu.memory_space<vmem>>) target(%dma_start3A_329 : memref<10000xf32, #tpu.memory_space<hbm>>) target_semaphore(%run_scoped3A : memref<!tpu.dma_semaphore, #tpu.memory_space<semaphore_mem>>)
      %dma_wait3A_330 = tpu.memref_slice %arg5[%mul3A_327] : memref<320000xf32, #tpu.memory_space<hbm>> -> memref<10000xf32, #tpu.memory_space<hbm>>
      %dma_wait3A_331 = tpu.memref_slice %arg5[%mul3A_327] : memref<320000xf32, #tpu.memory_space<hbm>> -> memref<10000xf32, #tpu.memory_space<hbm>>
      tpu.wait_dma2 semaphore(%run_scoped3A : memref<!tpu.dma_semaphore, #tpu.memory_space<semaphore_mem>>) src(%arg12 : memref<10000xf32, #tpu.memory_space<vmem>>) dst(%dma_wait3A_331 : memref<10000xf32, #tpu.memory_space<hbm>>)
      tpu.yield
    }) : () -> ()
    return
  }
}

</mosaic_0001>

<sc_bundles>
// kernel: _run.3.cloned.1.call-start
scs
__scs_entry_jumppad:
0x0: {  	(pc) =	sbr.rel $0x88, $3  }
0x1: {  	(tag) =	ssettag $0x0;
	lr =	simm.s32 $0x1  }
0x2: {  	[smem:$0x3F9E] =	sst lr;
	_ =	strace $0xD0000000  }
0x3: {  	_ = 	snop  }
0x4: {  	_ = 	snop  }
0x5: {  	_ = 	snop  }
0x6: {  	_ = 	snop  }
0x7: {  	_ = 	snop  }
__scs_overlays_trampoline_lowered:
0x8: {  	[smem:$0x3FAD] =	sst s0  }
0x9: {  	[smem:$0x3FAE] =	sst s1  }
0xa: {  	[smem:$0x3FAF] =	sst s2  }
0xb: {  	[smem:$0x3FB0] =	sst s3  }
0xc: {  	[smem:$0x3FB1] =	sst s4  }
0xd: {  	[smem:$0x3FB2] =	sst s5  }
0xe: {  	[smem:$0x3FB3] =	sst s6  }
0xf: {  	[smem:$0x3FB4] =	sst s7  }
0x10: {  	[smem:$0x3FB5] =	sst s8  }
0x11: {  	[smem:$0x3FB6] =	sst s9;
	s0 =	simm.s32 @!p0 $0x0  }
0x12: {  	s1 =	sld [smem:$0x3F9C];
	s0 =	simm.s32 @p0 $0x1  }
0x13: {  	[smem:$0x3FB7] =	sst s0;
	s0 =	simm.s32 @!p1 $0x0  }
0x14: {  	s2 =	sld [smem:$0x3F9B];
	s0 =	simm.s32 @p1 $0x1  }
0x15: {  	[smem:$0x3FB8] =	sst s0;
	s0 =	simm.s32 @!p2 $0x0  }
0x16: {  	s3 =	sld [smem:$0x3FDB];
	s0 =	simm.s32 @p2 $0x1  }
0x17: {  	s4 =	simm.s32 $0x1BF5;
	[smem:$0x3FBA] =	sst s0  }
0x18: {  	s0 =	sld [smem:$0x3F9D];
	_ =	swait.ge [sflag:s4], $0x0  }
0x19: {  	s7 =	sld [smem:$0x3F9E]  }
0x1a: {  	s8 =	sadd.s32 $0xFFFFE003, lr  }
0x1b: {  	s9 =	sadd.s32 $0xFFFFFEF7, lr;
	s5 =	simm.s32 $0xFFFFFFFF;
	p2 =	slt.u32 s8, $0xFFFFF086  }
0x1c: {  	p1 =	slt.u32 s9, $0xF7A;
	s5 =	simm.s32 @!p2 $0x0  }
0x1d: {  	s5 =	simm.s32 @p1 $0x1;
	p0 =	seq.s32 s7, s2  }
0x1e: {  	s7 =	smul.u32 @!p0 $0xF7A, s2;
	p2 =	seq.s32 @!p0 s5, $0x0  }
0x1f: {  	s9 =	smul.u32 $0xF7A, s1;
	s8 =	simm.s32 @!p0 $0x1BF5;
	p2 =	por !p2, p0  }
0x20: {  	[sflag:s8] =	ssyncset.s32 @!p0 $0xFFFFF086;
	s6 =	sadd.s32 @!p0 s3, s7;
	s7 =	simm.s32 @!p0 $0x108  }
0x21: {  	s3 =	sadd.s32 s3, s9;
	s6 =	sadd.s32 @!p0 $0x88, s6;
	s7 =	simm.s32 @p2 $0x1082  }
0x22: {  	[simem:s7], [sflag:s8] =	dma.local @!p0 [hbm:s6], $0xF7A  }
0x23: {  	s9 =	sor.u32 $0xD0000000, s2;
	s6 =	simm.s32 $0x108;
	_ =	swait.ge @!p0 [sflag:s8], $0x0  }
0x24: {  	s3 =	sadd.s32 $0x88, s3;
	s6 =	simm.s32 @!p1 $0x1082;
	[sflag:s4] =	ssyncset.s32 $0xFFFFF086  }
0x25: {  	[simem:s6], [sflag:s4] =	dma.local [hbm:s3], $0xF7A  }
0x26: {  	[smem:$0x3F9E] =	sst s1;
	(tag) =	ssettag s2;
	_ =	strace s9  }
0x27: {  	s1 =	sld [smem:$0x3FAE]  }
0x28: {  	s2 =	sld [smem:$0x3FAF]  }
0x29: {  	s4 =	sld [smem:$0x3FB1]  }
0x2a: {  	p0 =	seq.s32 s5, $0x0;
	s5 =	sld [smem:$0x3FB2]  }
0x2b: {  	s6 =	sld [smem:$0x3FB3]  }
0x2c: {  	s7 =	sld [smem:$0x3FB4]  }
0x2d: {  	s3 =	simm.s32 $0x108;
	s8 =	sld [smem:$0x3FB5]  }
0x2e: {  	s3 =	simm.s32 @!p0 $0x1082;
	s9 =	sld [smem:$0x3FB6]  }
0x2f: {  	lr =	sadd.s32 s0, s3;
	s0 =	sld [smem:$0x3FAD]  }
0x30: {  	s3 =	sld [smem:$0x3FB0]  }
0x31: {  	[smem:$0x3FB9] =	sst s10  }
0x32: {  	s10 =	sld [smem:$0x3FB7];
	_ =	sdelay $0x3  }
0x33: {  	p0 =	seq.s32 s10, $0x1;
	s10 =	sld [smem:$0x3FB9];
	_ =	sdelay $0x3  }
0x34: {  	[smem:$0x3FB9] =	sst s10  }
0x35: {  	s10 =	sld [smem:$0x3FB8];
	_ =	sdelay $0x3  }
0x36: {  	p1 =	seq.s32 s10, $0x1;
	s10 =	sld [smem:$0x3FB9];
	_ =	sdelay $0x3  }
0x37: {  	[smem:$0x3FB9] =	sst s10  }
0x38: {  	s10 =	sld [smem:$0x3FBA]  }
0x39: {  	_ = 	snop;
	(pc) =	sbr.ind lr, $3  }
0x3a: {  	_ = 	snop  }
0x3b: {  	_ = 	snop  }
0x3c: {  	p2 =	seq.s32 s10, $0x1;
	s10 =	sld [smem:$0x3FB9]  }
0x3d: {  	_ =	shalt  }
0x3e: {  	_ =	shalt  }
0x3f: {  	_ =	shalt  }
0x40: {  	_ =	shalt  }
0x41: {  	_ =	shalt  }
0x42: {  	_ =	shalt  }
0x43: {  	_ =	shalt  }
0x44: {  	_ =	shalt  }
0x45: {  	_ =	shalt  }
0x46: {  	_ =	shalt  }
0x47: {  	_ =	shalt  }
0x48: {  	_ =	shalt  }
0x49: {  	_ =	shalt  }
0x4a: {  	_ =	shalt  }
0x4b: {  	_ =	shalt  }
0x4c: {  	_ =	shalt  }
0x4d: {  	_ =	shalt  }
0x4e: {  	_ =	shalt  }
0x4f: {  	_ =	shalt  }
0x50: {  	_ =	shalt  }
0x51: {  	_ =	shalt  }
0x52: {  	_ =	shalt  }
0x53: {  	_ =	shalt  }
0x54: {  	_ =	shalt  }
0x55: {  	_ =	shalt  }
0x56: {  	_ =	shalt  }
0x57: {  	_ =	shalt  }
0x58: {  	_ =	shalt  }
0x59: {  	_ =	shalt  }
0x5a: {  	_ =	shalt  }
0x5b: {  	_ =	shalt  }
0x5c: {  	_ =	shalt  }
0x5d: {  	_ =	shalt  }
0x5e: {  	_ =	shalt  }
0x5f: {  	_ =	shalt  }
0x60: {  	_ =	shalt  }
0x61: {  	_ =	shalt  }
0x62: {  	_ =	shalt  }
0x63: {  	_ =	shalt  }
0x64: {  	_ =	shalt  }
0x65: {  	_ =	shalt  }
0x66: {  	_ =	shalt  }
0x67: {  	_ =	shalt  }
0x68: {  	_ =	shalt  }
0x69: {  	_ =	shalt  }
0x6a: {  	_ =	shalt  }
0x6b: {  	_ =	shalt  }
0x6c: {  	_ =	shalt  }
0x6d: {  	_ =	shalt  }
0x6e: {  	_ =	shalt  }
0x6f: {  	_ =	shalt  }
0x70: {  	_ =	shalt  }
0x71: {  	_ =	shalt  }
0x72: {  	_ =	shalt  }
0x73: {  	_ =	shalt  }
0x74: {  	_ =	shalt  }
0x75: {  	_ =	shalt  }
0x76: {  	_ =	shalt  }
0x77: {  	_ =	shalt  }
0x78: {  	_ =	shalt  }
0x79: {  	_ =	shalt  }
0x7a: {  	_ =	shalt  }
0x7b: {  	_ =	shalt  }
0x7c: {  	_ =	shalt  }
0x7d: {  	_ =	shalt  }
0x7e: {  	_ =	shalt  }
0x7f: {  	_ =	shalt  }
0x80: {  	_ =	shalt  }
0x81: {  	_ =	shalt  }
0x82: {  	_ =	shalt  }
0x83: {  	_ =	shalt  }
0x84: {  	_ =	shalt  }
0x85: {  	_ =	shalt  }
0x86: {  	_ =	shalt  }
0x87: {  	_ =	shalt  }
.Lfunc_end0:
.L_simem_size_0:
called_computation_lowered:
.L_overlay_start_0:
0x88: {  	s2 =	sld [smem:$0x3FD9]  }
0x89: {  	s3 =	sld [smem:$0x3FFE];
	_ =	sdelay $0x1  }
0x8a: {  	s1 =	srdreg.scid  }
0x8b: {  	s0 =	sand.u32 $0x1, s1  }
0x8c: {  	s17 =	sshll.u32 s0, $0xA;
	s2 =	sadd.s32 s3, s2  }
0x8d: {  	s2 =	sadd.s32 s2, s17  }
0x8e: {  	[smem:$0x3FC5] =	sst s2  }
0x8f: {  	_ = 	snop  }
0x90: {  	s2 =	sld [smem:$0x3FC7]  }
0x91: {  	s18 =	sld [smem:$0x3FD0];
	(tm) =	ssettm $0x1  }
0x92: {  	s4 =	sld [smem:$0x3FFB];
	_ =	sdelay $0x3  }
0x93: {  	_ =	strace s4  }
0x94: {  	s4 =	sld [smem:$0x3FFC];
	_ =	sdelay $0x3  }
0x95: {  	_ =	strace s4  }
0x96: {  	s4 =	sld [smem:$0x3FFD];
	_ =	sdelay $0x3  }
0x97: {  	_ =	strace s4  }
0x98: {  	_ =	strace $0x8FFFFFFF  }
0x99: {  	s19 =	sld [smem:$0x3FDB];
	_ =	sdelay $0x1  }
0x9a: {  	s5 =	simm.s32 $_scs_section_size  }
0x9b: {  	s6 =	simm.s32 $_size__tile_overlayer_lowered;
	s7 =	simm.s32 $_tile_overlayer_lowered  }
0x9c: {  	s22 =	simm.s32 $0x1BFF;
	s21 =	sshll.u32 s7, $0x1;
	s4 =	sadd.s32 s5, s19  }
0x9d: {  	s8 =	simm.s32 $0x0;
	s20 =	sshll.u32 s6, $0x1;
	s6 =	sadd.s32 s21, s4  }
0x9e: {  	[timem:s8], [sflag:s22] =	dma.local [hbm:s6], s20  }
0x9f: {  	_ =	swait.ge [sflag:s22], s20  }
0xa0: {  	s5 =	ssub.s32 $0x0, s20;
	[sflag:s22] =	ssyncset.done $0x0  }
0xa1: {  	[sflag:s22] =	ssyncadd.s32 s5;
	_ =	sdelay $0x1  }
0xa2: {  	s23 =	simm.s32 $0x1B8B  }
0xa3: {  	_ =	swait.ge [sflag:s23], $0x1  }
0xa4: {  	[sflag:s23] =	ssyncset.done $0x0  }
0xa5: {  	s25 =	simm.s32 $0x1B8E;
	s24 =	sld [smem:$0x3FFE];
	[sflag:s23] =	ssyncadd.s32 $0xFFFFFFFF  }
0xa6: {  	s26 =	simm.s32 $execute0_lowered;
	[smem:$0x3FD2] =	sst s25  }
0xa7: {  	s6 =	sshll.u32 s26, $0x1;
	_ =	strace $0x80000046;
	[dreg:$0x1] =	wrdreg $0xFFFFFFFF  }
0xa8: {  	s28 =	simm.s32 $_size_execute0_lowered;
	s4 =	sadd.s32 s4, s6;
	[dreg:$0x0] =	wrdreg $0x0  }
0xa9: {  	s6 =	sshll.u32 s28, $0x1;
	[dreg:$0x2] =	wrdreg s4  }
0xaa: {  	[dreg:$0x3] =	wrdreg s6  }
0xab: {  	[dreg:$0x4] =	wrdreg $0xC0  }
0xac: {  	_ =	task [dreg:s8], $0x5FFFF  }
0xad: {  	[dreg:$0x1] =	wrdreg $0xFFFFFFFF  }
0xae: {  	[dreg:$0x0] =	wrdreg $0x60  }
0xaf: {  	[dreg:$0x2] =	wrdreg s24  }
0xb0: {  	[dreg:$0x3] =	wrdreg s2  }
0xb1: {  	[dreg:$0x4] =	wrdreg s18  }
0xb2: {  	[dreg:$0x5] =	wrdreg $0x9  }
0xb3: {  	_ =	task.clear_ibuf [dreg:s8], $0x6FFFF;
	_ =	strace $0x90000046  }
0xb4: {  	s29 =	simm.s32 $0x9;
	_ =	strace $0x80000048  }
0xb5: {  	_ =	swait.ge [sflag:s29], $0x1  }
0xb6: {  	[sflag:s29] =	ssyncadd.s32 $0xFFFFFFFF  }
0xb7: {  	_ =	strace $0x90000048  }
0xb8: {  	_ =	sfence  }
0xb9: {  	s30 =	sld [smem:$0x0];
	_ =	sdelay $0x2  }
0xba: {  	s31 =	sshll.u32 s1, $0xD;
	s1 =	sshrl.u32 s1, $0x2  }
0xbb: {  	s3 =	sand.u32 $0x4000, s31;
	s1 =	sadd.s32 s1, s30  }
0xbc: {  	s0 =	sor.u32 s3, s0;
	s1 =	sshll.u32 s1, $0x11  }
0xbd: {  	s0 =	sor.u32 s1, s0  }
0xbe: {  	s0 =	sadd.s32 $0x8F2B, s0  }
0xbf: {  	[sflag:s0] =	ssyncadd.remote.s32 $0x1  }
0xc0: {  	_ =	sfence.sel $0xFFFF  }
0xc1: {  	[dreg:$0x0] =	wrdreg $0xFFFFFFFF;
	(pc) =	sbr.abs _section_cstart, $3  }
0xc2: {  	[dreg:$0x1] =	wrdreg $0xFFFFFFFF  }
0xc3: {  	_ =	task.clear_ibuf [dreg:s8], $0x2FFFF;
	_ =	strace $0x9FFFFFFF  }
0xc4: {  	(tm) =	ssettm $0x7FFFFFFF  }
0xc5: {  	_ =	shalt  }
tec
execute0_lowered:
.L_overlay_start_1:
0x0: {  	(tag) =	ssettag $0x1  }
0x1: {  	v0 =	vimm.s32 $0xEFCDAB89  }
0x2: {  	v1 =	vimm.s32 $0x67452301;
	vm0 =	vcmask $0xB08;
	vm1 =	vcmask $0x300  }
0x3: {  	v3 =	vimm.s32 $0xBA98FEDC;
	v4 =	vimm.s32 $0x32107654;
	v0 =	vunpack.c.l.s4.s8 v0  }
0x4: {  	v1 =	vunpack.c.l.s4.s8 v1;
	vm0 =	vmor vm1, vm0;
	vm1 =	vcmask $0x1310  }
0x5: {  	v5 =	vimm.s32 $0xFEDCBA98;
	vm2 =	vcmask $0x700;
	vm0 =	vmor vm0, vm1  }
0x6: {  	vm1 =	vcmask $0x1B18;
	v0 =	vunpack.c.0.s8.s32 v0;
	v1 =	vunpack.c.0.s8.s32 v1  }
0x7: {  	s0 =	rddreg [dreg:$0x0];
	v3 =	vunpack.c.l.s4.s8 v3;
	vm0 =	vmor vm0, vm1;
	vm1 =	vcmask $0x2320  }
0x8: {  	s1 =	rddreg [dreg:$0x1];
	s2 =	srdreg.scid;
	vm0 =	vmor vm0, vm1;
	vm1 =	vcmask $0x2B28;
	v2 =	vcombine.low v1, v0  }
0x9: {  	s3 =	stileid.u32;
	s7 =	rddreg [dreg:$0x2];
	vm0 =	vmor vm0, vm1;
	v0 =	vimm.s32 $0xDCFE98BA;
	v1 =	vimm.s32 $0x54761032  }
0xa: {  	s9 =	simm.s32 $0x3;
	s10 =	simm.s32 $0x2710;
	s11 =	simm.s32 $0x50;
	vm1 =	vcmask $0x3330;
	v0 =	vunpack.c.l.s4.s8 v0;
	v1 =	vunpack.c.l.s4.s8 v1  }
0xb: {  	s12 =	simm.s32 $0x4E20;
	s13 =	simm.s32 $0x6220;
	s14 =	simm.s32 $0x7620;
	v4 =	vunpack.c.l.s4.s8 v4;
	v5 =	vunpack.c.l.s4.s8 v5;
	vm0 =	vmor vm0, vm1  }
0xc: {  	s16 =	simm.s32 $0x8A20;
	s17 =	simm.s32 $0x1;
	s18 =	simm.s32 $0x2;
	vm1 =	vcmask $0x3B38;
	v0 =	vunpack.c.0.s8.s32 v0;
	v1 =	vunpack.c.0.s8.s32 v1  }
0xd: {  	s19 =	simm.s32 $0x26C0;
	s4 =	sand.u32 $0x1, s2;
	s3 =	sshll.u32 s3, $0x1;
	v3 =	vunpack.c.0.s8.s32 v3;
	v4 =	vunpack.c.0.s8.s32 v4;
	vm0 =	vmor vm0, vm1  }
0xe: {  	s20 =	simm.s32 $0x4DD0;
	s21 =	simm.s32 $0x9E20;
	s3 =	sor.u32 s4, s3;
	vm1 =	vcmask $0x1710;
	v6 =	vcombine.low v1, v0;
	v1 =	vimm.s32 $0x76543210  }
0xf: {  	s22 =	simm.s32 $0x0;
	s2 =	simm.s32 $0x0;
	s5 =	smul.u32 $0x2710, s3;
	v2 =	vand.u32 $0xF, v2;
	vm1 =	vmor vm2, vm1;
	v1 =	vunpack.c.l.s4.s8 v1  }
0x10: {  	[smem:$0x7FF] =	sst s2;
	s6 =	ssub.s32 $0x2, s4;
	s4 =	sadd.s32 $0x14000, s0;
	vm2 =	vcmask $0x2720;
	v0 =	vcombine.low v4, v3;
	v3 =	vunpack.c.0.s8.s32 v5  }
0x11: {  	_ =	strace $0x80000047;
	s31 =	sshrl.u32 s6, $0x1;
	s8 =	sshrl.u32 s5, $0x3;
	vm1 =	vmor vm1, vm2;
	vm2 =	vcmask $0x3730;
	v1 =	vunpack.c.0.s8.s32 v1  }
0x12: {  	s3 =	sadd.s32 $0x600, s0;
	s0 =	ssub.s32 s6, s31;
	s5 =	sadd.s32 s1, s8;
	vm1 =	vmor vm1, vm2;
	v4 =	vlaneseq.u32;
	v3 =	vand.u32 $0xF, v3  }
0x13: {  	s7 =	sadd.s32 s7, s8;
	s8 =	smax.u32 s0, $0x1;
	s6 =	sadd.s32 $0x9C40, s5;
	v4 =	vshrl.u32 v4, $0x2;
	v1 =	vcombine.low v3, v1;
	v3 =	vand.u32 $0xF, v6  }
.LBB2_1:
0x14: {  	[tilespmem:s2], [sflag:$0x3] =	stream.linear.gather [hbm4b:s5+s2], $0x2710, $0x38;
	[tilespmem:$0xC530] =	vst v63  }
0x15: {  	_ =	swait.ge [sflag:s9], $0x2710  }
0x16: {  	[sflag:s9] =	ssyncset.done $0x0  }
0x17: {  	[sflag:s9] =	ssyncadd.s32 $0xFFFFD8F0  }
0x18: {  	[tilespmem:s10], [sflag:$0x3] =	stream.linear.gather [hbm4b:s6+s2], $0x2710, $0x38;
	[tilespmem:$0xC530] =	vst v63  }
0x19: {  	_ =	swait.ge [sflag:s9], $0x2710  }
0x1a: {  	[sflag:s9] =	ssyncset.done $0x0  }
0x1b: {  	[sflag:s9] =	ssyncadd.s32 $0xFFFFD8F0  }
0x1c: {  	[tilespmem:s12], [sflag:$0x1] =	stream.indirect.gather [hbm4b:s3+s11], $0x40, s2, s11, $0xb8;
	[tilespmem:$0xC530] =	vst v63  }
0x1d: {  	_ = 	snop  }
0x1e: {  	[tilespmem:s13], [sflag:$0x1] =	stream.indirect.gather [hbm4b:s4+s11], $0x40, s10, s11, $0xb8;
	[tilespmem:$0xC530] =	vst v63  }
0x1f: {  	_ = 	snop  }
0x20: {  	[tilespmem:s14], [sflag:$0x2] =	stream.indirect.gather [hbm4b:s3+s11], $0x40, s11, s11, $0xb8;
	[tilespmem:$0xC530] =	vst v63  }
0x21: {  	s0 =	simm.s32 $0x2760;
	s23 =	simm.s32 $0x0  }
0x22: {  	[tilespmem:s16], [sflag:$0x2] =	stream.indirect.gather [hbm4b:s4+s11], $0x40, s0, s11, $0xb8;
	[tilespmem:$0xC530] =	vst v63  }
.LBB2_2:
0x23: {  	_ =	swait.ge [sflag:s17], $0x1400  }
0x24: {  	s0 =	smul.u32 $0x280, s23;
	[sflag:s17] =	ssyncset.done $0x0  }
0x25: {  	[sflag:s17] =	ssyncadd.s32 $0xFFFFEC00  }
0x26: {  	s25 =	simm.s32 $0x0;
	s24 =	sshra.s32 s0, $0x2;
	_ =	swait.ge [sflag:s17], $0x1400  }
0x27: {  	s26 =	simm.s32 $0x4EA0;
	s0 =	sadd.s32 $0x9E20, s24;
	[sflag:s17] =	ssyncset.done $0x0  }
0x28: {  	s28 =	simm.s32 $0x62A0;
	s29 =	simm.s32 $0x0;
	v5 =	vmov s0;
	[sflag:s17] =	ssyncadd.s32 $0xFFFFEC00  }
.LBB2_3:
0x29: {  	v6 =	vld [tilespmem:s26+$0xFFFFFFB0]  }
0x2a: {  	v7 =	vld [tilespmem:s28+$0xFFFFFFB0]  }
0x2b: {  	v8 =	vld [tilespmem:s26+$0xFFFFFFF0]  }
0x2c: {  	v9 =	vld [tilespmem:s28+$0xFFFFFFF0]  }
0x2d: {  	v10 =	vld [tilespmem:s26+$0x30]  }
0x2e: {  	v11 =	vld [tilespmem:s28+$0x30]  }
0x2f: {  	v12 =	vld [tilespmem:s26+$0xFFFFFFA0]  }
0x30: {  	v13 =	vld [tilespmem:s28+$0xFFFFFFA0]  }
0x31: {  	v14 =	vld [tilespmem:s26+$0xFFFFFFE0]  }
0x32: {  	v15 =	vld [tilespmem:s28+$0xFFFFFFE0]  }
0x33: {  	v16 =	vld [tilespmem:s26+$0x20]  }
0x34: {  	v17 =	vld [tilespmem:s28+$0x20]  }
0x35: {  	v18 =	vld [tilespmem:s26+$0xFFFFFF80]  }
0x36: {  	v19 =	vld [tilespmem:s28+$0xFFFFFF80]  }
0x37: {  	v20 =	vld [tilespmem:s26+$0xFFFFFF90]  }
0x38: {  	v21 =	vld [tilespmem:s28+$0xFFFFFF90]  }
0x39: {  	v22 =	vld [tilespmem:s26+$0xFFFFFFC0]  }
0x3a: {  	v23 =	vld [tilespmem:s28+$0xFFFFFFC0]  }
0x3b: {  	v24 =	vld [tilespmem:s26+$0xFFFFFFD0]  }
0x3c: {  	v25 =	vld [tilespmem:s28+$0xFFFFFFD0]  }
0x3d: {  	v26 =	vld [tilespmem:s26+$0x0]  }
0x3e: {  	v27 =	vld [tilespmem:s28+$0x0]  }
0x3f: {  	v28 =	vld [tilespmem:s26+$0x10]  }
0x40: {  	v29 =	vld [tilespmem:s28+$0x10]  }
0x41: {  	v30 =	vld [tilespmem:s26+$0x40]  }
0x42: {  	v31 =	vld [tilespmem:s28+$0x40]  }
0x43: {  	v32 =	vld [tilespmem:s26+$0x50];
	v7 =	vmul.bf16 v7, v6;
	v8 =	vmul.bf16 v9, v8  }
0x44: {  	v6 =	vld [tilespmem:s28+$0x50];
	v9 =	vmul.bf16 v13, v12;
	v12 =	vmul.bf16 v15, v14  }
0x45: {  	v13 =	vld [tilespmem:s26+$0x60];
	v14 =	vmul.bf16 v19, v18;
	v15 =	vmul.bf16 v21, v20  }
0x46: {  	v18 =	vld [tilespmem:s28+$0x60];
	v19 =	vmul.bf16 v23, v22;
	v20 =	vmul.bf16 v25, v24  }
0x47: {  	v21 =	vld [tilespmem:s26+$0x70]  }
0x48: {  	s31 =	sadd.s32 $0x100, s28;
	v22 =	vmul.bf16 v27, v26;
	v23 =	vmul.bf16 v29, v28;
	v24 =	vld [tilespmem:s28+$0x70];
	v19 =	vadd.bf16 v20, v19  }
0x49: {  	s30 =	sadd.s32 $0x100, s26;
	v34 =	vld [tilespmem:s31+$0xFFFFFFB0];
	v14 =	vadd.bf16 v15, v14;
	v15 =	vmul.bf16 v31, v30;
	v6 =	vmul.bf16 v6, v32  }
0x4a: {  	v35 =	vld [tilespmem:s30+$0xFFFFFFF0];
	v16 =	vmul.bf16 v17, v16;
	v20 =	vadd.bf16 v23, v22;
	v12 =	vadd.bf16 v12, v19  }
0x4b: {  	v33 =	vld [tilespmem:s30+$0x50];
	v9 =	vadd.bf16 v9, v14;
	v13 =	vmul.bf16 v18, v13;
	v14 =	vadd.bf16 v6, v15  }
0x4c: {  	v25 =	vld [tilespmem:s30+$0xFFFFFFB0];
	v10 =	vmul.bf16 v11, v10;
	v8 =	vadd.bf16 v8, v12  }
0x4d: {  	v11 =	vld [tilespmem:s30+$0xFFFFFFA0];
	v15 =	vadd.bf16 v16, v20;
	v13 =	vadd.bf16 v13, v14;
	v14 =	vmul.bf16 v24, v21  }
0x4e: {  	v27 =	vld [tilespmem:s30+$0x0];
	v9 =	vadd.bf16 v7, v9  }
0x4f: {  	v28 =	vld [tilespmem:s31+$0x0];
	v16 =	vshll.u32 v8, $0x10;
	v10 =	vadd.bf16 v10, v15;
	v15 =	vadd.bf16 v14, v13  }
0x50: {  	v29 =	vld [tilespmem:s30+$0x40];
	v8 =	vadd.f32 v16, v8;
	v14 =	vshll.u32 v9, $0x10  }
0x51: {  	v30 =	vld [tilespmem:s30+$0x10];
	v17 =	vshll.u32 v10, $0x10;
	v19 =	vadd.f32 v14, v9;
	v9 =	vshll.u32 v15, $0x10  }
0x52: {  	v31 =	vld [tilespmem:s31+$0x40];
	v17 =	vadd.f32 v17, v10;
	v20 =	vadd.f32 v9, v15  }
0x53: {  	v18 =	vld [tilespmem:s31+$0xFFFFFFF0];
	v16 =	vperm.xlane v8, v2;
	v21 =	vperm.xlane v19, v2  }
0x54: {  	v32 =	vld [tilespmem:s31+$0x10];
	v22 =	vperm.xlane v17, v2;
	v23 =	vperm.xlane v20, v2  }
0x55: {  	v7 =	vld [tilespmem:s31+$0x30];
	v19 =	vsel vm0, v19, v16  }
0x56: {  	v12 =	vld [tilespmem:s31+$0xFFFFFFA0];
	v8 =	vsel vm0, v21, v8;
	v20 =	vsel vm0, v22, v20;
	v21 =	vsel vm0, v17, v23  }
0x57: {  	v6 =	vld [tilespmem:s30+$0x30];
	v8 =	vadd.f32 v19, v8;
	v21 =	vadd.f32 v20, v21  }
0x58: {  	v24 =	vld [tilespmem:s30+$0xFFFFFFD0]  }
0x59: {  	v13 =	vld [tilespmem:s30+$0xFFFFFFE0];
	v22 =	vperm.xlane v8, v3;
	v26 =	vperm.xlane v21, v3  }
0x5a: {  	v14 =	vld [tilespmem:s31+$0xFFFFFFE0]  }
0x5b: {  	v10 =	vld [tilespmem:s31+$0x20];
	v21 =	vsel vm1, v22, v21;
	v8 =	vsel vm1, v8, v26  }
0x5c: {  	v15 =	vld [tilespmem:s30+$0xFFFFFF80];
	v8 =	vadd.f32 v21, v8  }
0x5d: {  	v16 =	vld [tilespmem:s31+$0xFFFFFF80]  }
0x5e: {  	v19 =	vld [tilespmem:s30+$0xFFFFFFC0];
	v21 =	vperm.xlane v8, v0  }
0x5f: {  	v17 =	vld [tilespmem:s30+$0xFFFFFF90]  }
0x60: {  	v23 =	vld [tilespmem:s31+$0xFFFFFFC0];
	v36 =	vadd.f32 v8, v21  }
0x61: {  	v20 =	vld [tilespmem:s31+$0xFFFFFF90]  }
0x62: {  	v26 =	vld [tilespmem:s31+$0xFFFFFFD0];
	v37 =	vperm.xlane v36, v1  }
0x63: {  	v18 =	vmul.bf16 v18, v35;
	v9 =	vld [tilespmem:s30+$0x20];
	v22 =	vmov s25  }
0x64: {  	s1 =	simm.s32 $0x1;
	s0 =	simm.s32 $0x2;
	v8 =	vimm.f32 $0.0e+00;
	v21 =	vmul.bf16 v34, v25;
	v34 =	vld [tilespmem:s31+$0x50];
	v25 =	vadd.f32 v36, v37  }
.LBB2_4:
0x65: {  	p0 =	sne.s32 s0, $0x3;
	v11 =	vmul.bf16 v12, v11;
	v12 =	vmul.bf16 v14, v13;
	v13 =	vld [tilespmem:s30+$0x60];
	vm2 =	veq.s32 v22, v4  }
0x66: {  	v14 =	vmul.bf16 v16, v15;
	v15 =	vmul.bf16 v20, v17;
	v16 =	vld [tilespmem:s31+$0x60];
	v8 =	vsel vm2, v25, v8  }
0x67: {  	v17 =	vmul.bf16 v23, v19;
	v19 =	vmul.bf16 v26, v24;
	v20 =	vld [tilespmem:s30+$0x70]  }
0x68: {  	v22 =	vmul.bf16 v28, v27;
	v23 =	vmul.bf16 v32, v30;
	s30 =	sadd.s32 $0x100, s30;
	v24 =	vld [tilespmem:s31+$0x70]  }
0x69: {  	v14 =	vadd.bf16 v15, v14;
	v15 =	vmul.bf16 v31, v29;
	s31 =	sadd.s32 $0x100, s31;
	v25 =	vld [tilespmem:s30+$0xFFFFFFB0];
	v26 =	vmul.bf16 v34, v33  }
0x6a: {  	v9 =	vmul.bf16 v10, v9;
	v17 =	vadd.bf16 v19, v17;
	v19 =	vadd.bf16 v23, v22;
	v34 =	vld [tilespmem:s31+$0xFFFFFFB0]  }
0x6b: {  	v10 =	vadd.bf16 v11, v14;
	v35 =	vld [tilespmem:s30+$0xFFFFFFF0];
	v11 =	vadd.bf16 v26, v15;
	v13 =	vmul.bf16 v16, v13  }
0x6c: {  	v12 =	vadd.bf16 v12, v17;
	v9 =	vadd.bf16 v9, v19;
	v14 =	vmul.bf16 v7, v6;
	v36 =	vld [tilespmem:s31+$0xFFFFFFF0]  }
0x6d: {  	v10 =	vadd.bf16 v21, v10;
	v6 =	vld [tilespmem:s30+$0x30];
	v13 =	vadd.bf16 v13, v11;
	v15 =	vmul.bf16 v24, v20  }
0x6e: {  	v16 =	vadd.bf16 v18, v12;
	v9 =	vadd.bf16 v14, v9;
	v7 =	vld [tilespmem:s31+$0x30]  }
0x6f: {  	v11 =	vld [tilespmem:s30+$0xFFFFFFA0];
	v15 =	vadd.bf16 v15, v13  }
0x70: {  	v14 =	vshll.u32 v10, $0x10;
	v17 =	vshll.u32 v16, $0x10;
	v18 =	vshll.u32 v9, $0x10;
	v12 =	vld [tilespmem:s31+$0xFFFFFFA0]  }
0x71: {  	v19 =	vadd.f32 v14, v10;
	v17 =	vadd.f32 v17, v16;
	v13 =	vld [tilespmem:s30+$0xFFFFFFE0];
	v10 =	vshll.u32 v15, $0x10  }
0x72: {  	v18 =	vadd.f32 v18, v9;
	v14 =	vld [tilespmem:s31+$0xFFFFFFE0];
	v20 =	vadd.f32 v10, v15  }
0x73: {  	v21 =	vperm.xlane v19, v2;
	v16 =	vperm.xlane v17, v2;
	v9 =	vld [tilespmem:s30+$0x20]  }
0x74: {  	v22 =	vperm.xlane v18, v2;
	v10 =	vld [tilespmem:s31+$0x20];
	v23 =	vperm.xlane v20, v2  }
0x75: {  	v19 =	vsel vm0, v19, v16;
	v15 =	vld [tilespmem:s30+$0xFFFFFF80]  }
0x76: {  	v21 =	vsel vm0, v21, v17;
	v20 =	vsel vm0, v22, v20;
	v16 =	vld [tilespmem:s31+$0xFFFFFF80];
	v18 =	vsel vm0, v18, v23  }
0x77: {  	v21 =	vadd.f32 v19, v21;
	v17 =	vld [tilespmem:s30+$0xFFFFFF90];
	v18 =	vadd.f32 v20, v18  }
0x78: {  	v20 =	vld [tilespmem:s31+$0xFFFFFF90]  }
0x79: {  	v22 =	vperm.xlane v21, v3;
	v19 =	vld [tilespmem:s30+$0xFFFFFFC0];
	v26 =	vperm.xlane v18, v3  }
0x7a: {  	v23 =	vld [tilespmem:s31+$0xFFFFFFC0]  }
0x7b: {  	v18 =	vsel vm1, v22, v18;
	v24 =	vld [tilespmem:s30+$0xFFFFFFD0];
	v21 =	vsel vm1, v21, v26  }
0x7c: {  	v26 =	vld [tilespmem:s31+$0xFFFFFFD0];
	v18 =	vadd.f32 v18, v21  }
0x7d: {  	v27 =	vld [tilespmem:s30+$0x0]  }
0x7e: {  	v28 =	vld [tilespmem:s31+$0x0];
	v21 =	vperm.xlane v18, v0  }
0x7f: {  	v30 =	vld [tilespmem:s30+$0x10]  }
.Ltmp0:
0x80: {  	v32 =	vld [tilespmem:s31+$0x10];
	v37 =	vadd.f32 v18, v21;
	(pc) =	sbr.rel @p0 .LBB2_4-.Ltmp0, $4  }
0x81: {  	v29 =	vld [tilespmem:s30+$0x40]  }
0x82: {  	v31 =	vld [tilespmem:s31+$0x40];
	v38 =	vperm.xlane v37, v1  }
0x83: {  	v22 =	vmov s1;
	s1 =	smov.u32 s0;
	v33 =	vld [tilespmem:s30+$0x50]  }
0x84: {  	s0 =	sadd.s32 $0x1, s0;
	v21 =	vmul.bf16 v34, v25;
	v18 =	vmul.bf16 v36, v35;
	v34 =	vld [tilespmem:s31+$0x50];
	v25 =	vadd.f32 v37, v38  }
0x85: {  	v11 =	vmul.bf16 v12, v11;
	v35 =	vmul.bf16 v14, v13;
	v36 =	vld [tilespmem:s30+$0x60]  }
0x86: {  	v37 =	vmul.bf16 v16, v15;
	v38 =	vmul.bf16 v20, v17;
	v39 =	vld [tilespmem:s31+$0x60]  }
0x87: {  	v40 =	vmul.bf16 v23, v19;
	v41 =	vmul.bf16 v26, v24;
	v42 =	vld [tilespmem:s30+$0x70]  }
0x88: {  	v43 =	vmul.bf16 v28, v27;
	v44 =	vmul.bf16 v32, v30;
	v45 =	vld [tilespmem:s31+$0x70]  }
0x89: {  	v14 =	vadd.bf16 v38, v37;
	v46 =	vmul.bf16 v31, v29;
	v47 =	vmul.bf16 v34, v33  }
0x8a: {  	v9 =	vmul.bf16 v10, v9;
	v17 =	vadd.bf16 v41, v40;
	v48 =	vadd.bf16 v44, v43  }
0x8b: {  	v49 =	vadd.bf16 v11, v14;
	v13 =	vmul.bf16 v39, v36;
	v50 =	vadd.bf16 v47, v46  }
0x8c: {  	v6 =	vmul.bf16 v7, v6;
	v12 =	vadd.bf16 v35, v17;
	v9 =	vadd.bf16 v9, v48  }
0x8d: {  	v52 =	vmul.bf16 v45, v42;
	v7 =	vadd.bf16 v21, v49;
	v51 =	vadd.bf16 v13, v50  }
0x8e: {  	v12 =	vadd.bf16 v18, v12;
	v6 =	vadd.bf16 v6, v9  }
0x8f: {  	v53 =	vadd.bf16 v52, v51  }
0x90: {  	v54 =	vshll.u32 v7, $0x10;
	v55 =	vshll.u32 v12, $0x10;
	v56 =	vshll.u32 v6, $0x10  }
0x91: {  	v7 =	vadd.f32 v54, v7;
	v57 =	vadd.f32 v55, v12;
	v58 =	vshll.u32 v53, $0x10  }
0x92: {  	v6 =	vadd.f32 v56, v6;
	v9 =	vadd.f32 v58, v53  }
0x93: {  	v59 =	vperm.xlane v7, v2;
	v12 =	vperm.xlane v57, v2  }
0x94: {  	v13 =	vperm.xlane v6, v2;
	v60 =	vperm.xlane v9, v2  }
0x95: {  	v7 =	vsel vm0, v7, v12  }
0x96: {  	v10 =	vsel vm0, v59, v57;
	v9 =	vsel vm0, v13, v9;
	v6 =	vsel vm0, v6, v60  }
0x97: {  	v7 =	vadd.f32 v7, v10;
	v6 =	vadd.f32 v9, v6;
	_ =	sdelay $0x1  }
0x98: {  	v61 =	vperm.xlane v7, v3;
	v62 =	vperm.xlane v6, v3;
	_ =	sdelay $0x1  }
0x99: {  	v6 =	vsel vm1, v61, v6;
	v7 =	vsel vm1, v7, v62  }
0x9a: {  	v6 =	vadd.f32 v6, v7;
	_ =	sdelay $0x1  }
0x9b: {  	v7 =	vperm.xlane v6, v0;
	_ =	sdelay $0x1  }
0x9c: {  	v6 =	vadd.f32 v6, v7  }
0x9d: {  	s0 =	sshll.u32 s29, $0x4;
	s29 =	sadd.s32 $0x1, s29  }
0x9e: {  	p0 =	sne.s32 s29, $0x5;
	v7 =	vperm.xlane v6, v1  }
.Ltmp1:
0x9f: {  	_ = 	snop;
	(pc) =	sbr.rel @p0 .LBB2_3-.Ltmp1, $4  }
0xa0: {  	vm2 =	veq.s32 v22, v4;
	v63 =	vmov s1;
	v6 =	vadd.f32 v6, v7  }
0xa1: {  	v7 =	vsel vm2, v25, v8;
	vm2 =	veq.s32 v63, v4  }
0xa2: {  	s0 =	sand.u32 $0x3FFFFFF0, s0;
	v6 =	vsel vm2, v6, v7  }
0xa3: {  	s26 =	sadd.s32 $0x400, s26;
	s28 =	sadd.s32 $0x400, s28;
	[tilespmem:v5+s0+$0x0 ss:$0x1] =	vst.idx.msk $0xffff, v6  }
0xa4: {  	s25 =	smul.u32 $0xA0, s23;
	_ =	sdelay $0x1  }
0xa5: {  	v5 =	vld [tilespmem:s25+$0x9E20];
	_ =	sdelay $0x4  }
0xa6: {  	v5 =	vsub.f32 $0.0e+00, v5;
	_ =	sdelay $0x1  }
0xa7: {  	v5 =	vmul.f32 $1.442695020e+00, v5;
	_ =	sdelay $0x1  }
0xa8: {  	(erf) = vpow2.f32 v5;
	_ =	sdelay $0x3  }
0xa9: {  	v5 =	vld [tilespmem:s25+$0x9E30];
	_ =	sdelay $0x4  }
0xaa: {  	v5 =	vsub.f32 $0.0e+00, v5;
	v6 =	vpop (erf)  }
0xab: {  	v6 =	vadd.f32 $1.000000000e+00, v6  }
0xac: {  	v5 =	vmul.f32 $1.442695020e+00, v5  }
0xad: {  	(erf) = vrcp.f32 v6  }
0xae: {  	(erf) = vpow2.f32 v5;
	_ =	sdelay $0x3  }
0xaf: {  	v5 =	vld [tilespmem:s25+$0x9E40];
	_ =	sdelay $0x3  }
0xb0: {  	v6 =	vpop (erf)  }
0xb1: {  	v5 =	vsub.f32 $0.0e+00, v5;
	v7 =	vpop (erf)  }
0xb2: {  	v7 =	vadd.f32 $1.000000000e+00, v7  }
0xb3: {  	v5 =	vmul.f32 $1.442695020e+00, v5  }
0xb4: {  	(erf) = vrcp.f32 v7  }
0xb5: {  	(erf) = vpow2.f32 v5;
	_ =	sdelay $0x3  }
0xb6: {  	v5 =	vld [tilespmem:s25+$0x9E50];
	_ =	sdelay $0x3  }
0xb7: {  	v7 =	vpop (erf)  }
0xb8: {  	v5 =	vsub.f32 $0.0e+00, v5;
	v8 =	vpop (erf)  }
0xb9: {  	v8 =	vadd.f32 $1.000000000e+00, v8  }
0xba: {  	v5 =	vmul.f32 $1.442695020e+00, v5  }
0xbb: {  	(erf) = vrcp.f32 v8  }
0xbc: {  	(erf) = vpow2.f32 v5;
	_ =	sdelay $0x3  }
0xbd: {  	v5 =	vld [tilespmem:s25+$0x9E60];
	_ =	sdelay $0x3  }
0xbe: {  	v8 =	vpop (erf)  }
0xbf: {  	v5 =	vsub.f32 $0.0e+00, v5;
	v9 =	vpop (erf)  }
0xc0: {  	v9 =	vadd.f32 $1.000000000e+00, v9  }
0xc1: {  	v5 =	vmul.f32 $1.442695020e+00, v5  }
0xc2: {  	(erf) = vrcp.f32 v9  }
0xc3: {  	(erf) = vpow2.f32 v5;
	_ =	sdelay $0x7  }
0xc4: {  	v5 =	vpop (erf)  }
0xc5: {  	v63 =	vpop (erf)  }
0xc6: {  	v9 =	vadd.f32 $1.000000000e+00, v63;
	_ =	sdelay $0x1  }
0xc7: {  	(erf) = vrcp.f32 v9;
	_ =	sdelay $0x5  }
0xc8: {  	[tilespmem:s25+$0x9E20] =	vst v6  }
0xc9: {  	[tilespmem:s25+$0x9E30] =	vst v7  }
0xca: {  	[tilespmem:s25+$0x9E40] =	vst v8  }
0xcb: {  	[tilespmem:s25+$0x9E50] =	vst v5;
	v5 =	vpop (erf)  }
0xcc: {  	s0 =	sadd.s32 $0xA0, s25;
	[tilespmem:s25+$0x9E60] =	vst v5  }
0xcd: {  	[tilespmem:s12], [sflag:$0x1] =	stream.indirect.gather [hbm4b:s3+s11], $0x40, s0, s11, $0xb8;
	[tilespmem:$0xC530] =	vst v63  }
0xce: {  	s26 =	sadd.s32 $0x27B0, s25  }
0xcf: {  	[tilespmem:s13], [sflag:$0x1] =	stream.indirect.gather [hbm4b:s4+s11], $0x40, s26, s11, $0xb8;
	[tilespmem:$0xC530] =	vst v63  }
0xd0: {  	_ =	swait.ge [sflag:s18], $0x1400  }
0xd1: {  	[sflag:s18] =	ssyncset.done $0x0  }
0xd2: {  	[sflag:s18] =	ssyncadd.s32 $0xFFFFEC00  }
0xd3: {  	s31 =	sadd.s32 $0x9E70, s24;
	_ =	swait.ge [sflag:s18], $0x1400  }
0xd4: {  	s28 =	simm.s32 $0x76A0;
	s29 =	simm.s32 $0x8AA0;
	[sflag:s18] =	ssyncset.done $0x0  }
0xd5: {  	s30 =	simm.s32 $0x0;
	v5 =	vmov s31;
	s26 =	simm.s32 $0x0;
	[sflag:s18] =	ssyncadd.s32 $0xFFFFEC00  }
.LBB2_7:
0xd6: {  	v6 =	vld [tilespmem:s28+$0xFFFFFFB0]  }
0xd7: {  	v7 =	vld [tilespmem:s29+$0xFFFFFFB0]  }
0xd8: {  	v8 =	vld [tilespmem:s28+$0xFFFFFFF0]  }
0xd9: {  	v9 =	vld [tilespmem:s29+$0xFFFFFFF0]  }
0xda: {  	v10 =	vld [tilespmem:s28+$0x30]  }
0xdb: {  	v11 =	vld [tilespmem:s29+$0x30]  }
0xdc: {  	v12 =	vld [tilespmem:s28+$0xFFFFFFA0]  }
0xdd: {  	v13 =	vld [tilespmem:s29+$0xFFFFFFA0]  }
0xde: {  	v14 =	vld [tilespmem:s28+$0xFFFFFFE0]  }
0xdf: {  	v15 =	vld [tilespmem:s29+$0xFFFFFFE0]  }
0xe0: {  	v16 =	vld [tilespmem:s28+$0x20]  }
0xe1: {  	v17 =	vld [tilespmem:s29+$0x20]  }
0xe2: {  	v18 =	vld [tilespmem:s28+$0xFFFFFF80]  }
0xe3: {  	v19 =	vld [tilespmem:s29+$0xFFFFFF80]  }
0xe4: {  	v20 =	vld [tilespmem:s28+$0xFFFFFF90]  }
0xe5: {  	v21 =	vld [tilespmem:s29+$0xFFFFFF90]  }
0xe6: {  	v22 =	vld [tilespmem:s28+$0xFFFFFFC0]  }
0xe7: {  	v23 =	vld [tilespmem:s29+$0xFFFFFFC0]  }
0xe8: {  	v24 =	vld [tilespmem:s28+$0xFFFFFFD0]  }
0xe9: {  	v25 =	vld [tilespmem:s29+$0xFFFFFFD0]  }
0xea: {  	v26 =	vld [tilespmem:s28+$0x0]  }
0xeb: {  	v27 =	vld [tilespmem:s29+$0x0]  }
0xec: {  	v28 =	vld [tilespmem:s28+$0x10]  }
0xed: {  	v29 =	vld [tilespmem:s29+$0x10]  }
0xee: {  	v30 =	vld [tilespmem:s28+$0x40]  }
0xef: {  	v31 =	vld [tilespmem:s29+$0x40]  }
0xf0: {  	v32 =	vld [tilespmem:s28+$0x50];
	v7 =	vmul.bf16 v7, v6;
	v8 =	vmul.bf16 v9, v8  }
0xf1: {  	v6 =	vld [tilespmem:s29+$0x50];
	v9 =	vmul.bf16 v13, v12;
	v12 =	vmul.bf16 v15, v14  }
0xf2: {  	v13 =	vld [tilespmem:s28+$0x60];
	v14 =	vmul.bf16 v19, v18;
	v15 =	vmul.bf16 v21, v20  }
0xf3: {  	v18 =	vld [tilespmem:s29+$0x60];
	v19 =	vmul.bf16 v23, v22;
	v20 =	vmul.bf16 v25, v24  }
0xf4: {  	v21 =	vld [tilespmem:s28+$0x70]  }
0xf5: {  	s1 =	sadd.s32 $0x100, s29;
	v22 =	vmul.bf16 v27, v26;
	v23 =	vmul.bf16 v29, v28;
	v24 =	vld [tilespmem:s29+$0x70];
	v19 =	vadd.bf16 v20, v19  }
0xf6: {  	s31 =	sadd.s32 $0x100, s28;
	v34 =	vld [tilespmem:s1+$0xFFFFFFB0];
	v14 =	vadd.bf16 v15, v14;
	v15 =	vmul.bf16 v31, v30;
	v6 =	vmul.bf16 v6, v32  }
0xf7: {  	v35 =	vld [tilespmem:s31+$0xFFFFFFF0];
	v16 =	vmul.bf16 v17, v16;
	v20 =	vadd.bf16 v23, v22;
	v12 =	vadd.bf16 v12, v19  }
0xf8: {  	v33 =	vld [tilespmem:s31+$0x50];
	v9 =	vadd.bf16 v9, v14;
	v13 =	vmul.bf16 v18, v13;
	v14 =	vadd.bf16 v6, v15  }
0xf9: {  	v25 =	vld [tilespmem:s31+$0xFFFFFFB0];
	v10 =	vmul.bf16 v11, v10;
	v8 =	vadd.bf16 v8, v12  }
0xfa: {  	v11 =	vld [tilespmem:s31+$0xFFFFFFA0];
	v15 =	vadd.bf16 v16, v20;
	v13 =	vadd.bf16 v13, v14;
	v14 =	vmul.bf16 v24, v21  }
0xfb: {  	v27 =	vld [tilespmem:s31+$0x0];
	v9 =	vadd.bf16 v7, v9  }
0xfc: {  	v28 =	vld [tilespmem:s1+$0x0];
	v16 =	vshll.u32 v8, $0x10;
	v10 =	vadd.bf16 v10, v15;
	v15 =	vadd.bf16 v14, v13  }
0xfd: {  	v29 =	vld [tilespmem:s31+$0x40];
	v8 =	vadd.f32 v16, v8;
	v14 =	vshll.u32 v9, $0x10  }
0xfe: {  	v30 =	vld [tilespmem:s31+$0x10];
	v17 =	vshll.u32 v10, $0x10;
	v19 =	vadd.f32 v14, v9;
	v9 =	vshll.u32 v15, $0x10  }
0xff: {  	v31 =	vld [tilespmem:s1+$0x40];
	v17 =	vadd.f32 v17, v10;
	v20 =	vadd.f32 v9, v15  }
0x100: {  	v18 =	vld [tilespmem:s1+$0xFFFFFFF0];
	v16 =	vperm.xlane v8, v2;
	v21 =	vperm.xlane v19, v2  }
0x101: {  	v32 =	vld [tilespmem:s1+$0x10];
	v22 =	vperm.xlane v17, v2;
	v23 =	vperm.xlane v20, v2  }
0x102: {  	v7 =	vld [tilespmem:s1+$0x30];
	v19 =	vsel vm0, v19, v16  }
0x103: {  	v12 =	vld [tilespmem:s1+$0xFFFFFFA0];
	v8 =	vsel vm0, v21, v8;
	v20 =	vsel vm0, v22, v20;
	v21 =	vsel vm0, v17, v23  }
0x104: {  	v6 =	vld [tilespmem:s31+$0x30];
	v8 =	vadd.f32 v19, v8;
	v21 =	vadd.f32 v20, v21  }
0x105: {  	v24 =	vld [tilespmem:s31+$0xFFFFFFD0]  }
0x106: {  	v13 =	vld [tilespmem:s31+$0xFFFFFFE0];
	v22 =	vperm.xlane v8, v3;
	v26 =	vperm.xlane v21, v3  }
0x107: {  	v14 =	vld [tilespmem:s1+$0xFFFFFFE0]  }
0x108: {  	v10 =	vld [tilespmem:s1+$0x20];
	v21 =	vsel vm1, v22, v21;
	v8 =	vsel vm1, v8, v26  }
0x109: {  	v15 =	vld [tilespmem:s31+$0xFFFFFF80];
	v8 =	vadd.f32 v21, v8  }
0x10a: {  	v16 =	vld [tilespmem:s1+$0xFFFFFF80]  }
0x10b: {  	v19 =	vld [tilespmem:s31+$0xFFFFFFC0];
	v21 =	vperm.xlane v8, v0  }
0x10c: {  	v17 =	vld [tilespmem:s31+$0xFFFFFF90]  }
0x10d: {  	v23 =	vld [tilespmem:s1+$0xFFFFFFC0];
	v36 =	vadd.f32 v8, v21  }
0x10e: {  	v20 =	vld [tilespmem:s1+$0xFFFFFF90]  }
0x10f: {  	v26 =	vld [tilespmem:s1+$0xFFFFFFD0];
	v37 =	vperm.xlane v36, v1  }
0x110: {  	v18 =	vmul.bf16 v18, v35;
	v9 =	vld [tilespmem:s31+$0x20];
	v22 =	vmov s26  }
0x111: {  	s0 =	simm.s32 $0x1;
	s15 =	simm.s32 $0x2;
	v8 =	vimm.f32 $0.0e+00;
	v21 =	vmul.bf16 v34, v25;
	v34 =	vld [tilespmem:s1+$0x50];
	v25 =	vadd.f32 v36, v37  }
.LBB2_8:
0x112: {  	p0 =	sne.s32 s15, $0x3;
	v11 =	vmul.bf16 v12, v11;
	v12 =	vmul.bf16 v14, v13;
	v13 =	vld [tilespmem:s31+$0x60];
	vm2 =	veq.s32 v22, v4  }
0x113: {  	v14 =	vmul.bf16 v16, v15;
	v15 =	vmul.bf16 v20, v17;
	v16 =	vld [tilespmem:s1+$0x60];
	v8 =	vsel vm2, v25, v8  }
0x114: {  	v17 =	vmul.bf16 v23, v19;
	v19 =	vmul.bf16 v26, v24;
	v20 =	vld [tilespmem:s31+$0x70]  }
0x115: {  	v22 =	vmul.bf16 v28, v27;
	v23 =	vmul.bf16 v32, v30;
	s31 =	sadd.s32 $0x100, s31;
	v24 =	vld [tilespmem:s1+$0x70]  }
0x116: {  	v14 =	vadd.bf16 v15, v14;
	v15 =	vmul.bf16 v31, v29;
	s1 =	sadd.s32 $0x100, s1;
	v25 =	vld [tilespmem:s31+$0xFFFFFFB0];
	v26 =	vmul.bf16 v34, v33  }
0x117: {  	v9 =	vmul.bf16 v10, v9;
	v17 =	vadd.bf16 v19, v17;
	v19 =	vadd.bf16 v23, v22;
	v34 =	vld [tilespmem:s1+$0xFFFFFFB0]  }
0x118: {  	v10 =	vadd.bf16 v11, v14;
	v35 =	vld [tilespmem:s31+$0xFFFFFFF0];
	v11 =	vadd.bf16 v26, v15;
	v13 =	vmul.bf16 v16, v13  }
0x119: {  	v12 =	vadd.bf16 v12, v17;
	v9 =	vadd.bf16 v9, v19;
	v14 =	vmul.bf16 v7, v6;
	v36 =	vld [tilespmem:s1+$0xFFFFFFF0]  }
0x11a: {  	v10 =	vadd.bf16 v21, v10;
	v6 =	vld [tilespmem:s31+$0x30];
	v13 =	vadd.bf16 v13, v11;
	v15 =	vmul.bf16 v24, v20  }
0x11b: {  	v16 =	vadd.bf16 v18, v12;
	v9 =	vadd.bf16 v14, v9;
	v7 =	vld [tilespmem:s1+$0x30]  }
0x11c: {  	v11 =	vld [tilespmem:s31+$0xFFFFFFA0];
	v15 =	vadd.bf16 v15, v13  }
0x11d: {  	v14 =	vshll.u32 v10, $0x10;
	v17 =	vshll.u32 v16, $0x10;
	v18 =	vshll.u32 v9, $0x10;
	v12 =	vld [tilespmem:s1+$0xFFFFFFA0]  }
0x11e: {  	v19 =	vadd.f32 v14, v10;
	v17 =	vadd.f32 v17, v16;
	v13 =	vld [tilespmem:s31+$0xFFFFFFE0];
	v10 =	vshll.u32 v15, $0x10  }
0x11f: {  	v18 =	vadd.f32 v18, v9;
	v14 =	vld [tilespmem:s1+$0xFFFFFFE0];
	v20 =	vadd.f32 v10, v15  }
0x120: {  	v21 =	vperm.xlane v19, v2;
	v16 =	vperm.xlane v17, v2;
	v9 =	vld [tilespmem:s31+$0x20]  }
0x121: {  	v22 =	vperm.xlane v18, v2;
	v10 =	vld [tilespmem:s1+$0x20];
	v23 =	vperm.xlane v20, v2  }
0x122: {  	v19 =	vsel vm0, v19, v16;
	v15 =	vld [tilespmem:s31+$0xFFFFFF80]  }
0x123: {  	v21 =	vsel vm0, v21, v17;
	v20 =	vsel vm0, v22, v20;
	v16 =	vld [tilespmem:s1+$0xFFFFFF80];
	v18 =	vsel vm0, v18, v23  }
0x124: {  	v21 =	vadd.f32 v19, v21;
	v17 =	vld [tilespmem:s31+$0xFFFFFF90];
	v18 =	vadd.f32 v20, v18  }
0x125: {  	v20 =	vld [tilespmem:s1+$0xFFFFFF90]  }
0x126: {  	v22 =	vperm.xlane v21, v3;
	v19 =	vld [tilespmem:s31+$0xFFFFFFC0];
	v26 =	vperm.xlane v18, v3  }
0x127: {  	v23 =	vld [tilespmem:s1+$0xFFFFFFC0]  }
0x128: {  	v18 =	vsel vm1, v22, v18;
	v24 =	vld [tilespmem:s31+$0xFFFFFFD0];
	v21 =	vsel vm1, v21, v26  }
0x129: {  	v26 =	vld [tilespmem:s1+$0xFFFFFFD0];
	v18 =	vadd.f32 v18, v21  }
0x12a: {  	v27 =	vld [tilespmem:s31+$0x0]  }
0x12b: {  	v28 =	vld [tilespmem:s1+$0x0];
	v21 =	vperm.xlane v18, v0  }
0x12c: {  	v30 =	vld [tilespmem:s31+$0x10]  }
.Ltmp2:
0x12d: {  	v32 =	vld [tilespmem:s1+$0x10];
	v37 =	vadd.f32 v18, v21;
	(pc) =	sbr.rel @p0 .LBB2_8-.Ltmp2, $4  }
0x12e: {  	v29 =	vld [tilespmem:s31+$0x40]  }
0x12f: {  	v31 =	vld [tilespmem:s1+$0x40];
	v38 =	vperm.xlane v37, v1  }
0x130: {  	v22 =	vmov s0;
	s0 =	smov.u32 s15;
	v33 =	vld [tilespmem:s31+$0x50]  }
0x131: {  	s15 =	sadd.s32 $0x1, s15;
	v21 =	vmul.bf16 v34, v25;
	v18 =	vmul.bf16 v36, v35;
	v34 =	vld [tilespmem:s1+$0x50];
	v25 =	vadd.f32 v37, v38  }
0x132: {  	v11 =	vmul.bf16 v12, v11;
	v35 =	vmul.bf16 v14, v13;
	v36 =	vld [tilespmem:s31+$0x60]  }
0x133: {  	v37 =	vmul.bf16 v16, v15;
	v38 =	vmul.bf16 v20, v17;
	v39 =	vld [tilespmem:s1+$0x60]  }
0x134: {  	v40 =	vmul.bf16 v23, v19;
	v41 =	vmul.bf16 v26, v24;
	v42 =	vld [tilespmem:s31+$0x70]  }
0x135: {  	v43 =	vmul.bf16 v28, v27;
	v44 =	vmul.bf16 v32, v30;
	v45 =	vld [tilespmem:s1+$0x70]  }
0x136: {  	v14 =	vadd.bf16 v38, v37;
	v46 =	vmul.bf16 v31, v29;
	v47 =	vmul.bf16 v34, v33  }
0x137: {  	v9 =	vmul.bf16 v10, v9;
	v17 =	vadd.bf16 v41, v40;
	v48 =	vadd.bf16 v44, v43  }
0x138: {  	v49 =	vadd.bf16 v11, v14;
	v13 =	vmul.bf16 v39, v36;
	v50 =	vadd.bf16 v47, v46  }
0x139: {  	v6 =	vmul.bf16 v7, v6;
	v12 =	vadd.bf16 v35, v17;
	v9 =	vadd.bf16 v9, v48  }
0x13a: {  	v52 =	vmul.bf16 v45, v42;
	v7 =	vadd.bf16 v21, v49;
	v51 =	vadd.bf16 v13, v50  }
0x13b: {  	v12 =	vadd.bf16 v18, v12;
	v6 =	vadd.bf16 v6, v9  }
0x13c: {  	v53 =	vadd.bf16 v52, v51  }
0x13d: {  	v54 =	vshll.u32 v7, $0x10;
	v55 =	vshll.u32 v12, $0x10;
	v56 =	vshll.u32 v6, $0x10  }
0x13e: {  	v7 =	vadd.f32 v54, v7;
	v57 =	vadd.f32 v55, v12;
	v58 =	vshll.u32 v53, $0x10  }
0x13f: {  	v6 =	vadd.f32 v56, v6;
	v9 =	vadd.f32 v58, v53  }
0x140: {  	v59 =	vperm.xlane v7, v2;
	v12 =	vperm.xlane v57, v2  }
0x141: {  	v13 =	vperm.xlane v6, v2;
	v60 =	vperm.xlane v9, v2  }
0x142: {  	v7 =	vsel vm0, v7, v12  }
0x143: {  	v10 =	vsel vm0, v59, v57;
	v9 =	vsel vm0, v13, v9;
	v6 =	vsel vm0, v6, v60  }
0x144: {  	v7 =	vadd.f32 v7, v10;
	v6 =	vadd.f32 v9, v6;
	_ =	sdelay $0x1  }
0x145: {  	v61 =	vperm.xlane v7, v3;
	v62 =	vperm.xlane v6, v3;
	_ =	sdelay $0x1  }
0x146: {  	v6 =	vsel vm1, v61, v6;
	v7 =	vsel vm1, v7, v62  }
0x147: {  	v6 =	vadd.f32 v6, v7;
	_ =	sdelay $0x1  }
0x148: {  	v7 =	vperm.xlane v6, v0;
	_ =	sdelay $0x1  }
0x149: {  	v6 =	vadd.f32 v6, v7  }
0x14a: {  	s31 =	sshll.u32 s30, $0x4;
	s30 =	sadd.s32 $0x1, s30  }
0x14b: {  	p0 =	sne.s32 s30, $0x5;
	v7 =	vperm.xlane v6, v1  }
.Ltmp3:
0x14c: {  	_ = 	snop;
	(pc) =	sbr.rel @p0 .LBB2_7-.Ltmp3, $4  }
0x14d: {  	vm2 =	veq.s32 v22, v4;
	v63 =	vmov s0;
	v6 =	vadd.f32 v6, v7  }
0x14e: {  	v7 =	vsel vm2, v25, v8;
	vm2 =	veq.s32 v63, v4  }
0x14f: {  	s0 =	sand.u32 $0x3FFFFFF0, s31;
	v6 =	vsel vm2, v6, v7  }
0x150: {  	s28 =	sadd.s32 $0x400, s28;
	s29 =	sadd.s32 $0x400, s29;
	[tilespmem:v5+s0+$0x0 ss:$0x1] =	vst.idx.msk $0xffff, v6  }
0x151: {  	v5 =	vld [tilespmem:s24+$0x9E70];
	_ =	sdelay $0x4  }
0x152: {  	v5 =	vsub.f32 $0.0e+00, v5;
	_ =	sdelay $0x1  }
0x153: {  	v5 =	vmul.f32 $1.442695020e+00, v5;
	_ =	sdelay $0x1  }
0x154: {  	(erf) = vpow2.f32 v5;
	_ =	sdelay $0x3  }
0x155: {  	v5 =	vld [tilespmem:s24+$0x9E80];
	_ =	sdelay $0x4  }
0x156: {  	v5 =	vsub.f32 $0.0e+00, v5;
	v6 =	vpop (erf)  }
0x157: {  	v6 =	vadd.f32 $1.000000000e+00, v6  }
0x158: {  	v5 =	vmul.f32 $1.442695020e+00, v5  }
0x159: {  	(erf) = vrcp.f32 v6  }
0x15a: {  	(erf) = vpow2.f32 v5;
	_ =	sdelay $0x3  }
0x15b: {  	v5 =	vld [tilespmem:s24+$0x9E90];
	_ =	sdelay $0x3  }
0x15c: {  	v6 =	vpop (erf)  }
0x15d: {  	v5 =	vsub.f32 $0.0e+00, v5;
	v7 =	vpop (erf)  }
0x15e: {  	v7 =	vadd.f32 $1.000000000e+00, v7  }
0x15f: {  	v5 =	vmul.f32 $1.442695020e+00, v5  }
0x160: {  	(erf) = vrcp.f32 v7  }
0x161: {  	(erf) = vpow2.f32 v5;
	_ =	sdelay $0x3  }
0x162: {  	v5 =	vld [tilespmem:s24+$0x9EA0];
	_ =	sdelay $0x3  }
0x163: {  	v7 =	vpop (erf)  }
0x164: {  	v5 =	vsub.f32 $0.0e+00, v5;
	v8 =	vpop (erf)  }
0x165: {  	v8 =	vadd.f32 $1.000000000e+00, v8  }
0x166: {  	v5 =	vmul.f32 $1.442695020e+00, v5  }
0x167: {  	(erf) = vrcp.f32 v8  }
0x168: {  	(erf) = vpow2.f32 v5;
	_ =	sdelay $0x3  }
0x169: {  	v5 =	vld [tilespmem:s24+$0x9EB0];
	_ =	sdelay $0x3  }
0x16a: {  	v8 =	vpop (erf)  }
0x16b: {  	v5 =	vsub.f32 $0.0e+00, v5;
	v9 =	vpop (erf)  }
0x16c: {  	v9 =	vadd.f32 $1.000000000e+00, v9  }
0x16d: {  	v5 =	vmul.f32 $1.442695020e+00, v5  }
0x16e: {  	(erf) = vrcp.f32 v9  }
0x16f: {  	(erf) = vpow2.f32 v5;
	_ =	sdelay $0x7  }
0x170: {  	v5 =	vpop (erf)  }
0x171: {  	v63 =	vpop (erf)  }
0x172: {  	v9 =	vadd.f32 $1.000000000e+00, v63;
	_ =	sdelay $0x1  }
0x173: {  	(erf) = vrcp.f32 v9;
	_ =	sdelay $0x5  }
0x174: {  	[tilespmem:s24+$0x9E70] =	vst v6  }
0x175: {  	s23 =	sadd.s32 $0x1, s23;
	[tilespmem:s24+$0x9E80] =	vst v7  }
0x176: {  	p0 =	sne.s32 s23, $0x3D;
	[tilespmem:s24+$0x9E90] =	vst v8  }
.Ltmp4:
0x177: {  	[tilespmem:s24+$0x9EA0] =	vst v5;
	v5 =	vpop (erf);
	(pc) =	sbr.rel @p0 .LBB2_2-.Ltmp4, $4  }
0x178: {  	s0 =	sadd.s32 $0xF0, s25;
	[tilespmem:s24+$0x9EB0] =	vst v5  }
0x179: {  	[tilespmem:s14], [sflag:$0x2] =	stream.indirect.gather [hbm4b:s3+s11], $0x40, s0, s11, $0xb8;
	[tilespmem:$0xC530] =	vst v63  }
0x17a: {  	s31 =	sadd.s32 $0x2800, s25  }
0x17b: {  	[tilespmem:s16], [sflag:$0x2] =	stream.indirect.gather [hbm4b:s4+s11], $0x40, s31, s11, $0xb8;
	[tilespmem:$0xC530] =	vst v63  }
0x17c: {  	_ =	swait.ge [sflag:s17], $0x1400  }
0x17d: {  	[sflag:s17] =	ssyncset.done $0x0  }
0x17e: {  	[sflag:s17] =	ssyncadd.s32 $0xFFFFEC00  }
0x17f: {  	_ =	swait.ge [sflag:s17], $0x1400  }
0x180: {  	s23 =	simm.s32 $0x0;
	s24 =	simm.s32 $0x4EA0;
	[sflag:s17] =	ssyncset.done $0x0  }
0x181: {  	s25 =	simm.s32 $0x62A0;
	s26 =	simm.s32 $0x0;
	[sflag:s17] =	ssyncadd.s32 $0xFFFFEC00  }
.LBB2_12:
0x182: {  	v5 =	vld [tilespmem:s24+$0xFFFFFFB0]  }
0x183: {  	v6 =	vld [tilespmem:s25+$0xFFFFFFB0]  }
0x184: {  	v7 =	vld [tilespmem:s24+$0xFFFFFFF0]  }
0x185: {  	v8 =	vld [tilespmem:s25+$0xFFFFFFF0]  }
0x186: {  	v9 =	vld [tilespmem:s24+$0x30]  }
0x187: {  	v10 =	vld [tilespmem:s25+$0x30]  }
0x188: {  	v11 =	vld [tilespmem:s24+$0xFFFFFFA0]  }
0x189: {  	v12 =	vld [tilespmem:s25+$0xFFFFFFA0]  }
0x18a: {  	v13 =	vld [tilespmem:s24+$0xFFFFFFE0]  }
0x18b: {  	v14 =	vld [tilespmem:s25+$0xFFFFFFE0]  }
0x18c: {  	v15 =	vld [tilespmem:s24+$0x20]  }
0x18d: {  	v16 =	vld [tilespmem:s25+$0x20]  }
0x18e: {  	v17 =	vld [tilespmem:s24+$0xFFFFFF80]  }
0x18f: {  	v18 =	vld [tilespmem:s25+$0xFFFFFF80]  }
0x190: {  	v19 =	vld [tilespmem:s24+$0xFFFFFF90]  }
0x191: {  	v20 =	vld [tilespmem:s25+$0xFFFFFF90]  }
0x192: {  	v21 =	vld [tilespmem:s24+$0xFFFFFFC0]  }
0x193: {  	v22 =	vld [tilespmem:s25+$0xFFFFFFC0]  }
0x194: {  	v23 =	vld [tilespmem:s24+$0xFFFFFFD0]  }
0x195: {  	v24 =	vld [tilespmem:s25+$0xFFFFFFD0]  }
0x196: {  	v25 =	vld [tilespmem:s24+$0x0]  }
0x197: {  	v26 =	vld [tilespmem:s25+$0x0]  }
0x198: {  	v27 =	vld [tilespmem:s24+$0x10]  }
0x199: {  	v28 =	vld [tilespmem:s25+$0x10]  }
0x19a: {  	v29 =	vld [tilespmem:s24+$0x40]  }
0x19b: {  	v30 =	vld [tilespmem:s25+$0x40]  }
0x19c: {  	v31 =	vld [tilespmem:s24+$0x50];
	v6 =	vmul.bf16 v6, v5;
	v7 =	vmul.bf16 v8, v7  }
0x19d: {  	v5 =	vld [tilespmem:s25+$0x50];
	v8 =	vmul.bf16 v12, v11;
	v11 =	vmul.bf16 v14, v13  }
0x19e: {  	v12 =	vld [tilespmem:s24+$0x60];
	v13 =	vmul.bf16 v18, v17;
	v14 =	vmul.bf16 v20, v19  }
0x19f: {  	v17 =	vld [tilespmem:s25+$0x60];
	v18 =	vmul.bf16 v22, v21;
	v19 =	vmul.bf16 v24, v23  }
0x1a0: {  	v20 =	vld [tilespmem:s24+$0x70]  }
0x1a1: {  	s1 =	sadd.s32 $0x100, s25;
	v21 =	vmul.bf16 v26, v25;
	v22 =	vmul.bf16 v28, v27;
	v23 =	vld [tilespmem:s25+$0x70];
	v18 =	vadd.bf16 v19, v18  }
0x1a2: {  	s28 =	sadd.s32 $0x100, s24;
	v33 =	vld [tilespmem:s1+$0xFFFFFFB0];
	v13 =	vadd.bf16 v14, v13;
	v14 =	vmul.bf16 v30, v29;
	v5 =	vmul.bf16 v5, v31  }
0x1a3: {  	v34 =	vld [tilespmem:s28+$0xFFFFFFF0];
	v15 =	vmul.bf16 v16, v15;
	v19 =	vadd.bf16 v22, v21;
	v11 =	vadd.bf16 v11, v18  }
0x1a4: {  	v32 =	vld [tilespmem:s28+$0x50];
	v8 =	vadd.bf16 v8, v13;
	v12 =	vmul.bf16 v17, v12;
	v13 =	vadd.bf16 v5, v14  }
0x1a5: {  	v24 =	vld [tilespmem:s28+$0xFFFFFFB0];
	v9 =	vmul.bf16 v10, v9;
	v7 =	vadd.bf16 v7, v11  }
0x1a6: {  	v10 =	vld [tilespmem:s28+$0xFFFFFFA0];
	v14 =	vadd.bf16 v15, v19;
	v12 =	vadd.bf16 v12, v13;
	v13 =	vmul.bf16 v23, v20  }
0x1a7: {  	v26 =	vld [tilespmem:s28+$0x0];
	v8 =	vadd.bf16 v6, v8  }
0x1a8: {  	v27 =	vld [tilespmem:s1+$0x0];
	v15 =	vshll.u32 v7, $0x10;
	v9 =	vadd.bf16 v9, v14;
	v14 =	vadd.bf16 v13, v12  }
0x1a9: {  	v28 =	vld [tilespmem:s28+$0x40];
	v7 =	vadd.f32 v15, v7;
	v13 =	vshll.u32 v8, $0x10  }
0x1aa: {  	v29 =	vld [tilespmem:s28+$0x10];
	v16 =	vshll.u32 v9, $0x10;
	v18 =	vadd.f32 v13, v8;
	v8 =	vshll.u32 v14, $0x10  }
0x1ab: {  	v30 =	vld [tilespmem:s1+$0x40];
	v16 =	vadd.f32 v16, v9;
	v19 =	vadd.f32 v8, v14  }
0x1ac: {  	v17 =	vld [tilespmem:s1+$0xFFFFFFF0];
	v15 =	vperm.xlane v7, v2;
	v20 =	vperm.xlane v18, v2  }
0x1ad: {  	v31 =	vld [tilespmem:s1+$0x10];
	v21 =	vperm.xlane v16, v2;
	v22 =	vperm.xlane v19, v2  }
0x1ae: {  	v6 =	vld [tilespmem:s1+$0x30];
	v18 =	vsel vm0, v18, v15  }
0x1af: {  	v11 =	vld [tilespmem:s1+$0xFFFFFFA0];
	v7 =	vsel vm0, v20, v7;
	v19 =	vsel vm0, v21, v19;
	v20 =	vsel vm0, v16, v22  }
0x1b0: {  	v5 =	vld [tilespmem:s28+$0x30];
	v7 =	vadd.f32 v18, v7;
	v20 =	vadd.f32 v19, v20  }
0x1b1: {  	v23 =	vld [tilespmem:s28+$0xFFFFFFD0]  }
0x1b2: {  	v12 =	vld [tilespmem:s28+$0xFFFFFFE0];
	v21 =	vperm.xlane v7, v3;
	v25 =	vperm.xlane v20, v3  }
0x1b3: {  	v13 =	vld [tilespmem:s1+$0xFFFFFFE0]  }
0x1b4: {  	v9 =	vld [tilespmem:s1+$0x20];
	v20 =	vsel vm1, v21, v20;
	v7 =	vsel vm1, v7, v25  }
0x1b5: {  	v14 =	vld [tilespmem:s28+$0xFFFFFF80];
	v7 =	vadd.f32 v20, v7  }
0x1b6: {  	v15 =	vld [tilespmem:s1+$0xFFFFFF80]  }
0x1b7: {  	v18 =	vld [tilespmem:s28+$0xFFFFFFC0];
	v20 =	vperm.xlane v7, v0  }
0x1b8: {  	v16 =	vld [tilespmem:s28+$0xFFFFFF90]  }
0x1b9: {  	v22 =	vld [tilespmem:s1+$0xFFFFFFC0];
	v35 =	vadd.f32 v7, v20  }
0x1ba: {  	v19 =	vld [tilespmem:s1+$0xFFFFFF90]  }
0x1bb: {  	v25 =	vld [tilespmem:s1+$0xFFFFFFD0];
	v36 =	vperm.xlane v35, v1  }
0x1bc: {  	v17 =	vmul.bf16 v17, v34;
	v8 =	vld [tilespmem:s28+$0x20];
	v21 =	vmov s23  }
0x1bd: {  	s0 =	simm.s32 $0x1;
	s15 =	simm.s32 $0x2;
	v7 =	vimm.f32 $0.0e+00;
	v20 =	vmul.bf16 v33, v24;
	v33 =	vld [tilespmem:s1+$0x50];
	v24 =	vadd.f32 v35, v36  }
.LBB2_13:
0x1be: {  	p0 =	sne.s32 s15, $0x3;
	v10 =	vmul.bf16 v11, v10;
	v11 =	vmul.bf16 v13, v12;
	v12 =	vld [tilespmem:s28+$0x60];
	vm2 =	veq.s32 v21, v4  }
0x1bf: {  	v13 =	vmul.bf16 v15, v14;
	v14 =	vmul.bf16 v19, v16;
	v15 =	vld [tilespmem:s1+$0x60];
	v7 =	vsel vm2, v24, v7  }
0x1c0: {  	v16 =	vmul.bf16 v22, v18;
	v18 =	vmul.bf16 v25, v23;
	v19 =	vld [tilespmem:s28+$0x70]  }
0x1c1: {  	v21 =	vmul.bf16 v27, v26;
	v22 =	vmul.bf16 v31, v29;
	s28 =	sadd.s32 $0x100, s28;
	v23 =	vld [tilespmem:s1+$0x70]  }
0x1c2: {  	v13 =	vadd.bf16 v14, v13;
	v14 =	vmul.bf16 v30, v28;
	s1 =	sadd.s32 $0x100, s1;
	v24 =	vld [tilespmem:s28+$0xFFFFFFB0];
	v25 =	vmul.bf16 v33, v32  }
0x1c3: {  	v8 =	vmul.bf16 v9, v8;
	v16 =	vadd.bf16 v18, v16;
	v18 =	vadd.bf16 v22, v21;
	v33 =	vld [tilespmem:s1+$0xFFFFFFB0]  }
0x1c4: {  	v9 =	vadd.bf16 v10, v13;
	v34 =	vld [tilespmem:s28+$0xFFFFFFF0];
	v10 =	vadd.bf16 v25, v14;
	v12 =	vmul.bf16 v15, v12  }
0x1c5: {  	v11 =	vadd.bf16 v11, v16;
	v8 =	vadd.bf16 v8, v18;
	v13 =	vmul.bf16 v6, v5;
	v35 =	vld [tilespmem:s1+$0xFFFFFFF0]  }
0x1c6: {  	v9 =	vadd.bf16 v20, v9;
	v5 =	vld [tilespmem:s28+$0x30];
	v12 =	vadd.bf16 v12, v10;
	v14 =	vmul.bf16 v23, v19  }
0x1c7: {  	v15 =	vadd.bf16 v17, v11;
	v8 =	vadd.bf16 v13, v8;
	v6 =	vld [tilespmem:s1+$0x30]  }
0x1c8: {  	v10 =	vld [tilespmem:s28+$0xFFFFFFA0];
	v14 =	vadd.bf16 v14, v12  }
0x1c9: {  	v13 =	vshll.u32 v9, $0x10;
	v16 =	vshll.u32 v15, $0x10;
	v17 =	vshll.u32 v8, $0x10;
	v11 =	vld [tilespmem:s1+$0xFFFFFFA0]  }
0x1ca: {  	v18 =	vadd.f32 v13, v9;
	v16 =	vadd.f32 v16, v15;
	v12 =	vld [tilespmem:s28+$0xFFFFFFE0];
	v9 =	vshll.u32 v14, $0x10  }
0x1cb: {  	v17 =	vadd.f32 v17, v8;
	v13 =	vld [tilespmem:s1+$0xFFFFFFE0];
	v19 =	vadd.f32 v9, v14  }
0x1cc: {  	v20 =	vperm.xlane v18, v2;
	v15 =	vperm.xlane v16, v2;
	v8 =	vld [tilespmem:s28+$0x20]  }
0x1cd: {  	v21 =	vperm.xlane v17, v2;
	v9 =	vld [tilespmem:s1+$0x20];
	v22 =	vperm.xlane v19, v2  }
0x1ce: {  	v18 =	vsel vm0, v18, v15;
	v14 =	vld [tilespmem:s28+$0xFFFFFF80]  }
0x1cf: {  	v20 =	vsel vm0, v20, v16;
	v19 =	vsel vm0, v21, v19;
	v15 =	vld [tilespmem:s1+$0xFFFFFF80];
	v17 =	vsel vm0, v17, v22  }
0x1d0: {  	v20 =	vadd.f32 v18, v20;
	v16 =	vld [tilespmem:s28+$0xFFFFFF90];
	v17 =	vadd.f32 v19, v17  }
0x1d1: {  	v19 =	vld [tilespmem:s1+$0xFFFFFF90]  }
0x1d2: {  	v21 =	vperm.xlane v20, v3;
	v18 =	vld [tilespmem:s28+$0xFFFFFFC0];
	v25 =	vperm.xlane v17, v3  }
0x1d3: {  	v22 =	vld [tilespmem:s1+$0xFFFFFFC0]  }
0x1d4: {  	v17 =	vsel vm1, v21, v17;
	v23 =	vld [tilespmem:s28+$0xFFFFFFD0];
	v20 =	vsel vm1, v20, v25  }
0x1d5: {  	v25 =	vld [tilespmem:s1+$0xFFFFFFD0];
	v17 =	vadd.f32 v17, v20  }
0x1d6: {  	v26 =	vld [tilespmem:s28+$0x0]  }
0x1d7: {  	v27 =	vld [tilespmem:s1+$0x0];
	v20 =	vperm.xlane v17, v0  }
0x1d8: {  	v29 =	vld [tilespmem:s28+$0x10]  }
.Ltmp5:
0x1d9: {  	v31 =	vld [tilespmem:s1+$0x10];
	v36 =	vadd.f32 v17, v20;
	(pc) =	sbr.rel @p0 .LBB2_13-.Ltmp5, $4  }
0x1da: {  	v28 =	vld [tilespmem:s28+$0x40]  }
0x1db: {  	v30 =	vld [tilespmem:s1+$0x40];
	v37 =	vperm.xlane v36, v1  }
0x1dc: {  	v21 =	vmov s0;
	s0 =	smov.u32 s15;
	v32 =	vld [tilespmem:s28+$0x50]  }
0x1dd: {  	s15 =	sadd.s32 $0x1, s15;
	v20 =	vmul.bf16 v33, v24;
	v17 =	vmul.bf16 v35, v34;
	v33 =	vld [tilespmem:s1+$0x50];
	v24 =	vadd.f32 v36, v37  }
0x1de: {  	v10 =	vmul.bf16 v11, v10;
	v35 =	vmul.bf16 v13, v12;
	v36 =	vld [tilespmem:s28+$0x60]  }
0x1df: {  	v37 =	vmul.bf16 v15, v14;
	v38 =	vmul.bf16 v19, v16;
	v39 =	vld [tilespmem:s1+$0x60]  }
0x1e0: {  	v40 =	vmul.bf16 v22, v18;
	v41 =	vmul.bf16 v25, v23;
	v42 =	vld [tilespmem:s28+$0x70]  }
0x1e1: {  	v43 =	vmul.bf16 v27, v26;
	v44 =	vmul.bf16 v31, v29;
	v45 =	vld [tilespmem:s1+$0x70]  }
0x1e2: {  	v13 =	vadd.bf16 v38, v37;
	v46 =	vmul.bf16 v30, v28;
	v47 =	vmul.bf16 v33, v32  }
0x1e3: {  	v8 =	vmul.bf16 v9, v8;
	v16 =	vadd.bf16 v41, v40;
	v48 =	vadd.bf16 v44, v43  }
0x1e4: {  	v49 =	vadd.bf16 v10, v13;
	v12 =	vmul.bf16 v39, v36;
	v50 =	vadd.bf16 v47, v46  }
0x1e5: {  	v5 =	vmul.bf16 v6, v5;
	v11 =	vadd.bf16 v35, v16;
	v8 =	vadd.bf16 v8, v48  }
0x1e6: {  	v52 =	vmul.bf16 v45, v42;
	v6 =	vadd.bf16 v20, v49;
	v51 =	vadd.bf16 v12, v50  }
0x1e7: {  	v11 =	vadd.bf16 v17, v11;
	v5 =	vadd.bf16 v5, v8  }
0x1e8: {  	v53 =	vadd.bf16 v52, v51  }
0x1e9: {  	v54 =	vshll.u32 v6, $0x10;
	v55 =	vshll.u32 v11, $0x10;
	v56 =	vshll.u32 v5, $0x10  }
0x1ea: {  	v6 =	vadd.f32 v54, v6;
	v57 =	vadd.f32 v55, v11;
	v58 =	vshll.u32 v53, $0x10  }
0x1eb: {  	v5 =	vadd.f32 v56, v5;
	v8 =	vadd.f32 v58, v53  }
0x1ec: {  	v59 =	vperm.xlane v6, v2;
	v11 =	vperm.xlane v57, v2  }
0x1ed: {  	v12 =	vperm.xlane v5, v2;
	v60 =	vperm.xlane v8, v2  }
0x1ee: {  	v6 =	vsel vm0, v6, v11  }
0x1ef: {  	v9 =	vsel vm0, v59, v57;
	v8 =	vsel vm0, v12, v8;
	v5 =	vsel vm0, v5, v60  }
0x1f0: {  	v6 =	vadd.f32 v6, v9;
	v5 =	vadd.f32 v8, v5;
	_ =	sdelay $0x1  }
0x1f1: {  	v61 =	vperm.xlane v6, v3;
	v62 =	vperm.xlane v5, v3;
	_ =	sdelay $0x1  }
0x1f2: {  	v5 =	vsel vm1, v61, v5;
	v6 =	vsel vm1, v6, v62  }
0x1f3: {  	v5 =	vadd.f32 v5, v6;
	_ =	sdelay $0x1  }
0x1f4: {  	v6 =	vperm.xlane v5, v0;
	_ =	sdelay $0x1  }
0x1f5: {  	v5 =	vadd.f32 v5, v6  }
0x1f6: {  	s31 =	sshll.u32 s26, $0x4;
	s26 =	sadd.s32 $0x1, s26  }
0x1f7: {  	p0 =	sne.s32 s26, $0x5;
	v6 =	vperm.xlane v5, v1  }
.Ltmp6:
0x1f8: {  	_ = 	snop;
	(pc) =	sbr.rel @p0 .LBB2_12-.Ltmp6, $4  }
0x1f9: {  	vm2 =	veq.s32 v21, v4;
	v63 =	vmov s0;
	v5 =	vadd.f32 v5, v6  }
0x1fa: {  	v6 =	vsel vm2, v24, v7;
	vm2 =	veq.s32 v63, v4  }
0x1fb: {  	s0 =	sand.u32 $0x3FFFFFF0, s31;
	v5 =	vsel vm2, v5, v6  }
0x1fc: {  	s24 =	sadd.s32 $0x400, s24;
	s25 =	sadd.s32 $0x400, s25;
	[tilespmem:s0+$0xC440] =	vst v5  }
0x1fd: {  	v5 =	vld [tilespmem:$0xC440];
	_ =	sdelay $0x4  }
0x1fe: {  	v5 =	vsub.f32 $0.0e+00, v5;
	_ =	sdelay $0x1  }
0x1ff: {  	v5 =	vmul.f32 $1.442695020e+00, v5;
	_ =	sdelay $0x1  }
0x200: {  	(erf) = vpow2.f32 v5;
	_ =	sdelay $0x3  }
0x201: {  	v5 =	vld [tilespmem:$0xC450];
	_ =	sdelay $0x4  }
0x202: {  	v5 =	vsub.f32 $0.0e+00, v5;
	v6 =	vpop (erf)  }
0x203: {  	v6 =	vadd.f32 $1.000000000e+00, v6  }
0x204: {  	v5 =	vmul.f32 $1.442695020e+00, v5  }
0x205: {  	(erf) = vrcp.f32 v6  }
0x206: {  	(erf) = vpow2.f32 v5;
	_ =	sdelay $0x3  }
0x207: {  	v5 =	vld [tilespmem:$0xC460];
	_ =	sdelay $0x3  }
0x208: {  	v6 =	vpop (erf)  }
0x209: {  	v5 =	vsub.f32 $0.0e+00, v5;
	v7 =	vpop (erf)  }
0x20a: {  	v7 =	vadd.f32 $1.000000000e+00, v7  }
0x20b: {  	v5 =	vmul.f32 $1.442695020e+00, v5  }
0x20c: {  	(erf) = vrcp.f32 v7  }
0x20d: {  	(erf) = vpow2.f32 v5;
	_ =	sdelay $0x3  }
0x20e: {  	v5 =	vld [tilespmem:$0xC470];
	_ =	sdelay $0x3  }
0x20f: {  	v7 =	vpop (erf)  }
0x210: {  	v5 =	vsub.f32 $0.0e+00, v5;
	v8 =	vpop (erf)  }
0x211: {  	v8 =	vadd.f32 $1.000000000e+00, v8  }
0x212: {  	v5 =	vmul.f32 $1.442695020e+00, v5  }
0x213: {  	(erf) = vrcp.f32 v8  }
0x214: {  	(erf) = vpow2.f32 v5;
	_ =	sdelay $0x3  }
0x215: {  	v5 =	vld [tilespmem:$0xC480];
	_ =	sdelay $0x3  }
0x216: {  	v8 =	vpop (erf)  }
0x217: {  	v5 =	vsub.f32 $0.0e+00, v5;
	v9 =	vpop (erf)  }
0x218: {  	v9 =	vadd.f32 $1.000000000e+00, v9  }
0x219: {  	v5 =	vmul.f32 $1.442695020e+00, v5  }
0x21a: {  	(erf) = vrcp.f32 v9  }
0x21b: {  	(erf) = vpow2.f32 v5;
	_ =	sdelay $0x7  }
0x21c: {  	v5 =	vpop (erf)  }
0x21d: {  	v63 =	vpop (erf)  }
0x21e: {  	v9 =	vadd.f32 $1.000000000e+00, v63;
	_ =	sdelay $0x1  }
0x21f: {  	(erf) = vrcp.f32 v9;
	_ =	sdelay $0x5  }
0x220: {  	[tilespmem:$0xC440] =	vst v6  }
0x221: {  	[tilespmem:$0xC450] =	vst v7  }
0x222: {  	[tilespmem:$0xC460] =	vst v8  }
0x223: {  	[tilespmem:$0xC470] =	vst v5;
	v5 =	vpop (erf)  }
0x224: {  	[tilespmem:$0xC480] =	vst v5  }
0x225: {  	[tilespmem:s12], [sflag:$0x1] =	stream.indirect.gather [hbm4b:s3+s11], $0x40, s19, s11, $0xb8;
	[tilespmem:$0xC530] =	vst v63  }
0x226: {  	_ = 	snop  }
0x227: {  	[tilespmem:s13], [sflag:$0x1] =	stream.indirect.gather [hbm4b:s4+s11], $0x40, s20, s11, $0xb8;
	[tilespmem:$0xC530] =	vst v63  }
0x228: {  	_ =	swait.ge [sflag:s18], $0x1400  }
0x229: {  	[sflag:s18] =	ssyncset.done $0x0  }
0x22a: {  	[sflag:s18] =	ssyncadd.s32 $0xFFFFEC00  }
0x22b: {  	_ =	swait.ge [sflag:s18], $0x1400  }
0x22c: {  	s23 =	simm.s32 $0x0;
	s24 =	simm.s32 $0x76A0;
	[sflag:s18] =	ssyncset.done $0x0  }
0x22d: {  	s25 =	simm.s32 $0x8AA0;
	s26 =	simm.s32 $0x0;
	[sflag:s18] =	ssyncadd.s32 $0xFFFFEC00  }
.LBB2_16:
0x22e: {  	v5 =	vld [tilespmem:s24+$0xFFFFFFB0]  }
0x22f: {  	v6 =	vld [tilespmem:s25+$0xFFFFFFB0]  }
0x230: {  	v7 =	vld [tilespmem:s24+$0xFFFFFFF0]  }
0x231: {  	v8 =	vld [tilespmem:s25+$0xFFFFFFF0]  }
0x232: {  	v9 =	vld [tilespmem:s24+$0x30]  }
0x233: {  	v10 =	vld [tilespmem:s25+$0x30]  }
0x234: {  	v11 =	vld [tilespmem:s24+$0xFFFFFFA0]  }
0x235: {  	v12 =	vld [tilespmem:s25+$0xFFFFFFA0]  }
0x236: {  	v13 =	vld [tilespmem:s24+$0xFFFFFFE0]  }
0x237: {  	v14 =	vld [tilespmem:s25+$0xFFFFFFE0]  }
0x238: {  	v15 =	vld [tilespmem:s24+$0x20]  }
0x239: {  	v16 =	vld [tilespmem:s25+$0x20]  }
0x23a: {  	v17 =	vld [tilespmem:s24+$0xFFFFFF80]  }
0x23b: {  	v18 =	vld [tilespmem:s25+$0xFFFFFF80]  }
0x23c: {  	v19 =	vld [tilespmem:s24+$0xFFFFFF90]  }
0x23d: {  	v20 =	vld [tilespmem:s25+$0xFFFFFF90]  }
0x23e: {  	v21 =	vld [tilespmem:s24+$0xFFFFFFC0]  }
0x23f: {  	v22 =	vld [tilespmem:s25+$0xFFFFFFC0]  }
0x240: {  	v23 =	vld [tilespmem:s24+$0xFFFFFFD0]  }
0x241: {  	v24 =	vld [tilespmem:s25+$0xFFFFFFD0]  }
0x242: {  	v25 =	vld [tilespmem:s24+$0x0]  }
0x243: {  	v26 =	vld [tilespmem:s25+$0x0]  }
0x244: {  	v27 =	vld [tilespmem:s24+$0x10]  }
0x245: {  	v28 =	vld [tilespmem:s25+$0x10]  }
0x246: {  	v29 =	vld [tilespmem:s24+$0x40]  }
0x247: {  	v30 =	vld [tilespmem:s25+$0x40]  }
0x248: {  	v31 =	vld [tilespmem:s24+$0x50];
	v6 =	vmul.bf16 v6, v5;
	v7 =	vmul.bf16 v8, v7  }
0x249: {  	v5 =	vld [tilespmem:s25+$0x50];
	v8 =	vmul.bf16 v12, v11;
	v11 =	vmul.bf16 v14, v13  }
0x24a: {  	v12 =	vld [tilespmem:s24+$0x60];
	v13 =	vmul.bf16 v18, v17;
	v14 =	vmul.bf16 v20, v19  }
0x24b: {  	v17 =	vld [tilespmem:s25+$0x60];
	v18 =	vmul.bf16 v22, v21;
	v19 =	vmul.bf16 v24, v23  }
0x24c: {  	v20 =	vld [tilespmem:s24+$0x70]  }
0x24d: {  	s1 =	sadd.s32 $0x100, s25;
	v21 =	vmul.bf16 v26, v25;
	v22 =	vmul.bf16 v28, v27;
	v23 =	vld [tilespmem:s25+$0x70];
	v18 =	vadd.bf16 v19, v18  }
0x24e: {  	s28 =	sadd.s32 $0x100, s24;
	v33 =	vld [tilespmem:s1+$0xFFFFFFB0];
	v13 =	vadd.bf16 v14, v13;
	v14 =	vmul.bf16 v30, v29;
	v5 =	vmul.bf16 v5, v31  }
0x24f: {  	v34 =	vld [tilespmem:s28+$0xFFFFFFF0];
	v15 =	vmul.bf16 v16, v15;
	v19 =	vadd.bf16 v22, v21;
	v11 =	vadd.bf16 v11, v18  }
0x250: {  	v32 =	vld [tilespmem:s28+$0x50];
	v8 =	vadd.bf16 v8, v13;
	v12 =	vmul.bf16 v17, v12;
	v13 =	vadd.bf16 v5, v14  }
0x251: {  	v24 =	vld [tilespmem:s28+$0xFFFFFFB0];
	v9 =	vmul.bf16 v10, v9;
	v7 =	vadd.bf16 v7, v11  }
0x252: {  	v10 =	vld [tilespmem:s28+$0xFFFFFFA0];
	v14 =	vadd.bf16 v15, v19;
	v12 =	vadd.bf16 v12, v13;
	v13 =	vmul.bf16 v23, v20  }
0x253: {  	v26 =	vld [tilespmem:s28+$0x0];
	v8 =	vadd.bf16 v6, v8  }
0x254: {  	v27 =	vld [tilespmem:s1+$0x0];
	v15 =	vshll.u32 v7, $0x10;
	v9 =	vadd.bf16 v9, v14;
	v14 =	vadd.bf16 v13, v12  }
0x255: {  	v28 =	vld [tilespmem:s28+$0x40];
	v7 =	vadd.f32 v15, v7;
	v13 =	vshll.u32 v8, $0x10  }
0x256: {  	v29 =	vld [tilespmem:s28+$0x10];
	v16 =	vshll.u32 v9, $0x10;
	v18 =	vadd.f32 v13, v8;
	v8 =	vshll.u32 v14, $0x10  }
0x257: {  	v30 =	vld [tilespmem:s1+$0x40];
	v16 =	vadd.f32 v16, v9;
	v19 =	vadd.f32 v8, v14  }
0x258: {  	v17 =	vld [tilespmem:s1+$0xFFFFFFF0];
	v15 =	vperm.xlane v7, v2;
	v20 =	vperm.xlane v18, v2  }
0x259: {  	v31 =	vld [tilespmem:s1+$0x10];
	v21 =	vperm.xlane v16, v2;
	v22 =	vperm.xlane v19, v2  }
0x25a: {  	v6 =	vld [tilespmem:s1+$0x30];
	v18 =	vsel vm0, v18, v15  }
0x25b: {  	v11 =	vld [tilespmem:s1+$0xFFFFFFA0];
	v7 =	vsel vm0, v20, v7;
	v19 =	vsel vm0, v21, v19;
	v20 =	vsel vm0, v16, v22  }
0x25c: {  	v5 =	vld [tilespmem:s28+$0x30];
	v7 =	vadd.f32 v18, v7;
	v20 =	vadd.f32 v19, v20  }
0x25d: {  	v23 =	vld [tilespmem:s28+$0xFFFFFFD0]  }
0x25e: {  	v12 =	vld [tilespmem:s28+$0xFFFFFFE0];
	v21 =	vperm.xlane v7, v3;
	v25 =	vperm.xlane v20, v3  }
0x25f: {  	v13 =	vld [tilespmem:s1+$0xFFFFFFE0]  }
0x260: {  	v9 =	vld [tilespmem:s1+$0x20];
	v20 =	vsel vm1, v21, v20;
	v7 =	vsel vm1, v7, v25  }
0x261: {  	v14 =	vld [tilespmem:s28+$0xFFFFFF80];
	v7 =	vadd.f32 v20, v7  }
0x262: {  	v15 =	vld [tilespmem:s1+$0xFFFFFF80]  }
0x263: {  	v18 =	vld [tilespmem:s28+$0xFFFFFFC0];
	v20 =	vperm.xlane v7, v0  }
0x264: {  	v16 =	vld [tilespmem:s28+$0xFFFFFF90]  }
0x265: {  	v22 =	vld [tilespmem:s1+$0xFFFFFFC0];
	v35 =	vadd.f32 v7, v20  }
0x266: {  	v19 =	vld [tilespmem:s1+$0xFFFFFF90]  }
0x267: {  	v25 =	vld [tilespmem:s1+$0xFFFFFFD0];
	v36 =	vperm.xlane v35, v1  }
0x268: {  	v17 =	vmul.bf16 v17, v34;
	v8 =	vld [tilespmem:s28+$0x20];
	v21 =	vmov s23  }
0x269: {  	s0 =	simm.s32 $0x1;
	s15 =	simm.s32 $0x2;
	v7 =	vimm.f32 $0.0e+00;
	v20 =	vmul.bf16 v33, v24;
	v33 =	vld [tilespmem:s1+$0x50];
	v24 =	vadd.f32 v35, v36  }
.LBB2_17:
0x26a: {  	p0 =	sne.s32 s15, $0x3;
	v10 =	vmul.bf16 v11, v10;
	v11 =	vmul.bf16 v13, v12;
	v12 =	vld [tilespmem:s28+$0x60];
	vm2 =	veq.s32 v21, v4  }
0x26b: {  	v13 =	vmul.bf16 v15, v14;
	v14 =	vmul.bf16 v19, v16;
	v15 =	vld [tilespmem:s1+$0x60];
	v7 =	vsel vm2, v24, v7  }
0x26c: {  	v16 =	vmul.bf16 v22, v18;
	v18 =	vmul.bf16 v25, v23;
	v19 =	vld [tilespmem:s28+$0x70]  }
0x26d: {  	v21 =	vmul.bf16 v27, v26;
	v22 =	vmul.bf16 v31, v29;
	s28 =	sadd.s32 $0x100, s28;
	v23 =	vld [tilespmem:s1+$0x70]  }
0x26e: {  	v13 =	vadd.bf16 v14, v13;
	v14 =	vmul.bf16 v30, v28;
	s1 =	sadd.s32 $0x100, s1;
	v24 =	vld [tilespmem:s28+$0xFFFFFFB0];
	v25 =	vmul.bf16 v33, v32  }
0x26f: {  	v8 =	vmul.bf16 v9, v8;
	v16 =	vadd.bf16 v18, v16;
	v18 =	vadd.bf16 v22, v21;
	v33 =	vld [tilespmem:s1+$0xFFFFFFB0]  }
0x270: {  	v9 =	vadd.bf16 v10, v13;
	v34 =	vld [tilespmem:s28+$0xFFFFFFF0];
	v10 =	vadd.bf16 v25, v14;
	v12 =	vmul.bf16 v15, v12  }
0x271: {  	v11 =	vadd.bf16 v11, v16;
	v8 =	vadd.bf16 v8, v18;
	v13 =	vmul.bf16 v6, v5;
	v35 =	vld [tilespmem:s1+$0xFFFFFFF0]  }
0x272: {  	v9 =	vadd.bf16 v20, v9;
	v5 =	vld [tilespmem:s28+$0x30];
	v12 =	vadd.bf16 v12, v10;
	v14 =	vmul.bf16 v23, v19  }
0x273: {  	v15 =	vadd.bf16 v17, v11;
	v8 =	vadd.bf16 v13, v8;
	v6 =	vld [tilespmem:s1+$0x30]  }
0x274: {  	v10 =	vld [tilespmem:s28+$0xFFFFFFA0];
	v14 =	vadd.bf16 v14, v12  }
0x275: {  	v13 =	vshll.u32 v9, $0x10;
	v16 =	vshll.u32 v15, $0x10;
	v17 =	vshll.u32 v8, $0x10;
	v11 =	vld [tilespmem:s1+$0xFFFFFFA0]  }
0x276: {  	v18 =	vadd.f32 v13, v9;
	v16 =	vadd.f32 v16, v15;
	v12 =	vld [tilespmem:s28+$0xFFFFFFE0];
	v9 =	vshll.u32 v14, $0x10  }
0x277: {  	v17 =	vadd.f32 v17, v8;
	v13 =	vld [tilespmem:s1+$0xFFFFFFE0];
	v19 =	vadd.f32 v9, v14  }
0x278: {  	v20 =	vperm.xlane v18, v2;
	v15 =	vperm.xlane v16, v2;
	v8 =	vld [tilespmem:s28+$0x20]  }
0x279: {  	v21 =	vperm.xlane v17, v2;
	v9 =	vld [tilespmem:s1+$0x20];
	v22 =	vperm.xlane v19, v2  }
0x27a: {  	v18 =	vsel vm0, v18, v15;
	v14 =	vld [tilespmem:s28+$0xFFFFFF80]  }
0x27b: {  	v20 =	vsel vm0, v20, v16;
	v19 =	vsel vm0, v21, v19;
	v15 =	vld [tilespmem:s1+$0xFFFFFF80];
	v17 =	vsel vm0, v17, v22  }
0x27c: {  	v20 =	vadd.f32 v18, v20;
	v16 =	vld [tilespmem:s28+$0xFFFFFF90];
	v17 =	vadd.f32 v19, v17  }
0x27d: {  	v19 =	vld [tilespmem:s1+$0xFFFFFF90]  }
0x27e: {  	v21 =	vperm.xlane v20, v3;
	v18 =	vld [tilespmem:s28+$0xFFFFFFC0];
	v25 =	vperm.xlane v17, v3  }
0x27f: {  	v22 =	vld [tilespmem:s1+$0xFFFFFFC0]  }
0x280: {  	v17 =	vsel vm1, v21, v17;
	v23 =	vld [tilespmem:s28+$0xFFFFFFD0];
	v20 =	vsel vm1, v20, v25  }
0x281: {  	v25 =	vld [tilespmem:s1+$0xFFFFFFD0];
	v17 =	vadd.f32 v17, v20  }
0x282: {  	v26 =	vld [tilespmem:s28+$0x0]  }
0x283: {  	v27 =	vld [tilespmem:s1+$0x0];
	v20 =	vperm.xlane v17, v0  }
0x284: {  	v29 =	vld [tilespmem:s28+$0x10]  }
.Ltmp7:
0x285: {  	v31 =	vld [tilespmem:s1+$0x10];
	v36 =	vadd.f32 v17, v20;
	(pc) =	sbr.rel @p0 .LBB2_17-.Ltmp7, $4  }
0x286: {  	v28 =	vld [tilespmem:s28+$0x40]  }
0x287: {  	v30 =	vld [tilespmem:s1+$0x40];
	v37 =	vperm.xlane v36, v1  }
0x288: {  	v21 =	vmov s0;
	s0 =	smov.u32 s15;
	v32 =	vld [tilespmem:s28+$0x50]  }
0x289: {  	s15 =	sadd.s32 $0x1, s15;
	v20 =	vmul.bf16 v33, v24;
	v17 =	vmul.bf16 v35, v34;
	v33 =	vld [tilespmem:s1+$0x50];
	v24 =	vadd.f32 v36, v37  }
0x28a: {  	v10 =	vmul.bf16 v11, v10;
	v35 =	vmul.bf16 v13, v12;
	v36 =	vld [tilespmem:s28+$0x60]  }
0x28b: {  	v37 =	vmul.bf16 v15, v14;
	v38 =	vmul.bf16 v19, v16;
	v39 =	vld [tilespmem:s1+$0x60]  }
0x28c: {  	v40 =	vmul.bf16 v22, v18;
	v41 =	vmul.bf16 v25, v23;
	v42 =	vld [tilespmem:s28+$0x70]  }
0x28d: {  	v43 =	vmul.bf16 v27, v26;
	v44 =	vmul.bf16 v31, v29;
	v45 =	vld [tilespmem:s1+$0x70]  }
0x28e: {  	v13 =	vadd.bf16 v38, v37;
	v46 =	vmul.bf16 v30, v28;
	v47 =	vmul.bf16 v33, v32  }
0x28f: {  	v8 =	vmul.bf16 v9, v8;
	v16 =	vadd.bf16 v41, v40;
	v48 =	vadd.bf16 v44, v43  }
0x290: {  	v49 =	vadd.bf16 v10, v13;
	v12 =	vmul.bf16 v39, v36;
	v50 =	vadd.bf16 v47, v46  }
0x291: {  	v5 =	vmul.bf16 v6, v5;
	v11 =	vadd.bf16 v35, v16;
	v8 =	vadd.bf16 v8, v48  }
0x292: {  	v52 =	vmul.bf16 v45, v42;
	v6 =	vadd.bf16 v20, v49;
	v51 =	vadd.bf16 v12, v50  }
0x293: {  	v11 =	vadd.bf16 v17, v11;
	v5 =	vadd.bf16 v5, v8  }
0x294: {  	v53 =	vadd.bf16 v52, v51  }
0x295: {  	v54 =	vshll.u32 v6, $0x10;
	v55 =	vshll.u32 v11, $0x10;
	v56 =	vshll.u32 v5, $0x10  }
0x296: {  	v6 =	vadd.f32 v54, v6;
	v57 =	vadd.f32 v55, v11;
	v58 =	vshll.u32 v53, $0x10  }
0x297: {  	v5 =	vadd.f32 v56, v5;
	v8 =	vadd.f32 v58, v53  }
0x298: {  	v59 =	vperm.xlane v6, v2;
	v11 =	vperm.xlane v57, v2  }
0x299: {  	v12 =	vperm.xlane v5, v2;
	v60 =	vperm.xlane v8, v2  }
0x29a: {  	v6 =	vsel vm0, v6, v11  }
0x29b: {  	v9 =	vsel vm0, v59, v57;
	v8 =	vsel vm0, v12, v8;
	v5 =	vsel vm0, v5, v60  }
0x29c: {  	v6 =	vadd.f32 v6, v9;
	v5 =	vadd.f32 v8, v5;
	_ =	sdelay $0x1  }
0x29d: {  	v61 =	vperm.xlane v6, v3;
	v62 =	vperm.xlane v5, v3;
	_ =	sdelay $0x1  }
0x29e: {  	v5 =	vsel vm1, v61, v5;
	v6 =	vsel vm1, v6, v62  }
0x29f: {  	v5 =	vadd.f32 v5, v6;
	_ =	sdelay $0x1  }
0x2a0: {  	v6 =	vperm.xlane v5, v0;
	_ =	sdelay $0x1  }
0x2a1: {  	v5 =	vadd.f32 v5, v6  }
0x2a2: {  	s31 =	sshll.u32 s26, $0x4;
	s26 =	sadd.s32 $0x1, s26  }
0x2a3: {  	p0 =	sne.s32 s26, $0x5;
	v6 =	vperm.xlane v5, v1  }
.Ltmp8:
0x2a4: {  	_ = 	snop;
	(pc) =	sbr.rel @p0 .LBB2_16-.Ltmp8, $4  }
0x2a5: {  	vm2 =	veq.s32 v21, v4;
	v63 =	vmov s0;
	v5 =	vadd.f32 v5, v6  }
0x2a6: {  	v6 =	vsel vm2, v24, v7;
	vm2 =	veq.s32 v63, v4  }
0x2a7: {  	s0 =	sand.u32 $0x3FFFFFF0, s31;
	v5 =	vsel vm2, v5, v6  }
0x2a8: {  	s24 =	sadd.s32 $0x400, s24;
	s25 =	sadd.s32 $0x400, s25;
	[tilespmem:s0+$0xC490] =	vst v5  }
0x2a9: {  	v5 =	vld [tilespmem:$0xC490];
	_ =	sdelay $0x4  }
0x2aa: {  	v5 =	vsub.f32 $0.0e+00, v5;
	_ =	sdelay $0x1  }
0x2ab: {  	v5 =	vmul.f32 $1.442695020e+00, v5;
	_ =	sdelay $0x1  }
0x2ac: {  	(erf) = vpow2.f32 v5;
	_ =	sdelay $0x3  }
0x2ad: {  	v5 =	vld [tilespmem:$0xC4A0];
	_ =	sdelay $0x4  }
0x2ae: {  	v5 =	vsub.f32 $0.0e+00, v5;
	v6 =	vpop (erf)  }
0x2af: {  	v6 =	vadd.f32 $1.000000000e+00, v6  }
0x2b0: {  	v5 =	vmul.f32 $1.442695020e+00, v5  }
0x2b1: {  	(erf) = vrcp.f32 v6  }
0x2b2: {  	(erf) = vpow2.f32 v5;
	_ =	sdelay $0x3  }
0x2b3: {  	v5 =	vld [tilespmem:$0xC4B0];
	_ =	sdelay $0x3  }
0x2b4: {  	v6 =	vpop (erf)  }
0x2b5: {  	v5 =	vsub.f32 $0.0e+00, v5;
	v7 =	vpop (erf)  }
0x2b6: {  	v7 =	vadd.f32 $1.000000000e+00, v7  }
0x2b7: {  	v5 =	vmul.f32 $1.442695020e+00, v5  }
0x2b8: {  	(erf) = vrcp.f32 v7  }
0x2b9: {  	(erf) = vpow2.f32 v5;
	_ =	sdelay $0x3  }
0x2ba: {  	v5 =	vld [tilespmem:$0xC4C0];
	_ =	sdelay $0x3  }
0x2bb: {  	v7 =	vpop (erf)  }
0x2bc: {  	v5 =	vsub.f32 $0.0e+00, v5;
	v8 =	vpop (erf)  }
0x2bd: {  	v8 =	vadd.f32 $1.000000000e+00, v8  }
0x2be: {  	v5 =	vmul.f32 $1.442695020e+00, v5  }
0x2bf: {  	(erf) = vrcp.f32 v8  }
0x2c0: {  	(erf) = vpow2.f32 v5;
	_ =	sdelay $0x3  }
0x2c1: {  	v5 =	vld [tilespmem:$0xC4D0];
	_ =	sdelay $0x3  }
0x2c2: {  	v8 =	vpop (erf)  }
0x2c3: {  	v5 =	vsub.f32 $0.0e+00, v5;
	v9 =	vpop (erf)  }
0x2c4: {  	v9 =	vadd.f32 $1.000000000e+00, v9  }
0x2c5: {  	v5 =	vmul.f32 $1.442695020e+00, v5  }
0x2c6: {  	(erf) = vrcp.f32 v9  }
0x2c7: {  	(erf) = vpow2.f32 v5;
	_ =	sdelay $0x7  }
0x2c8: {  	v5 =	vpop (erf)  }
0x2c9: {  	v63 =	vpop (erf)  }
0x2ca: {  	v9 =	vadd.f32 $1.000000000e+00, v63;
	_ =	sdelay $0x1  }
0x2cb: {  	(erf) = vrcp.f32 v9;
	_ =	sdelay $0x5  }
0x2cc: {  	[tilespmem:$0xC490] =	vst v6  }
0x2cd: {  	[tilespmem:$0xC4A0] =	vst v7  }
0x2ce: {  	[tilespmem:$0xC4B0] =	vst v8  }
0x2cf: {  	[tilespmem:$0xC4C0] =	vst v5;
	v5 =	vpop (erf)  }
0x2d0: {  	[tilespmem:$0xC4D0] =	vst v5  }
0x2d1: {  	_ =	swait.ge [sflag:s17], $0x1400  }
0x2d2: {  	[sflag:s17] =	ssyncset.done $0x0  }
0x2d3: {  	[sflag:s17] =	ssyncadd.s32 $0xFFFFEC00  }
0x2d4: {  	_ =	swait.ge [sflag:s17], $0x1400  }
0x2d5: {  	s23 =	simm.s32 $0x0;
	s24 =	simm.s32 $0x4EA0;
	[sflag:s17] =	ssyncset.done $0x0  }
0x2d6: {  	s25 =	simm.s32 $0x62A0;
	s26 =	simm.s32 $0x0;
	[sflag:s17] =	ssyncadd.s32 $0xFFFFEC00  }
.LBB2_20:
0x2d7: {  	v5 =	vld [tilespmem:s24+$0xFFFFFFB0]  }
0x2d8: {  	v6 =	vld [tilespmem:s25+$0xFFFFFFB0]  }
0x2d9: {  	v7 =	vld [tilespmem:s24+$0xFFFFFFF0]  }
0x2da: {  	v8 =	vld [tilespmem:s25+$0xFFFFFFF0]  }
0x2db: {  	v9 =	vld [tilespmem:s24+$0x30]  }
0x2dc: {  	v10 =	vld [tilespmem:s25+$0x30]  }
0x2dd: {  	v11 =	vld [tilespmem:s24+$0xFFFFFFA0]  }
0x2de: {  	v12 =	vld [tilespmem:s25+$0xFFFFFFA0]  }
0x2df: {  	v13 =	vld [tilespmem:s24+$0xFFFFFFE0]  }
0x2e0: {  	v14 =	vld [tilespmem:s25+$0xFFFFFFE0]  }
0x2e1: {  	v15 =	vld [tilespmem:s24+$0x20]  }
0x2e2: {  	v16 =	vld [tilespmem:s25+$0x20]  }
0x2e3: {  	v17 =	vld [tilespmem:s24+$0xFFFFFF80]  }
0x2e4: {  	v18 =	vld [tilespmem:s25+$0xFFFFFF80]  }
0x2e5: {  	v19 =	vld [tilespmem:s24+$0xFFFFFF90]  }
0x2e6: {  	v20 =	vld [tilespmem:s25+$0xFFFFFF90]  }
0x2e7: {  	v21 =	vld [tilespmem:s24+$0xFFFFFFC0]  }
0x2e8: {  	v22 =	vld [tilespmem:s25+$0xFFFFFFC0]  }
0x2e9: {  	v23 =	vld [tilespmem:s24+$0xFFFFFFD0]  }
0x2ea: {  	v24 =	vld [tilespmem:s25+$0xFFFFFFD0]  }
0x2eb: {  	v25 =	vld [tilespmem:s24+$0x0]  }
0x2ec: {  	v26 =	vld [tilespmem:s25+$0x0]  }
0x2ed: {  	v27 =	vld [tilespmem:s24+$0x10]  }
0x2ee: {  	v28 =	vld [tilespmem:s25+$0x10]  }
0x2ef: {  	v29 =	vld [tilespmem:s24+$0x40]  }
0x2f0: {  	v30 =	vld [tilespmem:s25+$0x40]  }
0x2f1: {  	v31 =	vld [tilespmem:s24+$0x50];
	v6 =	vmul.bf16 v6, v5;
	v7 =	vmul.bf16 v8, v7  }
0x2f2: {  	v5 =	vld [tilespmem:s25+$0x50];
	v8 =	vmul.bf16 v12, v11;
	v11 =	vmul.bf16 v14, v13  }
0x2f3: {  	v12 =	vld [tilespmem:s24+$0x60];
	v13 =	vmul.bf16 v18, v17;
	v14 =	vmul.bf16 v20, v19  }
0x2f4: {  	v17 =	vld [tilespmem:s25+$0x60];
	v18 =	vmul.bf16 v22, v21;
	v19 =	vmul.bf16 v24, v23  }
0x2f5: {  	v20 =	vld [tilespmem:s24+$0x70]  }
0x2f6: {  	s1 =	sadd.s32 $0x100, s25;
	v21 =	vmul.bf16 v26, v25;
	v22 =	vmul.bf16 v28, v27;
	v23 =	vld [tilespmem:s25+$0x70];
	v18 =	vadd.bf16 v19, v18  }
0x2f7: {  	s28 =	sadd.s32 $0x100, s24;
	v33 =	vld [tilespmem:s1+$0xFFFFFFB0];
	v13 =	vadd.bf16 v14, v13;
	v14 =	vmul.bf16 v30, v29;
	v5 =	vmul.bf16 v5, v31  }
0x2f8: {  	v34 =	vld [tilespmem:s28+$0xFFFFFFF0];
	v15 =	vmul.bf16 v16, v15;
	v19 =	vadd.bf16 v22, v21;
	v11 =	vadd.bf16 v11, v18  }
0x2f9: {  	v32 =	vld [tilespmem:s28+$0x50];
	v8 =	vadd.bf16 v8, v13;
	v12 =	vmul.bf16 v17, v12;
	v13 =	vadd.bf16 v5, v14  }
0x2fa: {  	v24 =	vld [tilespmem:s28+$0xFFFFFFB0];
	v9 =	vmul.bf16 v10, v9;
	v7 =	vadd.bf16 v7, v11  }
0x2fb: {  	v10 =	vld [tilespmem:s28+$0xFFFFFFA0];
	v14 =	vadd.bf16 v15, v19;
	v12 =	vadd.bf16 v12, v13;
	v13 =	vmul.bf16 v23, v20  }
0x2fc: {  	v26 =	vld [tilespmem:s28+$0x0];
	v8 =	vadd.bf16 v6, v8  }
0x2fd: {  	v27 =	vld [tilespmem:s1+$0x0];
	v15 =	vshll.u32 v7, $0x10;
	v9 =	vadd.bf16 v9, v14;
	v14 =	vadd.bf16 v13, v12  }
0x2fe: {  	v28 =	vld [tilespmem:s28+$0x40];
	v7 =	vadd.f32 v15, v7;
	v13 =	vshll.u32 v8, $0x10  }
0x2ff: {  	v29 =	vld [tilespmem:s28+$0x10];
	v16 =	vshll.u32 v9, $0x10;
	v18 =	vadd.f32 v13, v8;
	v8 =	vshll.u32 v14, $0x10  }
0x300: {  	v30 =	vld [tilespmem:s1+$0x40];
	v16 =	vadd.f32 v16, v9;
	v19 =	vadd.f32 v8, v14  }
0x301: {  	v17 =	vld [tilespmem:s1+$0xFFFFFFF0];
	v15 =	vperm.xlane v7, v2;
	v20 =	vperm.xlane v18, v2  }
0x302: {  	v31 =	vld [tilespmem:s1+$0x10];
	v21 =	vperm.xlane v16, v2;
	v22 =	vperm.xlane v19, v2  }
0x303: {  	v6 =	vld [tilespmem:s1+$0x30];
	v18 =	vsel vm0, v18, v15  }
0x304: {  	v11 =	vld [tilespmem:s1+$0xFFFFFFA0];
	v7 =	vsel vm0, v20, v7;
	v19 =	vsel vm0, v21, v19;
	v20 =	vsel vm0, v16, v22  }
0x305: {  	v5 =	vld [tilespmem:s28+$0x30];
	v7 =	vadd.f32 v18, v7;
	v20 =	vadd.f32 v19, v20  }
0x306: {  	v23 =	vld [tilespmem:s28+$0xFFFFFFD0]  }
0x307: {  	v12 =	vld [tilespmem:s28+$0xFFFFFFE0];
	v21 =	vperm.xlane v7, v3;
	v25 =	vperm.xlane v20, v3  }
0x308: {  	v13 =	vld [tilespmem:s1+$0xFFFFFFE0]  }
0x309: {  	v9 =	vld [tilespmem:s1+$0x20];
	v20 =	vsel vm1, v21, v20;
	v7 =	vsel vm1, v7, v25  }
0x30a: {  	v14 =	vld [tilespmem:s28+$0xFFFFFF80];
	v7 =	vadd.f32 v20, v7  }
0x30b: {  	v15 =	vld [tilespmem:s1+$0xFFFFFF80]  }
0x30c: {  	v18 =	vld [tilespmem:s28+$0xFFFFFFC0];
	v20 =	vperm.xlane v7, v0  }
0x30d: {  	v16 =	vld [tilespmem:s28+$0xFFFFFF90]  }
0x30e: {  	v22 =	vld [tilespmem:s1+$0xFFFFFFC0];
	v35 =	vadd.f32 v7, v20  }
0x30f: {  	v19 =	vld [tilespmem:s1+$0xFFFFFF90]  }
0x310: {  	v25 =	vld [tilespmem:s1+$0xFFFFFFD0];
	v36 =	vperm.xlane v35, v1  }
0x311: {  	v17 =	vmul.bf16 v17, v34;
	v8 =	vld [tilespmem:s28+$0x20];
	v21 =	vmov s23  }
0x312: {  	s0 =	simm.s32 $0x1;
	s15 =	simm.s32 $0x2;
	v7 =	vimm.f32 $0.0e+00;
	v20 =	vmul.bf16 v33, v24;
	v33 =	vld [tilespmem:s1+$0x50];
	v24 =	vadd.f32 v35, v36  }
.LBB2_21:
0x313: {  	p0 =	sne.s32 s15, $0x3;
	v10 =	vmul.bf16 v11, v10;
	v11 =	vmul.bf16 v13, v12;
	v12 =	vld [tilespmem:s28+$0x60];
	vm2 =	veq.s32 v21, v4  }
0x314: {  	v13 =	vmul.bf16 v15, v14;
	v14 =	vmul.bf16 v19, v16;
	v15 =	vld [tilespmem:s1+$0x60];
	v7 =	vsel vm2, v24, v7  }
0x315: {  	v16 =	vmul.bf16 v22, v18;
	v18 =	vmul.bf16 v25, v23;
	v19 =	vld [tilespmem:s28+$0x70]  }
0x316: {  	v21 =	vmul.bf16 v27, v26;
	v22 =	vmul.bf16 v31, v29;
	s28 =	sadd.s32 $0x100, s28;
	v23 =	vld [tilespmem:s1+$0x70]  }
0x317: {  	v13 =	vadd.bf16 v14, v13;
	v14 =	vmul.bf16 v30, v28;
	s1 =	sadd.s32 $0x100, s1;
	v24 =	vld [tilespmem:s28+$0xFFFFFFB0];
	v25 =	vmul.bf16 v33, v32  }
0x318: {  	v8 =	vmul.bf16 v9, v8;
	v16 =	vadd.bf16 v18, v16;
	v18 =	vadd.bf16 v22, v21;
	v33 =	vld [tilespmem:s1+$0xFFFFFFB0]  }
0x319: {  	v9 =	vadd.bf16 v10, v13;
	v34 =	vld [tilespmem:s28+$0xFFFFFFF0];
	v10 =	vadd.bf16 v25, v14;
	v12 =	vmul.bf16 v15, v12  }
0x31a: {  	v11 =	vadd.bf16 v11, v16;
	v8 =	vadd.bf16 v8, v18;
	v13 =	vmul.bf16 v6, v5;
	v35 =	vld [tilespmem:s1+$0xFFFFFFF0]  }
0x31b: {  	v9 =	vadd.bf16 v20, v9;
	v5 =	vld [tilespmem:s28+$0x30];
	v12 =	vadd.bf16 v12, v10;
	v14 =	vmul.bf16 v23, v19  }
0x31c: {  	v15 =	vadd.bf16 v17, v11;
	v8 =	vadd.bf16 v13, v8;
	v6 =	vld [tilespmem:s1+$0x30]  }
0x31d: {  	v10 =	vld [tilespmem:s28+$0xFFFFFFA0];
	v14 =	vadd.bf16 v14, v12  }
0x31e: {  	v13 =	vshll.u32 v9, $0x10;
	v16 =	vshll.u32 v15, $0x10;
	v17 =	vshll.u32 v8, $0x10;
	v11 =	vld [tilespmem:s1+$0xFFFFFFA0]  }
0x31f: {  	v18 =	vadd.f32 v13, v9;
	v16 =	vadd.f32 v16, v15;
	v12 =	vld [tilespmem:s28+$0xFFFFFFE0];
	v9 =	vshll.u32 v14, $0x10  }
0x320: {  	v17 =	vadd.f32 v17, v8;
	v13 =	vld [tilespmem:s1+$0xFFFFFFE0];
	v19 =	vadd.f32 v9, v14  }
0x321: {  	v20 =	vperm.xlane v18, v2;
	v15 =	vperm.xlane v16, v2;
	v8 =	vld [tilespmem:s28+$0x20]  }
0x322: {  	v21 =	vperm.xlane v17, v2;
	v9 =	vld [tilespmem:s1+$0x20];
	v22 =	vperm.xlane v19, v2  }
0x323: {  	v18 =	vsel vm0, v18, v15;
	v14 =	vld [tilespmem:s28+$0xFFFFFF80]  }
0x324: {  	v20 =	vsel vm0, v20, v16;
	v19 =	vsel vm0, v21, v19;
	v15 =	vld [tilespmem:s1+$0xFFFFFF80];
	v17 =	vsel vm0, v17, v22  }
0x325: {  	v20 =	vadd.f32 v18, v20;
	v16 =	vld [tilespmem:s28+$0xFFFFFF90];
	v17 =	vadd.f32 v19, v17  }
0x326: {  	v19 =	vld [tilespmem:s1+$0xFFFFFF90]  }
0x327: {  	v21 =	vperm.xlane v20, v3;
	v18 =	vld [tilespmem:s28+$0xFFFFFFC0];
	v25 =	vperm.xlane v17, v3  }
0x328: {  	v22 =	vld [tilespmem:s1+$0xFFFFFFC0]  }
0x329: {  	v17 =	vsel vm1, v21, v17;
	v23 =	vld [tilespmem:s28+$0xFFFFFFD0];
	v20 =	vsel vm1, v20, v25  }
0x32a: {  	v25 =	vld [tilespmem:s1+$0xFFFFFFD0];
	v17 =	vadd.f32 v17, v20  }
0x32b: {  	v26 =	vld [tilespmem:s28+$0x0]  }
0x32c: {  	v27 =	vld [tilespmem:s1+$0x0];
	v20 =	vperm.xlane v17, v0  }
0x32d: {  	v29 =	vld [tilespmem:s28+$0x10]  }
.Ltmp9:
0x32e: {  	v31 =	vld [tilespmem:s1+$0x10];
	v36 =	vadd.f32 v17, v20;
	(pc) =	sbr.rel @p0 .LBB2_21-.Ltmp9, $4  }
0x32f: {  	v28 =	vld [tilespmem:s28+$0x40]  }
0x330: {  	v30 =	vld [tilespmem:s1+$0x40];
	v37 =	vperm.xlane v36, v1  }
0x331: {  	v21 =	vmov s0;
	s0 =	smov.u32 s15;
	v32 =	vld [tilespmem:s28+$0x50]  }
0x332: {  	s15 =	sadd.s32 $0x1, s15;
	v20 =	vmul.bf16 v33, v24;
	v17 =	vmul.bf16 v35, v34;
	v33 =	vld [tilespmem:s1+$0x50];
	v24 =	vadd.f32 v36, v37  }
0x333: {  	v10 =	vmul.bf16 v11, v10;
	v35 =	vmul.bf16 v13, v12;
	v36 =	vld [tilespmem:s28+$0x60]  }
0x334: {  	v37 =	vmul.bf16 v15, v14;
	v38 =	vmul.bf16 v19, v16;
	v39 =	vld [tilespmem:s1+$0x60]  }
0x335: {  	v40 =	vmul.bf16 v22, v18;
	v41 =	vmul.bf16 v25, v23;
	v42 =	vld [tilespmem:s28+$0x70]  }
0x336: {  	v43 =	vmul.bf16 v27, v26;
	v44 =	vmul.bf16 v31, v29;
	v45 =	vld [tilespmem:s1+$0x70]  }
0x337: {  	v13 =	vadd.bf16 v38, v37;
	v46 =	vmul.bf16 v30, v28;
	v47 =	vmul.bf16 v33, v32  }
0x338: {  	v8 =	vmul.bf16 v9, v8;
	v16 =	vadd.bf16 v41, v40;
	v48 =	vadd.bf16 v44, v43  }
0x339: {  	v49 =	vadd.bf16 v10, v13;
	v12 =	vmul.bf16 v39, v36;
	v50 =	vadd.bf16 v47, v46  }
0x33a: {  	v5 =	vmul.bf16 v6, v5;
	v11 =	vadd.bf16 v35, v16;
	v8 =	vadd.bf16 v8, v48  }
0x33b: {  	v52 =	vmul.bf16 v45, v42;
	v6 =	vadd.bf16 v20, v49;
	v51 =	vadd.bf16 v12, v50  }
0x33c: {  	v11 =	vadd.bf16 v17, v11;
	v5 =	vadd.bf16 v5, v8  }
0x33d: {  	v53 =	vadd.bf16 v52, v51  }
0x33e: {  	v54 =	vshll.u32 v6, $0x10;
	v55 =	vshll.u32 v11, $0x10;
	v56 =	vshll.u32 v5, $0x10  }
0x33f: {  	v6 =	vadd.f32 v54, v6;
	v57 =	vadd.f32 v55, v11;
	v58 =	vshll.u32 v53, $0x10  }
0x340: {  	v5 =	vadd.f32 v56, v5;
	v8 =	vadd.f32 v58, v53  }
0x341: {  	v59 =	vperm.xlane v6, v2;
	v11 =	vperm.xlane v57, v2  }
0x342: {  	v12 =	vperm.xlane v5, v2;
	v60 =	vperm.xlane v8, v2  }
0x343: {  	v6 =	vsel vm0, v6, v11  }
0x344: {  	v9 =	vsel vm0, v59, v57;
	v8 =	vsel vm0, v12, v8;
	v5 =	vsel vm0, v5, v60  }
0x345: {  	v6 =	vadd.f32 v6, v9;
	v5 =	vadd.f32 v8, v5;
	_ =	sdelay $0x1  }
0x346: {  	v61 =	vperm.xlane v6, v3;
	v62 =	vperm.xlane v5, v3;
	_ =	sdelay $0x1  }
0x347: {  	v5 =	vsel vm1, v61, v5;
	v6 =	vsel vm1, v6, v62  }
0x348: {  	v5 =	vadd.f32 v5, v6;
	_ =	sdelay $0x1  }
0x349: {  	v6 =	vperm.xlane v5, v0;
	_ =	sdelay $0x1  }
0x34a: {  	v5 =	vadd.f32 v5, v6  }
0x34b: {  	s31 =	sshll.u32 s26, $0x4;
	s26 =	sadd.s32 $0x1, s26  }
0x34c: {  	p0 =	sne.s32 s26, $0x5;
	v6 =	vperm.xlane v5, v1  }
.Ltmp10:
0x34d: {  	_ = 	snop;
	(pc) =	sbr.rel @p0 .LBB2_20-.Ltmp10, $4  }
0x34e: {  	vm2 =	veq.s32 v21, v4;
	v63 =	vmov s0;
	v5 =	vadd.f32 v5, v6  }
0x34f: {  	v6 =	vsel vm2, v24, v7;
	vm2 =	veq.s32 v63, v4  }
0x350: {  	s0 =	sand.u32 $0x3FFFFFF0, s31;
	v5 =	vsel vm2, v5, v6  }
0x351: {  	s24 =	sadd.s32 $0x400, s24;
	s25 =	sadd.s32 $0x400, s25;
	[tilespmem:s0+$0xC4E0] =	vst v5  }
0x352: {  	v5 =	vld [tilespmem:$0xC4E0];
	_ =	sdelay $0x4  }
0x353: {  	v5 =	vsub.f32 $0.0e+00, v5;
	_ =	sdelay $0x1  }
0x354: {  	v5 =	vmul.f32 $1.442695020e+00, v5;
	_ =	sdelay $0x1  }
0x355: {  	(erf) = vpow2.f32 v5;
	_ =	sdelay $0x3  }
0x356: {  	v5 =	vld [tilespmem:$0xC4F0];
	_ =	sdelay $0x4  }
0x357: {  	v5 =	vsub.f32 $0.0e+00, v5;
	v6 =	vpop (erf)  }
0x358: {  	v6 =	vadd.f32 $1.000000000e+00, v6  }
0x359: {  	v5 =	vmul.f32 $1.442695020e+00, v5  }
0x35a: {  	(erf) = vrcp.f32 v6  }
0x35b: {  	(erf) = vpow2.f32 v5;
	_ =	sdelay $0x3  }
0x35c: {  	v5 =	vld [tilespmem:$0xC500];
	_ =	sdelay $0x3  }
0x35d: {  	v6 =	vpop (erf)  }
0x35e: {  	v5 =	vsub.f32 $0.0e+00, v5;
	v7 =	vpop (erf)  }
0x35f: {  	v7 =	vadd.f32 $1.000000000e+00, v7  }
0x360: {  	v5 =	vmul.f32 $1.442695020e+00, v5  }
0x361: {  	(erf) = vrcp.f32 v7  }
0x362: {  	(erf) = vpow2.f32 v5;
	_ =	sdelay $0x3  }
0x363: {  	v5 =	vld [tilespmem:$0xC510];
	_ =	sdelay $0x3  }
0x364: {  	v7 =	vpop (erf)  }
0x365: {  	v5 =	vsub.f32 $0.0e+00, v5;
	v8 =	vpop (erf)  }
0x366: {  	v8 =	vadd.f32 $1.000000000e+00, v8  }
0x367: {  	v5 =	vmul.f32 $1.442695020e+00, v5  }
0x368: {  	(erf) = vrcp.f32 v8  }
0x369: {  	(erf) = vpow2.f32 v5;
	_ =	sdelay $0x3  }
0x36a: {  	v5 =	vld [tilespmem:$0xC520];
	_ =	sdelay $0x3  }
0x36b: {  	v8 =	vpop (erf)  }
0x36c: {  	v5 =	vsub.f32 $0.0e+00, v5;
	v9 =	vpop (erf)  }
0x36d: {  	v9 =	vadd.f32 $1.000000000e+00, v9  }
0x36e: {  	v5 =	vmul.f32 $1.442695020e+00, v5  }
0x36f: {  	(erf) = vrcp.f32 v9  }
0x370: {  	(erf) = vpow2.f32 v5;
	_ =	sdelay $0x7  }
0x371: {  	v5 =	vpop (erf)  }
0x372: {  	v63 =	vpop (erf)  }
0x373: {  	v9 =	vadd.f32 $1.000000000e+00, v63;
	_ =	sdelay $0x1  }
0x374: {  	(erf) = vrcp.f32 v9;
	_ =	sdelay $0x5  }
0x375: {  	[tilespmem:$0xC4E0] =	vst v6  }
0x376: {  	[tilespmem:$0xC4F0] =	vst v7  }
0x377: {  	s22 =	sadd.s32 $0x1, s22;
	[tilespmem:$0xC500] =	vst v8  }
0x378: {  	p0 =	sne.s32 s22, s8;
	[tilespmem:$0xC510] =	vst v5;
	v5 =	vpop (erf)  }
.Ltmp11:
0x379: {  	[tilespmem:$0xC520] =	vst v5;
	(pc) =	sbr.rel @p0 .LBB2_1-.Ltmp11, $4  }
0x37a: {  	[hbm4b:s7+s2] =	stream.linear.scatter [tilespmem:s21], [sflag:$0x3], $0x2710, $0x38;
	[tilespmem:$0xC530] =	vst v63  }
0x37b: {  	_ =	swait.ge [sflag:s9], $0x2710  }
0x37c: {  	[sflag:s9] =	ssyncset.done $0x0  }
0x37d: {  	[sflag:s9] =	ssyncadd.s32 $0xFFFFD8F0  }
0x37e: {  	_ =	sfence.sel $0x180000  }
0x37f: {  	[bflag:$0x0] =	sbarrier.arrive $0xFFFF  }
0x380: {  	_ =	strace $0x90000047  }
0x381: {  	s0 =	stileid.u32;
	[bflag:$0x2] =	sbarrier.arrive $0xFFFF  }
0x382: {  	p0 =	sne.s32 s0, $0x0;
	s0 =	rddreg [dreg:$0x3]  }
0x383: {  	s0 =	sadd.s32 @!p0 $0x100000, s0  }
0x384: {  	[sflag:s0] =	ssyncadd.tile.s32 @!p0 $0x1;
	_ =	shalt  }
.Lfunc_end2:
_tile_overlayer_lowered:
.L_overlay_start_2:
0x385: {  	(tag) =	ssettag $0x2  }
0x386: {  	s0 =	rddreg [dreg:$0x0];
	s2 =	stileid.u32  }
0x387: {  	s1 =	rddreg [dreg:$0x1];
	p0 =	sne.s32 s2, $0x0  }
0x388: {  	s3 =	rddreg [dreg:$0x2];
	[bflag:$0x3] =	sbarrier.arrive $0xFFFF;
	s2 =	simm.s32 @!p0 $0x1C03  }
0x389: {  	[timem:s3], [sflag:s2] =	dma.local @!p0 [hbm:s0], s1  }
0x38a: {  	s0 =	simm.s32 @!p0 $0x3  }
0x38b: {  	_ =	swait.ge @!p0 [sflag:s0], s1  }
0x38c: {  	s1 =	ssub.s32 @!p0 $0x0, s1;
	[sflag:s0] =	ssyncset.done @!p0 $0x0  }
0x38d: {  	[sflag:s0] =	ssyncadd.s32 @!p0 s1  }
0x38e: {  	[bflag:$0x3] =	sbarrier.arrive $0xFFFF  }
0x38f: {  	_ =	shalt  }

</sc_bundles>
